<compile_context>
chip_gen: v7x
topology: tpu7x:2x2x1
jax: 0.10.2.dev20260603
libtpu: 0.0.44.dev20260713+nightly
codegen_flags: <defaults>
</compile_context>

<pallas_src>
import jax
import jax.numpy as jnp
from jax.experimental import pallas as pl
from jax.experimental.pallas import tpu as pltpu
from jax.experimental.pallas import tpu_sc as plsc

_NA = 320000
_NE = 160000
_NR = 80000
_NDUMP = 512
_ACC = _NR + _NDUMP


_NAP = 327680
_CH = 5


def _sc_scatter_body(aggr_hbm, ji_hbm, z_hbm, out_hbm,
                     ji_v, upd_v, idx_full, acc, ld0, ld1, sc0, sc1):
    c = jax.lax.axis_index("c")
    s = jax.lax.axis_index("s")
    lo = c * _NR
    share = _ACC // 16
    gpt = (_NAP // 128) // 16
    nch = gpt // _CH
    gbase = s * gpt
    iota16 = jax.lax.iota(jnp.int32, 16)
    lds = (ld0, ld1)
    scs = (sc0, sc1)

    def issue_loads(i, b, p, with_ji):
        abase = (gbase + i * _CH) * 128
        if with_ji:
            pltpu.async_copy(ji_hbm.at[pl.ds(abase, _CH * 128)],
                             ji_v.at[b], lds[b])
        pltpu.async_copy(
            aggr_hbm.at[pl.ds(abase, _CH * 128), pl.ds(p * 16, 16)],
            upd_v.at[b], lds[b])

    def wait_loads(b, with_ji):
        if with_ji:
            pltpu.make_async_copy(ji_hbm.at[pl.ds(0, _CH * 128)],
                                  ji_v.at[b], lds[b]).wait()
        pltpu.make_async_copy(
            aggr_hbm.at[pl.ds(0, _CH * 128), pl.ds(0, 16)],
            upd_v.at[b], lds[b]).wait()

    def compute_idx(i, b):
        abase = (gbase + i * _CH) * 128

        def idxstep(k, _):
            jv = ji_v[b, pl.ds(k * 16, 16)]
            pos = abase + k * 16 + iota16
            inr = (jv >= lo) & (jv < lo + _NR)
            iv = jnp.where(inr, jv - lo, _NR + (pos & (_NDUMP - 1)))
            idx_full[i * _CH + k // 8, pl.ds((k % 8) * 16, 16)] = iv
            return 0

        jax.lax.fori_loop(0, _CH * 8, idxstep, 0)

    def issue_scatter(i, b):
        for r in range(_CH):
            pltpu.async_copy(upd_v.at[b, pl.ds(r * 128, 128)],
                             acc.at[idx_full.at[i * _CH + r]], scs[b],
                             add=True)

    def wait_scatter(i, b):
        for r in range(_CH):
            pltpu.make_async_copy(upd_v.at[b, pl.ds(r * 128, 128)],
                                  acc.at[idx_full.at[i * _CH + r]],
                                  scs[b]).wait()

    def do_pass(p, first):
        zoff = s * share
        pltpu.sync_copy(z_hbm, acc.at[pl.ds(zoff, share)])
        plsc.subcore_barrier()

        issue_loads(0, 0, p, first)

        def two_chunks(t, _):
            i0 = t * 2
            wait_loads(0, first)
            if first:
                compute_idx(i0, 0)

            @pl.when(t > 0)
            def _():
                wait_scatter(i0 - 1, 1)

            issue_loads(i0 + 1, 1, p, first)
            issue_scatter(i0, 0)

            wait_loads(1, first)
            if first:
                compute_idx(i0 + 1, 1)
            wait_scatter(i0, 0)

            @pl.when(t < nch // 2 - 1)
            def _():
                issue_loads(i0 + 2, 0, p, first)

            issue_scatter(i0 + 1, 1)
            return 0

        jax.lax.fori_loop(0, nch // 2, two_chunks, 0)
        wait_scatter(nch - 1, 1)

        plsc.subcore_barrier()
        foff = s * (_NR // 16)
        pltpu.sync_copy(acc.at[pl.ds(foff, _NR // 16)],
                        out_hbm.at[pl.ds(lo + foff, _NR // 16),
                                   pl.ds(p * 16, 16)])
        plsc.subcore_barrier()
        return 0

    do_pass(0, True)
    jax.lax.fori_loop(1, 8, lambda p, _: do_pass(p, False), 0)


def _sc_scatter(aggr, ji_idx):
    z = jnp.zeros((_ACC // 16, 16), jnp.float32)
    mesh = plsc.VectorSubcoreMesh(core_axis_name="c", subcore_axis_name="s")
    return pl.kernel(
        _sc_scatter_body,
        out_type=jax.ShapeDtypeStruct((_NE, 128), jnp.float32),
        mesh=mesh,
        compiler_params=pltpu.CompilerParams(use_tc_tiling_on_sc=False),
        scratch_types=[
            pltpu.VMEM((2, _CH * 128), jnp.int32),
            pltpu.VMEM((2, _CH * 128, 16), jnp.float32),
            pltpu.VMEM((160, 128), jnp.int32),
            pltpu.VMEM_SHARED((_ACC, 16), jnp.float32),
            pltpu.SemaphoreType.DMA,
            pltpu.SemaphoreType.DMA,
            pltpu.SemaphoreType.DMA,
            pltpu.SemaphoreType.DMA,
        ],
    )(aggr, ji_idx, z)


def _sc_gather_body(g_hbm, kj_hbm, gm_hbm, idx_v, rows_v, g0, g1, s0, s1):
    c = jax.lax.axis_index("c")
    s = jax.lax.axis_index("s")
    w = s * 2 + c
    base = w * (_NA // 32)
    gs = (g0, g1)
    ss = (s0, s1)
    nch = (_NA // 32) // 400

    def idx_load(i, b):
        pltpu.sync_copy(kj_hbm.at[pl.ds(base + i * 400, 400)], idx_v.at[b])

    def gather_start(b):
        pltpu.async_copy(g_hbm.at[idx_v.at[b]], rows_v.at[b], gs[b])

    def gather_wait(b):
        pltpu.make_async_copy(g_hbm.at[idx_v.at[b]], rows_v.at[b], gs[b]).wait()

    def store_start(i, b):
        pltpu.async_copy(rows_v.at[b], gm_hbm.at[pl.ds(base + i * 400, 400)],
                         ss[b])

    def store_wait(b):
        pltpu.make_async_copy(rows_v.at[b], gm_hbm.at[pl.ds(0, 400)],
                              ss[b]).wait()

    idx_load(0, 0)
    gather_start(0)

    def chunk2(t, _):
        i0 = t * 2
        idx_load(i0 + 1, 1)

        @pl.when(t > 0)
        def _():
            store_wait(1)

        gather_start(1)
        gather_wait(0)
        store_start(i0, 0)

        @pl.when(t < nch // 2)
        def _():
            idx_load(i0 + 2, 0)
            store_wait(0)
            gather_start(0)

        gather_wait(1)
        store_start(i0 + 1, 1)
        return 0

    jax.lax.fori_loop(0, nch // 2, chunk2, 0)
    gather_wait(0)
    store_wait(1)
    store_start(nch - 1, 0)
    store_wait(0)


def _sc_gather(g, kj_idx):
    mesh = plsc.VectorSubcoreMesh(core_axis_name="c", subcore_axis_name="s")
    return pl.kernel(
        _sc_gather_body,
        out_type=jax.ShapeDtypeStruct((_NA, 128), jnp.float32),
        mesh=mesh,
        compiler_params=pltpu.CompilerParams(use_tc_tiling_on_sc=False),
        scratch_types=[
            pltpu.VMEM((2, 400), jnp.int32),
            pltpu.VMEM((2, 400, 128), jnp.float32),
            pltpu.SemaphoreType.DMA,
            pltpu.SemaphoreType.DMA,
            pltpu.SemaphoreType.DMA,
            pltpu.SemaphoreType.DMA,
        ],
    )(g, kj_idx)


def _swish(x):
    return x * jax.nn.sigmoid(x)


def _k1_body(m_ref, e_ref, wm_ref, bm_ref, we_ref, g_ref):
    h = jnp.dot(m_ref[...], wm_ref[...], preferred_element_type=jnp.float32)
    h = _swish(h + bm_ref[...])
    ee = jnp.dot(e_ref[...], we_ref[...], preferred_element_type=jnp.float32)
    g_ref[...] = h * ee


def _k1(m_ji, e_rbf8, w_mkj, b_mkj, w_e8, eb):
    n = m_ji.shape[0]
    grid = (n // eb,)
    return pl.pallas_call(
        _k1_body,
        grid=grid,
        in_specs=[
            pl.BlockSpec((eb, 128), lambda i: (i, 0)),
            pl.BlockSpec((eb, 8), lambda i: (i, 0)),
            pl.BlockSpec((128, 128), lambda i: (0, 0)),
            pl.BlockSpec((1, 128), lambda i: (0, 0)),
            pl.BlockSpec((8, 128), lambda i: (0, 0)),
        ],
        out_specs=pl.BlockSpec((eb, 128), lambda i: (i, 0)),
        out_shape=jax.ShapeDtypeStruct((n, 128), jnp.float32),
    )(m_ji, e_rbf8, w_mkj, b_mkj.reshape(1, 128), w_e8)


def _k2_body(a_ref, gm_ref, wa_ref, wb_ref, o_ref):
    a = jnp.dot(a_ref[...], wa_ref[...], preferred_element_type=jnp.float32)
    gm = gm_ref[...]
    acc = jnp.dot(gm * a[:, 0:1], wb_ref[0], preferred_element_type=jnp.float32)
    for j in range(1, 8):
        acc = acc + jnp.dot(gm * a[:, j:j + 1], wb_ref[j],
                            preferred_element_type=jnp.float32)
    o_ref[...] = acc


def _k2(a_sbf, gm, w_a, w_bil2, wb, n):
    grid = (n // wb,)
    gmax = gm.shape[0] // wb - 1
    return pl.pallas_call(
        _k2_body,
        grid=grid,
        in_specs=[
            pl.BlockSpec((wb, 42), lambda i: (jnp.minimum(i, gmax), 0)),
            pl.BlockSpec((wb, 128), lambda i: (jnp.minimum(i, gmax), 0)),
            pl.BlockSpec((42, 8), lambda i: (0, 0)),
            pl.BlockSpec((8, 128, 128), lambda i: (0, 0, 0)),
        ],
        out_specs=pl.BlockSpec((wb, 128), lambda i: (i, 0)),
        out_shape=jax.ShapeDtypeStruct((n, 128), jnp.float32),
    )(a_sbf, gm, w_a, w_bil2)


def _k3_body(m_ref, d_ref, w_ref, b_ref, o_ref):
    m = m_ref[...]
    x = d_ref[...] + _swish(
        jnp.dot(m, w_ref[0], preferred_element_type=jnp.float32) + b_ref[0, 0])
    r = _swish(jnp.dot(x, w_ref[1], preferred_element_type=jnp.float32) + b_ref[0, 1])
    r = _swish(jnp.dot(r, w_ref[2], preferred_element_type=jnp.float32) + b_ref[0, 2])
    x = r + x
    x = _swish(jnp.dot(x, w_ref[3], preferred_element_type=jnp.float32) + b_ref[0, 3]) + m
    r = _swish(jnp.dot(x, w_ref[4], preferred_element_type=jnp.float32) + b_ref[0, 4])
    r = _swish(jnp.dot(r, w_ref[5], preferred_element_type=jnp.float32) + b_ref[0, 5])
    x = r + x
    r = _swish(jnp.dot(x, w_ref[6], preferred_element_type=jnp.float32) + b_ref[0, 6])
    r = _swish(jnp.dot(r, w_ref[7], preferred_element_type=jnp.float32) + b_ref[0, 7])
    o_ref[...] = r + x


def _k3(m_ji, directed, ws, bs, eb):
    n = m_ji.shape[0]
    grid = (n // eb,)
    return pl.pallas_call(
        _k3_body,
        grid=grid,
        in_specs=[
            pl.BlockSpec((eb, 128), lambda i: (i, 0)),
            pl.BlockSpec((eb, 128), lambda i: (i, 0)),
            pl.BlockSpec((8, 128, 128), lambda i: (0, 0, 0)),
            pl.BlockSpec((1, 8, 128), lambda i: (0, 0, 0)),
        ],
        out_specs=pl.BlockSpec((eb, 128), lambda i: (i, 0)),
        out_shape=jax.ShapeDtypeStruct((n, 128), jnp.float32),
    )(m_ji, directed, ws, bs)


def kernel(m_ji, nbr_list, angle_list, e_rbf, a_sbf, kj_idx, ji_idx,
           w_mkj, b_mkj, w_e, w_a, w_bil,
           res0_w0, res0_b0, res0_w1, res0_b1,
           res1_w0, res1_b0, res1_w1, res1_b1,
           res2_w0, res2_b0, res2_w1, res2_b1,
           w_mji, b_mji, w_post, b_post):
    n_edges = m_ji.shape[0]

    e_rbf8 = jnp.pad(e_rbf, ((0, 0), (0, 2)))
    w_e8 = jnp.pad(w_e, ((0, 2), (0, 0)))
    w_bil2 = jnp.transpose(w_bil, (1, 2, 0))

    g = _k1(m_ji, e_rbf8, w_mkj, b_mkj, w_e8, eb=1600)

    npad = _NAP - a_sbf.shape[0]
    ji_p = jnp.pad(ji_idx, (0, npad), constant_values=2**30)
    gm = _sc_gather(g, kj_idx)
    aggr = _k2(a_sbf, gm, w_a, w_bil2, wb=1280, n=_NAP)
    directed = _sc_scatter(aggr, ji_p)

    ws = jnp.stack([w_mji, res0_w0, res0_w1, w_post,
                    res1_w0, res1_w1, res2_w0, res2_w1])
    bs = jnp.stack([b_mji, res0_b0, res0_b1, b_post,
                    res1_b0, res1_b1, res2_b0, res2_b1]).reshape(1, 8, 128)
    return _k3(m_ji, directed, ws, bs, eb=1600)

# --- scband reference (transcript-rebuilt; emitter-appended) ---
"""Pipeline reference for scband-interaction-block-22737556865507 (READ-ONLY COPY).

The authoritative reference and input builder live on the scoring server;
editing this copy changes nothing except your own understanding.
"""

import jax, jax.numpy as jnp
import numpy as np

EMBED = 128
N_RBF = 6
N_SPHER = 7
L_SPHER = 6
N_BIL = 8
N_NODES = 10000
N_EDGES = 160000
N_ANGLES = 320000


def swish(x):
    return x * jax.nn.sigmoid(x)


def setup_inputs(seed: int = 0):
    key = jax.random.key(seed)
    ks = jax.random.split(key, 32)
    inp = {}
    inp["m_ji"] = jax.random.normal(ks[0], (N_EDGES, EMBED), dtype=jnp.float32)
    inp["nbr_list"] = jax.random.randint(ks[1], (N_EDGES, 2), 0, N_NODES, dtype=jnp.int32)
    inp["angle_list"] = jax.random.randint(ks[2], (N_ANGLES, 3), 0, N_EDGES, dtype=jnp.int32)
    inp["e_rbf"] = jax.random.normal(ks[3], (N_EDGES, N_RBF), dtype=jnp.float32)
    inp["a_sbf"] = jax.random.normal(ks[4], (N_ANGLES, N_SPHER * L_SPHER), dtype=jnp.float32)
    inp["kj_idx"] = jax.random.randint(ks[5], (N_ANGLES,), 0, N_EDGES, dtype=jnp.int32)
    inp["ji_idx"] = jax.random.randint(ks[6], (N_ANGLES,), 0, N_EDGES, dtype=jnp.int32)
    s = 0.05
    inp["w_mkj"] = jax.random.normal(ks[7], (EMBED, EMBED), dtype=jnp.float32) * s
    inp["b_mkj"] = jnp.zeros((EMBED,), dtype=jnp.float32)
    inp["w_e"] = jax.random.normal(ks[8], (N_RBF, EMBED), dtype=jnp.float32) * s
    inp["w_a"] = jax.random.normal(ks[9], (N_SPHER * L_SPHER, N_BIL), dtype=jnp.float32) * s
    inp["w_bil"] = jax.random.normal(ks[10], (EMBED, N_BIL, EMBED), dtype=jnp.float32) * s
    for i in range(3):
        for j in range(2):
            inp["res%d_w%d" % (i, j)] = jax.random.normal(ks[11 + 2 * i + j], (EMBED, EMBED), dtype=jnp.float32) * s
            inp["res%d_b%d" % (i, j)] = jnp.zeros((EMBED,), dtype=jnp.float32)
    inp["w_mji"] = jax.random.normal(ks[20], (EMBED, EMBED), dtype=jnp.float32) * s
    inp["b_mji"] = jnp.zeros((EMBED,), dtype=jnp.float32)
    inp["w_post"] = jax.random.normal(ks[21], (EMBED, EMBED), dtype=jnp.float32) * s
    inp["b_post"] = jnp.zeros((EMBED,), dtype=jnp.float32)
    return inp


def _res_block(x, w0, b0, w1, b1):
    r = swish(x @ w0 + b0)
    r = swish(r @ w1 + b1)
    return r + x


def reference(m_ji, nbr_list, angle_list, e_rbf, a_sbf, kj_idx, ji_idx,
              w_mkj, b_mkj, w_e, w_a, w_bil,
              res0_w0, res0_b0, res0_w1, res0_b1,
              res1_w0, res1_b0, res1_w1, res1_b1,
              res2_w0, res2_b0, res2_w1, res2_b1,
              w_mji, b_mji, w_post, b_post):
    # DirectedMessage
    e_kj = jnp.take(e_rbf, kj_idx, axis=0) @ w_e
    m_kj = swish(jnp.take(m_ji, kj_idx, axis=0) @ w_mkj + b_mkj)
    a = a_sbf @ w_a
    aggr = jnp.einsum('wj,wl,ijl->wi', a, m_kj * e_kj, w_bil)
    directed = jnp.zeros((m_ji.shape[0], m_ji.shape[1]), dtype=m_ji.dtype).at[ji_idx].add(aggr)
    # InteractionBlock body
    dense_m_ji = swish(m_ji @ w_mji + b_mji)
    out = directed + dense_m_ji
    out = swish(_res_block(out, res0_w0, res0_b0, res0_w1, res0_b1) @ w_post + b_post) + m_ji
    out = _res_block(out, res1_w0, res1_b0, res1_w1, res1_b1)
    out = _res_block(out, res2_w0, res2_b0, res2_w1, res2_b1)
    return out

if __name__ == "__main__":
    import jax
    _d = setup_inputs()
    print(jax.jit(kernel)(*tuple(_d.values())))

</pallas_src>

<mosaic_0001>
#map = affine_map<(d0, d1) -> (0, 0)>
#map1 = affine_map<(d0, d1) -> (0)>
module attributes {stable_mosaic.version = 14 : i64} {
  func.func @_sc_scatter_body(%arg0: i32, %arg1: i32, %arg2: memref<327680x128xf32, #tpu.memory_space<hbm>>, %arg3: memref<327680xi32, #tpu.memory_space<hbm>>, %arg4: memref<5032x16xf32, #tpu.memory_space<hbm>>, %arg5: memref<160000x128xf32, #tpu.memory_space<hbm>>, %arg6: memref<2x640xi32, #tpu.memory_space<vmem>>, %arg7: memref<2x640x16xf32, #tpu.memory_space<vmem>>, %arg8: memref<160x128xi32, #tpu.memory_space<vmem>>, %arg9: memref<80512x16xf32, #tpu.memory_space<vmem_shared>>, %arg10: memref<!tpu.dma_semaphore, #tpu.memory_space<semaphore_mem>>, %arg11: memref<!tpu.dma_semaphore, #tpu.memory_space<semaphore_mem>>, %arg12: memref<!tpu.dma_semaphore, #tpu.memory_space<semaphore_mem>>, %arg13: memref<!tpu.dma_semaphore, #tpu.memory_space<semaphore_mem>>) attributes {dimension_semantics = [#tpu.dimension_semantics<core_parallel>, #tpu.dimension_semantics<subcore_parallel>], iteration_bounds = array<i64: 2, 16>, scalar_prefetch = 0 : i64, scratch_operands = 8 : i64, tpu.core_type = #tpu.core_type<sc_vector_subcore>, window_params = [{transform_indices = #map}, {transform_indices = #map1}, {transform_indices = #map}, {transform_indices = #map}]} {
    %mul3A = arith.constant 80000 : i32
    %mul3A_0 = arith.muli %arg0, %mul3A : i32
    %mul3A_1 = arith.constant 160 : i32
    %mul3A_2 = arith.muli %arg1, %mul3A_1 : i32
    %iota3A = tpu.iota {dimensions = array<i32: 0>} : vector<16xi32>
    %mul3A_3 = arith.constant 5032 : i32
    %mul3A_4 = arith.muli %arg1, %mul3A_3 : i32
    "tpu.region"() ({
      %run_scoped3A = tpu.sem_alloc : memref<!tpu.dma_semaphore, #tpu.memory_space<semaphore_mem>>
      %dma_start3A_106 = arith.constant 0 : i32
      %dma_start3A_107 = tpu.memref_slice %arg9[%mul3A_4, %dma_start3A_106] : memref<80512x16xf32, #tpu.memory_space<vmem_shared>> -> memref<5032x16xf32, #tpu.memory_space<vmem_shared>>
      tpu.enqueue_dma source(%arg4 : memref<5032x16xf32, #tpu.memory_space<hbm>>) target(%dma_start3A_107 : memref<5032x16xf32, #tpu.memory_space<vmem_shared>>) target_semaphore(%run_scoped3A : memref<!tpu.dma_semaphore, #tpu.memory_space<semaphore_mem>>)
      %dma_wait3A_108 = arith.constant 0 : i32
      %dma_wait3A_109 = tpu.memref_slice %arg9[%mul3A_4, %dma_wait3A_108] : memref<80512x16xf32, #tpu.memory_space<vmem_shared>> -> memref<5032x16xf32, #tpu.memory_space<vmem_shared>>
      tpu.wait_dma2 semaphore(%run_scoped3A : memref<!tpu.dma_semaphore, #tpu.memory_space<semaphore_mem>>) src(%arg4 : memref<5032x16xf32, #tpu.memory_space<hbm>>) dst(%dma_wait3A_109 : memref<5032x16xf32, #tpu.memory_space<vmem_shared>>)
      tpu.yield
    }) : () -> ()
    %barrier3A = arith.constant 0 : index
    tpu.barrier barrier_id(%barrier3A)
    %add3A = arith.constant 0 : i32
    %add3A_5 = arith.addi %mul3A_2, %add3A : i32
    %mul3A_6 = arith.constant 128 : i32
    %mul3A_7 = arith.muli %add3A_5, %mul3A_6 : i32
    %dma_start3A = arith.constant 0 : i32
    %dma_start3A_8 = arith.constant 0 : i32
    %dma_start3A_9 = tpu.memref_slice %arg6[%dma_start3A, %dma_start3A_8] : memref<2x640xi32, #tpu.memory_space<vmem>> -> memref<1x640xi32, #tpu.memory_space<vmem>>
    %dma_start3A_10 = tpu.memref_squeeze %dma_start3A_9 : memref<1x640xi32, #tpu.memory_space<vmem>> -> memref<640xi32, #tpu.memory_space<vmem>>
    %dma_start3A_11 = tpu.memref_slice %arg3[%mul3A_7] : memref<327680xi32, #tpu.memory_space<hbm>> -> memref<640xi32, #tpu.memory_space<hbm>>
    %dma_start3A_12 = arith.constant 0 : i32
    %dma_start3A_13 = tpu.memref_slice %arg6[%dma_start3A, %dma_start3A_12] : memref<2x640xi32, #tpu.memory_space<vmem>> -> memref<1x640xi32, #tpu.memory_space<vmem>>
    %dma_start3A_14 = tpu.memref_squeeze %dma_start3A_13 : memref<1x640xi32, #tpu.memory_space<vmem>> -> memref<640xi32, #tpu.memory_space<vmem>>
    %dma_start3A_15 = tpu.memref_slice %arg3[%mul3A_7] : memref<327680xi32, #tpu.memory_space<hbm>> -> memref<640xi32, #tpu.memory_space<hbm>>
    tpu.enqueue_dma source(%dma_start3A_15 : memref<640xi32, #tpu.memory_space<hbm>>) target(%dma_start3A_14 : memref<640xi32, #tpu.memory_space<vmem>>) target_semaphore(%arg10 : memref<!tpu.dma_semaphore, #tpu.memory_space<semaphore_mem>>)
    %dma_start3A_16 = arith.constant 0 : i32
    %dma_start3A_17 = arith.constant 0 : i32
    %dma_start3A_18 = arith.constant 0 : i32
    %dma_start3A_19 = tpu.memref_slice %arg7[%dma_start3A_16, %dma_start3A_17, %dma_start3A_18] : memref<2x640x16xf32, #tpu.memory_space<vmem>> -> memref<1x640x16xf32, #tpu.memory_space<vmem>>
    %dma_start3A_20 = tpu.memref_squeeze %dma_start3A_19 : memref<1x640x16xf32, #tpu.memory_space<vmem>> -> memref<640x16xf32, #tpu.memory_space<vmem>>
    %dma_start3A_21 = arith.constant 0 : i32
    %dma_start3A_22 = tpu.memref_slice %arg2[%mul3A_7, %dma_start3A_21] : memref<327680x128xf32, #tpu.memory_space<hbm>> -> memref<640x16xf32, #tpu.memory_space<hbm>>
    %dma_start3A_23 = arith.constant 0 : i32
    %dma_start3A_24 = arith.constant 0 : i32
    %dma_start3A_25 = tpu.memref_slice %arg7[%dma_start3A_16, %dma_start3A_23, %dma_start3A_24] : memref<2x640x16xf32, #tpu.memory_space<vmem>> -> memref<1x640x16xf32, #tpu.memory_space<vmem>>
    %dma_start3A_26 = tpu.memref_squeeze %dma_start3A_25 : memref<1x640x16xf32, #tpu.memory_space<vmem>> -> memref<640x16xf32, #tpu.memory_space<vmem>>
    %dma_start3A_27 = arith.constant 0 : i32
    %dma_start3A_28 = tpu.memref_slice %arg2[%mul3A_7, %dma_start3A_27] : memref<327680x128xf32, #tpu.memory_space<hbm>> -> memref<640x16xf32, #tpu.memory_space<hbm>>
    tpu.enqueue_dma source(%dma_start3A_28 : memref<640x16xf32, #tpu.memory_space<hbm>>) target(%dma_start3A_26 : memref<640x16xf32, #tpu.memory_space<vmem>>) target_semaphore(%arg10 : memref<!tpu.dma_semaphore, #tpu.memory_space<semaphore_mem>>)
    %scan3A = arith.constant 0 : i32
    %scan3A_29 = arith.constant 0 : i32
    %scan3A_30 = arith.constant 16 : i32
    %scan3A_31 = arith.addi %scan3A_29, %scan3A_30 : i32
    %scan3A_32 = arith.constant 1 : i32
    %scan3A_33 = scf.for %scan3A_106 = %scan3A_29 to %scan3A_31 step %scan3A_32 iter_args(%scan3A_107 = %scan3A) -> (i32)  : i32 {
      %mul3A_108 = arith.constant 2 : i32
      %mul3A_109 = arith.muli %scan3A_106, %mul3A_108 : i32
      %dma_wait3A_110 = arith.constant 0 : i32
      %dma_wait3A_111 = arith.constant 0 : i32
      %dma_wait3A_112 = tpu.memref_slice %arg6[%dma_wait3A_110, %dma_wait3A_111] : memref<2x640xi32, #tpu.memory_space<vmem>> -> memref<1x640xi32, #tpu.memory_space<vmem>>
      %dma_wait3A_113 = tpu.memref_squeeze %dma_wait3A_112 : memref<1x640xi32, #tpu.memory_space<vmem>> -> memref<640xi32, #tpu.memory_space<vmem>>
      %dma_wait3A_114 = arith.constant 0 : i32
      %dma_wait3A_115 = tpu.memref_slice %arg3[%dma_wait3A_114] : memref<327680xi32, #tpu.memory_space<hbm>> -> memref<640xi32, #tpu.memory_space<hbm>>
      %dma_wait3A_116 = arith.constant 0 : i32
      %dma_wait3A_117 = tpu.memref_slice %arg6[%dma_wait3A_110, %dma_wait3A_116] : memref<2x640xi32, #tpu.memory_space<vmem>> -> memref<1x640xi32, #tpu.memory_space<vmem>>
      %dma_wait3A_118 = tpu.memref_squeeze %dma_wait3A_117 : memref<1x640xi32, #tpu.memory_space<vmem>> -> memref<640xi32, #tpu.memory_space<vmem>>
      %dma_wait3A_119 = arith.constant 0 : i32
      %dma_wait3A_120 = tpu.memref_slice %arg3[%dma_wait3A_119] : memref<327680xi32, #tpu.memory_space<hbm>> -> memref<640xi32, #tpu.memory_space<hbm>>
      tpu.wait_dma2 semaphore(%arg10 : memref<!tpu.dma_semaphore, #tpu.memory_space<semaphore_mem>>) src(%dma_wait3A_120 : memref<640xi32, #tpu.memory_space<hbm>>) dst(%dma_wait3A_118 : memref<640xi32, #tpu.memory_space<vmem>>)
      %dma_wait3A_121 = arith.constant 0 : i32
      %dma_wait3A_122 = arith.constant 0 : i32
      %dma_wait3A_123 = arith.constant 0 : i32
      %dma_wait3A_124 = tpu.memref_slice %arg7[%dma_wait3A_121, %dma_wait3A_122, %dma_wait3A_123] : memref<2x640x16xf32, #tpu.memory_space<vmem>> -> memref<1x640x16xf32, #tpu.memory_space<vmem>>
      %dma_wait3A_125 = tpu.memref_squeeze %dma_wait3A_124 : memref<1x640x16xf32, #tpu.memory_space<vmem>> -> memref<640x16xf32, #tpu.memory_space<vmem>>
      %dma_wait3A_126 = arith.constant 0 : i32
      %dma_wait3A_127 = arith.constant 0 : i32
      %dma_wait3A_128 = tpu.memref_slice %arg2[%dma_wait3A_126, %dma_wait3A_127] : memref<327680x128xf32, #tpu.memory_space<hbm>> -> memref<640x16xf32, #tpu.memory_space<hbm>>
      %dma_wait3A_129 = arith.constant 0 : i32
      %dma_wait3A_130 = arith.constant 0 : i32
      %dma_wait3A_131 = tpu.memref_slice %arg7[%dma_wait3A_121, %dma_wait3A_129, %dma_wait3A_130] : memref<2x640x16xf32, #tpu.memory_space<vmem>> -> memref<1x640x16xf32, #tpu.memory_space<vmem>>
      %dma_wait3A_132 = tpu.memref_squeeze %dma_wait3A_131 : memref<1x640x16xf32, #tpu.memory_space<vmem>> -> memref<640x16xf32, #tpu.memory_space<vmem>>
      %dma_wait3A_133 = arith.constant 0 : i32
      %dma_wait3A_134 = arith.constant 0 : i32
      %dma_wait3A_135 = tpu.memref_slice %arg2[%dma_wait3A_133, %dma_wait3A_134] : memref<327680x128xf32, #tpu.memory_space<hbm>> -> memref<640x16xf32, #tpu.memory_space<hbm>>
      tpu.wait_dma2 semaphore(%arg10 : memref<!tpu.dma_semaphore, #tpu.memory_space<semaphore_mem>>) src(%dma_wait3A_135 : memref<640x16xf32, #tpu.memory_space<hbm>>) dst(%dma_wait3A_132 : memref<640x16xf32, #tpu.memory_space<vmem>>)
      %mul3A_136 = arith.constant 5 : i32
      %mul3A_137 = arith.muli %mul3A_109, %mul3A_136 : i32
      %add3A_138 = arith.addi %mul3A_2, %mul3A_137 : i32
      %mul3A_139 = arith.constant 128 : i32
      %mul3A_140 = arith.muli %add3A_138, %mul3A_139 : i32
      %scan3A_141 = arith.constant 0 : i32
      %scan3A_142 = arith.constant 0 : i32
      %scan3A_143 = arith.constant 40 : i32
      %scan3A_144 = arith.addi %scan3A_142, %scan3A_143 : i32
      %scan3A_145 = arith.constant 1 : i32
      %scan3A_146 = scf.for %scan3A_451 = %scan3A_142 to %scan3A_144 step %scan3A_145 iter_args(%scan3A_452 = %scan3A_141) -> (i32)  : i32 {
        %mul3A_453 = arith.constant 16 : i32
        %mul3A_454 = arith.muli %scan3A_451, %mul3A_453 : i32
        %get3A = arith.constant 0 : i32
        %get3A_455 = arith.index_cast %get3A : i32 to index
        %get3A_456 = arith.index_cast %mul3A_454 : i32 to index
        %get3A_457 = tpu.vector_load %arg6[%get3A_455, %get3A_456] {strides = array<i32>} : memref<2x640xi32, #tpu.memory_space<vmem>>, vector<1x16xi32>,
        %get3A_458 = vector.shape_cast %get3A_457 : vector<1x16xi32> to vector<16xi32>
        %mul3A_459 = arith.constant 16 : i32
        %mul3A_460 = arith.muli %scan3A_451, %mul3A_459 : i32
        %add3A_461 = arith.addi %mul3A_140, %mul3A_460 : i32
        %add3A_462 = vector.broadcast %add3A_461 : i32 to vector<16xi32>
        %add3A_463 = arith.addi %add3A_462, %iota3A : vector<16xi32>
        %ge3A = vector.broadcast %mul3A_0 : i32 to vector<16xi32>
        %ge3A_464 = arith.cmpi sge, %get3A_458, %ge3A : vector<16xi32>
        %add3A_465 = arith.constant 80000 : i32
        %add3A_466 = arith.addi %mul3A_0, %add3A_465 : i32
        %lt3A_467 = vector.broadcast %add3A_466 : i32 to vector<16xi32>
        %lt3A_468 = arith.cmpi slt, %get3A_458, %lt3A_467 : vector<16xi32>
        %and3A = arith.andi %ge3A_464, %lt3A_468 : vector<16xi1>
        %sub3A = vector.broadcast %mul3A_0 : i32 to vector<16xi32>
        %sub3A_469 = arith.subi %get3A_458, %sub3A : vector<16xi32>
        %and3A_470 = arith.constant 511 : i32
        %and3A_471 = vector.broadcast %and3A_470 : i32 to vector<16xi32>
        %and3A_472 = arith.andi %add3A_463, %and3A_471 : vector<16xi32>
        %add3A_473 = arith.constant 80000 : i32
        %add3A_474 = vector.broadcast %add3A_473 : i32 to vector<16xi32>
        %add3A_475 = arith.addi %add3A_474, %and3A_472 : vector<16xi32>
        %select_n3A = arith.select %and3A, %sub3A_469, %add3A_475 : vector<16xi1>, vector<16xi32>
        %mul3A_476 = arith.constant 5 : i32
        %mul3A_477 = arith.muli %mul3A_109, %mul3A_476 : i32
        %jit3A = arith.constant 8 : i32
        %div3A = arith.divsi %scan3A_451, %jit3A : i32
        %sign3A = arith.constant 0 : i32
        %sign3A_478 = arith.cmpi sgt, %scan3A_451, %sign3A : i32
        %sign3A_479 = arith.extui %sign3A_478 : i1 to i32
        %sign3A_480 = arith.constant 0 : i32
        %sign3A_481 = arith.cmpi slt, %scan3A_451, %sign3A_480 : i32
        %sign3A_482 = arith.extui %sign3A_481 : i1 to i32
        %sign3A_483 = arith.subi %sign3A_479, %sign3A_482 : i32
        %sign3A_484 = arith.constant 0 : i32
        %sign3A_485 = arith.cmpi sgt, %jit3A, %sign3A_484 : i32
        %sign3A_486 = arith.extui %sign3A_485 : i1 to i32
        %sign3A_487 = arith.constant 0 : i32
        %sign3A_488 = arith.cmpi slt, %jit3A, %sign3A_487 : i32
        %sign3A_489 = arith.extui %sign3A_488 : i1 to i32
        %sign3A_490 = arith.subi %sign3A_486, %sign3A_489 : i32
        %ne3A = arith.cmpi ne, %sign3A_483, %sign3A_490 : i32
        %rem3A = arith.remsi %scan3A_451, %jit3A : i32
        %ne3A_491 = arith.constant 0 : i32
        %ne3A_492 = arith.cmpi ne, %rem3A, %ne3A_491 : i32
        %and3A_493 = arith.andi %ne3A, %ne3A_492 : i1
        %sub3A_494 = arith.constant 1 : i32
        %sub3A_495 = arith.subi %div3A, %sub3A_494 : i32
        %select_n3A_496 = arith.select %and3A_493, %sub3A_495, %div3A : i32
        %add3A_497 = arith.addi %mul3A_477, %select_n3A_496 : i32
        %jit3A_498 = arith.constant 8 : i32
        %eq3A = arith.constant 0 : i32
        %eq3A_499 = arith.cmpi eq, %jit3A_498, %eq3A : i32
        %jit3A_500 = arith.constant 1 : i32
        %select_n3A_501 = arith.select %eq3A_499, %jit3A_500, %jit3A_498 : i32
        %rem3A_502 = arith.remsi %scan3A_451, %select_n3A_501 : i32
        %ne3A_503 = arith.constant 0 : i32
        %ne3A_504 = arith.cmpi ne, %rem3A_502, %ne3A_503 : i32
        %lt3A_505 = arith.constant 0 : i32
        %lt3A_506 = arith.cmpi slt, %rem3A_502, %lt3A_505 : i32
        %lt3A_507 = arith.constant 0 : i32
        %lt3A_508 = arith.cmpi slt, %select_n3A_501, %lt3A_507 : i32
        %ne3A_509 = arith.xori %lt3A_506, %lt3A_508 : i1
        %and3A_510 = arith.andi %ne3A_509, %ne3A_504 : i1
        %add3A_511 = arith.addi %rem3A_502, %select_n3A_501 : i32
        %select_n3A_512 = arith.select %and3A_510, %add3A_511, %rem3A_502 : i32
        %mul3A_513 = arith.constant 16 : i32
        %mul3A_514 = arith.muli %select_n3A_512, %mul3A_513 : i32
        %swap3A = arith.index_cast %add3A_497 : i32 to index
        %swap3A_515 = arith.index_cast %mul3A_514 : i32 to index
        %swap3A_516 = tpu.vector_load %arg8[%swap3A, %swap3A_515] {strides = array<i32>} : memref<160x128xi32, #tpu.memory_space<vmem>>, vector<1x16xi32>,
        %swap3A_517 = vector.shape_cast %swap3A_516 : vector<1x16xi32> to vector<16xi32>
        %swap3A_518 = vector.shape_cast %select_n3A : vector<16xi32> to vector<1x16xi32>
        tpu.vector_store %arg8[%swap3A, %swap3A_515], %swap3A_518 {strides = array<i32>} : memref<160x128xi32, #tpu.memory_space<vmem>>, vector<1x16xi32>,
        %scan3A_519 = arith.constant 0 : i32
        scf.yield %scan3A_519 : i32
      }
      %scan3A_147 = arith.constant 40 : i32
      %gt3A = arith.constant 0 : i32
      %gt3A_148 = arith.cmpi sgt, %scan3A_106, %gt3A : i32
      %convert_element_type3A = arith.extui %gt3A_148 : i1 to i32
      %cond3A = arith.constant 0 : i32
      %cond3A_149 = arith.cmpi ne, %convert_element_type3A, %cond3A : i32
      scf.if %cond3A_149 {
        %sub3A = arith.constant 1 : i32
        %sub3A_451 = arith.subi %mul3A_109, %sub3A : i32
        %mul3A_452 = arith.constant 5 : i32
        %mul3A_453 = arith.muli %sub3A_451, %mul3A_452 : i32
        %add3A_454 = arith.constant 0 : i32
        %add3A_455 = arith.addi %mul3A_453, %add3A_454 : i32
        %dma_wait3A_456 = arith.constant 1 : i32
        %dma_wait3A_457 = arith.constant 0 : i32
        %dma_wait3A_458 = arith.constant 0 : i32
        %dma_wait3A_459 = tpu.memref_slice %arg7[%dma_wait3A_456, %dma_wait3A_457, %dma_wait3A_458] : memref<2x640x16xf32, #tpu.memory_space<vmem>> -> memref<1x128x16xf32, #tpu.memory_space<vmem>>
        %dma_wait3A_460 = tpu.memref_squeeze %dma_wait3A_459 : memref<1x128x16xf32, #tpu.memory_space<vmem>> -> memref<128x16xf32, #tpu.memory_space<vmem>>
        %dma_wait3A_461 = arith.constant 0 : i32
        %dma_wait3A_462 = tpu.memref_slice %arg8[%add3A_455, %dma_wait3A_461] : memref<160x128xi32, #tpu.memory_space<vmem>> -> memref<1x128xi32, #tpu.memory_space<vmem>>
        %dma_wait3A_463 = tpu.memref_squeeze %dma_wait3A_462 : memref<1x128xi32, #tpu.memory_space<vmem>> -> memref<128xi32, #tpu.memory_space<vmem>>
        %dma_wait3A_464 = arith.constant 0 : i32
        %dma_wait3A_465 = arith.constant 0 : i32
        %dma_wait3A_466 = tpu.memref_slice %arg9[%dma_wait3A_464, %dma_wait3A_465] : memref<80512x16xf32, #tpu.memory_space<vmem_shared>> -> memref<80512x16xf32, #tpu.memory_space<vmem_shared>>
        tpu.wait_indirect_dma semaphore(%arg13 : memref<!tpu.dma_semaphore, #tpu.memory_space<semaphore_mem>>) src(%dma_wait3A_460 : memref<128x16xf32, #tpu.memory_space<vmem>>) dst(%dma_wait3A_466 : memref<80512x16xf32, #tpu.memory_space<vmem_shared>>)
        %mul3A_467 = arith.constant 5 : i32
        %mul3A_468 = arith.muli %sub3A_451, %mul3A_467 : i32
        %add3A_469 = arith.constant 1 : i32
        %add3A_470 = arith.addi %mul3A_468, %add3A_469 : i32
        %dma_wait3A_471 = arith.constant 1 : i32
        %dma_wait3A_472 = arith.constant 128 : i32
        %dma_wait3A_473 = arith.constant 0 : i32
        %dma_wait3A_474 = tpu.memref_slice %arg7[%dma_wait3A_471, %dma_wait3A_472, %dma_wait3A_473] : memref<2x640x16xf32, #tpu.memory_space<vmem>> -> memref<1x128x16xf32, #tpu.memory_space<vmem>>
        %dma_wait3A_475 = tpu.memref_squeeze %dma_wait3A_474 : memref<1x128x16xf32, #tpu.memory_space<vmem>> -> memref<128x16xf32, #tpu.memory_space<vmem>>
        %dma_wait3A_476 = arith.constant 0 : i32
        %dma_wait3A_477 = tpu.memref_slice %arg8[%add3A_470, %dma_wait3A_476] : memref<160x128xi32, #tpu.memory_space<vmem>> -> memref<1x128xi32, #tpu.memory_space<vmem>>
        %dma_wait3A_478 = tpu.memref_squeeze %dma_wait3A_477 : memref<1x128xi32, #tpu.memory_space<vmem>> -> memref<128xi32, #tpu.memory_space<vmem>>
        %dma_wait3A_479 = arith.constant 0 : i32
        %dma_wait3A_480 = arith.constant 0 : i32
        %dma_wait3A_481 = tpu.memref_slice %arg9[%dma_wait3A_479, %dma_wait3A_480] : memref<80512x16xf32, #tpu.memory_space<vmem_shared>> -> memref<80512x16xf32, #tpu.memory_space<vmem_shared>>
        tpu.wait_indirect_dma semaphore(%arg13 : memref<!tpu.dma_semaphore, #tpu.memory_space<semaphore_mem>>) src(%dma_wait3A_475 : memref<128x16xf32, #tpu.memory_space<vmem>>) dst(%dma_wait3A_481 : memref<80512x16xf32, #tpu.memory_space<vmem_shared>>)
        %mul3A_482 = arith.constant 5 : i32
        %mul3A_483 = arith.muli %sub3A_451, %mul3A_482 : i32
        %add3A_484 = arith.constant 2 : i32
        %add3A_485 = arith.addi %mul3A_483, %add3A_484 : i32
        %dma_wait3A_486 = arith.constant 1 : i32
        %dma_wait3A_487 = arith.constant 256 : i32
        %dma_wait3A_488 = arith.constant 0 : i32
        %dma_wait3A_489 = tpu.memref_slice %arg7[%dma_wait3A_486, %dma_wait3A_487, %dma_wait3A_488] : memref<2x640x16xf32, #tpu.memory_space<vmem>> -> memref<1x128x16xf32, #tpu.memory_space<vmem>>
        %dma_wait3A_490 = tpu.memref_squeeze %dma_wait3A_489 : memref<1x128x16xf32, #tpu.memory_space<vmem>> -> memref<128x16xf32, #tpu.memory_space<vmem>>
        %dma_wait3A_491 = arith.constant 0 : i32
        %dma_wait3A_492 = tpu.memref_slice %arg8[%add3A_485, %dma_wait3A_491] : memref<160x128xi32, #tpu.memory_space<vmem>> -> memref<1x128xi32, #tpu.memory_space<vmem>>
        %dma_wait3A_493 = tpu.memref_squeeze %dma_wait3A_492 : memref<1x128xi32, #tpu.memory_space<vmem>> -> memref<128xi32, #tpu.memory_space<vmem>>
        %dma_wait3A_494 = arith.constant 0 : i32
        %dma_wait3A_495 = arith.constant 0 : i32
        %dma_wait3A_496 = tpu.memref_slice %arg9[%dma_wait3A_494, %dma_wait3A_495] : memref<80512x16xf32, #tpu.memory_space<vmem_shared>> -> memref<80512x16xf32, #tpu.memory_space<vmem_shared>>
        tpu.wait_indirect_dma semaphore(%arg13 : memref<!tpu.dma_semaphore, #tpu.memory_space<semaphore_mem>>) src(%dma_wait3A_490 : memref<128x16xf32, #tpu.memory_space<vmem>>) dst(%dma_wait3A_496 : memref<80512x16xf32, #tpu.memory_space<vmem_shared>>)
        %mul3A_497 = arith.constant 5 : i32
        %mul3A_498 = arith.muli %sub3A_451, %mul3A_497 : i32
        %add3A_499 = arith.constant 3 : i32
        %add3A_500 = arith.addi %mul3A_498, %add3A_499 : i32
        %dma_wait3A_501 = arith.constant 1 : i32
        %dma_wait3A_502 = arith.constant 384 : i32
        %dma_wait3A_503 = arith.constant 0 : i32
        %dma_wait3A_504 = tpu.memref_slice %arg7[%dma_wait3A_501, %dma_wait3A_502, %dma_wait3A_503] : memref<2x640x16xf32, #tpu.memory_space<vmem>> -> memref<1x128x16xf32, #tpu.memory_space<vmem>>
        %dma_wait3A_505 = tpu.memref_squeeze %dma_wait3A_504 : memref<1x128x16xf32, #tpu.memory_space<vmem>> -> memref<128x16xf32, #tpu.memory_space<vmem>>
        %dma_wait3A_506 = arith.constant 0 : i32
        %dma_wait3A_507 = tpu.memref_slice %arg8[%add3A_500, %dma_wait3A_506] : memref<160x128xi32, #tpu.memory_space<vmem>> -> memref<1x128xi32, #tpu.memory_space<vmem>>
        %dma_wait3A_508 = tpu.memref_squeeze %dma_wait3A_507 : memref<1x128xi32, #tpu.memory_space<vmem>> -> memref<128xi32, #tpu.memory_space<vmem>>
        %dma_wait3A_509 = arith.constant 0 : i32
        %dma_wait3A_510 = arith.constant 0 : i32
        %dma_wait3A_511 = tpu.memref_slice %arg9[%dma_wait3A_509, %dma_wait3A_510] : memref<80512x16xf32, #tpu.memory_space<vmem_shared>> -> memref<80512x16xf32, #tpu.memory_space<vmem_shared>>
        tpu.wait_indirect_dma semaphore(%arg13 : memref<!tpu.dma_semaphore, #tpu.memory_space<semaphore_mem>>) src(%dma_wait3A_505 : memref<128x16xf32, #tpu.memory_space<vmem>>) dst(%dma_wait3A_511 : memref<80512x16xf32, #tpu.memory_space<vmem_shared>>)
        %mul3A_512 = arith.constant 5 : i32
        %mul3A_513 = arith.muli %sub3A_451, %mul3A_512 : i32
        %add3A_514 = arith.constant 4 : i32
        %add3A_515 = arith.addi %mul3A_513, %add3A_514 : i32
        %dma_wait3A_516 = arith.constant 1 : i32
        %dma_wait3A_517 = arith.constant 512 : i32
        %dma_wait3A_518 = arith.constant 0 : i32
        %dma_wait3A_519 = tpu.memref_slice %arg7[%dma_wait3A_516, %dma_wait3A_517, %dma_wait3A_518] : memref<2x640x16xf32, #tpu.memory_space<vmem>> -> memref<1x128x16xf32, #tpu.memory_space<vmem>>
        %dma_wait3A_520 = tpu.memref_squeeze %dma_wait3A_519 : memref<1x128x16xf32, #tpu.memory_space<vmem>> -> memref<128x16xf32, #tpu.memory_space<vmem>>
        %dma_wait3A_521 = arith.constant 0 : i32
        %dma_wait3A_522 = tpu.memref_slice %arg8[%add3A_515, %dma_wait3A_521] : memref<160x128xi32, #tpu.memory_space<vmem>> -> memref<1x128xi32, #tpu.memory_space<vmem>>
        %dma_wait3A_523 = tpu.memref_squeeze %dma_wait3A_522 : memref<1x128xi32, #tpu.memory_space<vmem>> -> memref<128xi32, #tpu.memory_space<vmem>>
        %dma_wait3A_524 = arith.constant 0 : i32
        %dma_wait3A_525 = arith.constant 0 : i32
        %dma_wait3A_526 = tpu.memref_slice %arg9[%dma_wait3A_524, %dma_wait3A_525] : memref<80512x16xf32, #tpu.memory_space<vmem_shared>> -> memref<80512x16xf32, #tpu.memory_space<vmem_shared>>
        tpu.wait_indirect_dma semaphore(%arg13 : memref<!tpu.dma_semaphore, #tpu.memory_space<semaphore_mem>>) src(%dma_wait3A_520 : memref<128x16xf32, #tpu.memory_space<vmem>>) dst(%dma_wait3A_526 : memref<80512x16xf32, #tpu.memory_space<vmem_shared>>)
      } else {
      }
      %add3A_150 = arith.constant 1 : i32
      %add3A_151 = arith.addi %mul3A_109, %add3A_150 : i32
      %mul3A_152 = arith.constant 5 : i32
      %mul3A_153 = arith.muli %add3A_151, %mul3A_152 : i32
      %add3A_154 = arith.addi %mul3A_2, %mul3A_153 : i32
      %mul3A_155 = arith.constant 128 : i32
      %mul3A_156 = arith.muli %add3A_154, %mul3A_155 : i32
      %dma_start3A_157 = arith.constant 1 : i32
      %dma_start3A_158 = arith.constant 0 : i32
      %dma_start3A_159 = tpu.memref_slice %arg6[%dma_start3A_157, %dma_start3A_158] : memref<2x640xi32, #tpu.memory_space<vmem>> -> memref<1x640xi32, #tpu.memory_space<vmem>>
      %dma_start3A_160 = tpu.memref_squeeze %dma_start3A_159 : memref<1x640xi32, #tpu.memory_space<vmem>> -> memref<640xi32, #tpu.memory_space<vmem>>
      %dma_start3A_161 = tpu.memref_slice %arg3[%mul3A_156] : memref<327680xi32, #tpu.memory_space<hbm>> -> memref<640xi32, #tpu.memory_space<hbm>>
      %dma_start3A_162 = arith.constant 0 : i32
      %dma_start3A_163 = tpu.memref_slice %arg6[%dma_start3A_157, %dma_start3A_162] : memref<2x640xi32, #tpu.memory_space<vmem>> -> memref<1x640xi32, #tpu.memory_space<vmem>>
      %dma_start3A_164 = tpu.memref_squeeze %dma_start3A_163 : memref<1x640xi32, #tpu.memory_space<vmem>> -> memref<640xi32, #tpu.memory_space<vmem>>
      %dma_start3A_165 = tpu.memref_slice %arg3[%mul3A_156] : memref<327680xi32, #tpu.memory_space<hbm>> -> memref<640xi32, #tpu.memory_space<hbm>>
      tpu.enqueue_dma source(%dma_start3A_165 : memref<640xi32, #tpu.memory_space<hbm>>) target(%dma_start3A_164 : memref<640xi32, #tpu.memory_space<vmem>>) target_semaphore(%arg11 : memref<!tpu.dma_semaphore, #tpu.memory_space<semaphore_mem>>)
      %dma_start3A_166 = arith.constant 1 : i32
      %dma_start3A_167 = arith.constant 0 : i32
      %dma_start3A_168 = arith.constant 0 : i32
      %dma_start3A_169 = tpu.memref_slice %arg7[%dma_start3A_166, %dma_start3A_167, %dma_start3A_168] : memref<2x640x16xf32, #tpu.memory_space<vmem>> -> memref<1x640x16xf32, #tpu.memory_space<vmem>>
      %dma_start3A_170 = tpu.memref_squeeze %dma_start3A_169 : memref<1x640x16xf32, #tpu.memory_space<vmem>> -> memref<640x16xf32, #tpu.memory_space<vmem>>
      %dma_start3A_171 = arith.constant 0 : i32
      %dma_start3A_172 = tpu.memref_slice %arg2[%mul3A_156, %dma_start3A_171] : memref<327680x128xf32, #tpu.memory_space<hbm>> -> memref<640x16xf32, #tpu.memory_space<hbm>>
      %dma_start3A_173 = arith.constant 0 : i32
      %dma_start3A_174 = arith.constant 0 : i32
      %dma_start3A_175 = tpu.memref_slice %arg7[%dma_start3A_166, %dma_start3A_173, %dma_start3A_174] : memref<2x640x16xf32, #tpu.memory_space<vmem>> -> memref<1x640x16xf32, #tpu.memory_space<vmem>>
      %dma_start3A_176 = tpu.memref_squeeze %dma_start3A_175 : memref<1x640x16xf32, #tpu.memory_space<vmem>> -> memref<640x16xf32, #tpu.memory_space<vmem>>
      %dma_start3A_177 = arith.constant 0 : i32
      %dma_start3A_178 = tpu.memref_slice %arg2[%mul3A_156, %dma_start3A_177] : memref<327680x128xf32, #tpu.memory_space<hbm>> -> memref<640x16xf32, #tpu.memory_space<hbm>>
      tpu.enqueue_dma source(%dma_start3A_178 : memref<640x16xf32, #tpu.memory_space<hbm>>) target(%dma_start3A_176 : memref<640x16xf32, #tpu.memory_space<vmem>>) target_semaphore(%arg11 : memref<!tpu.dma_semaphore, #tpu.memory_space<semaphore_mem>>)
      %mul3A_179 = arith.constant 5 : i32
      %mul3A_180 = arith.muli %mul3A_109, %mul3A_179 : i32
      %add3A_181 = arith.constant 0 : i32
      %add3A_182 = arith.addi %mul3A_180, %add3A_181 : i32
      %dma_start3A_183 = arith.constant 0 : i32
      %dma_start3A_184 = arith.constant 0 : i32
      %dma_start3A_185 = arith.constant 0 : i32
      %dma_start3A_186 = tpu.memref_slice %arg7[%dma_start3A_183, %dma_start3A_184, %dma_start3A_185] : memref<2x640x16xf32, #tpu.memory_space<vmem>> -> memref<1x128x16xf32, #tpu.memory_space<vmem>>
      %dma_start3A_187 = tpu.memref_squeeze %dma_start3A_186 : memref<1x128x16xf32, #tpu.memory_space<vmem>> -> memref<128x16xf32, #tpu.memory_space<vmem>>
      %dma_start3A_188 = arith.constant 0 : i32
      %dma_start3A_189 = tpu.memref_slice %arg8[%add3A_182, %dma_start3A_188] : memref<160x128xi32, #tpu.memory_space<vmem>> -> memref<1x128xi32, #tpu.memory_space<vmem>>
      %dma_start3A_190 = tpu.memref_squeeze %dma_start3A_189 : memref<1x128xi32, #tpu.memory_space<vmem>> -> memref<128xi32, #tpu.memory_space<vmem>>
      %dma_start3A_191 = arith.constant 0 : i32
      %dma_start3A_192 = arith.constant 0 : i32
      %dma_start3A_193 = tpu.memref_slice %arg9[%dma_start3A_191, %dma_start3A_192] : memref<80512x16xf32, #tpu.memory_space<vmem_shared>> -> memref<80512x16xf32, #tpu.memory_space<vmem_shared>>
      tpu.enqueue_indirect_dma source(%dma_start3A_187 : memref<128x16xf32, #tpu.memory_space<vmem>>) target(%dma_start3A_193 : memref<80512x16xf32, #tpu.memory_space<vmem_shared>>) offsets(%dma_start3A_190 : memref<128xi32, #tpu.memory_space<vmem>>) semaphore(%arg12 : memref<!tpu.dma_semaphore, #tpu.memory_space<semaphore_mem>>) {add = true}
      %mul3A_194 = arith.constant 5 : i32
      %mul3A_195 = arith.muli %mul3A_109, %mul3A_194 : i32
      %add3A_196 = arith.constant 1 : i32
      %add3A_197 = arith.addi %mul3A_195, %add3A_196 : i32
      %dma_start3A_198 = arith.constant 0 : i32
      %dma_start3A_199 = arith.constant 128 : i32
      %dma_start3A_200 = arith.constant 0 : i32
      %dma_start3A_201 = tpu.memref_slice %arg7[%dma_start3A_198, %dma_start3A_199, %dma_start3A_200] : memref<2x640x16xf32, #tpu.memory_space<vmem>> -> memref<1x128x16xf32, #tpu.memory_space<vmem>>
      %dma_start3A_202 = tpu.memref_squeeze %dma_start3A_201 : memref<1x128x16xf32, #tpu.memory_space<vmem>> -> memref<128x16xf32, #tpu.memory_space<vmem>>
      %dma_start3A_203 = arith.constant 0 : i32
      %dma_start3A_204 = tpu.memref_slice %arg8[%add3A_197, %dma_start3A_203] : memref<160x128xi32, #tpu.memory_space<vmem>> -> memref<1x128xi32, #tpu.memory_space<vmem>>
      %dma_start3A_205 = tpu.memref_squeeze %dma_start3A_204 : memref<1x128xi32, #tpu.memory_space<vmem>> -> memref<128xi32, #tpu.memory_space<vmem>>
      %dma_start3A_206 = arith.constant 0 : i32
      %dma_start3A_207 = arith.constant 0 : i32
      %dma_start3A_208 = tpu.memref_slice %arg9[%dma_start3A_206, %dma_start3A_207] : memref<80512x16xf32, #tpu.memory_space<vmem_shared>> -> memref<80512x16xf32, #tpu.memory_space<vmem_shared>>
      tpu.enqueue_indirect_dma source(%dma_start3A_202 : memref<128x16xf32, #tpu.memory_space<vmem>>) target(%dma_start3A_208 : memref<80512x16xf32, #tpu.memory_space<vmem_shared>>) offsets(%dma_start3A_205 : memref<128xi32, #tpu.memory_space<vmem>>) semaphore(%arg12 : memref<!tpu.dma_semaphore, #tpu.memory_space<semaphore_mem>>) {add = true}
      %mul3A_209 = arith.constant 5 : i32
      %mul3A_210 = arith.muli %mul3A_109, %mul3A_209 : i32
      %add3A_211 = arith.constant 2 : i32
      %add3A_212 = arith.addi %mul3A_210, %add3A_211 : i32
      %dma_start3A_213 = arith.constant 0 : i32
      %dma_start3A_214 = arith.constant 256 : i32
      %dma_start3A_215 = arith.constant 0 : i32
      %dma_start3A_216 = tpu.memref_slice %arg7[%dma_start3A_213, %dma_start3A_214, %dma_start3A_215] : memref<2x640x16xf32, #tpu.memory_space<vmem>> -> memref<1x128x16xf32, #tpu.memory_space<vmem>>
      %dma_start3A_217 = tpu.memref_squeeze %dma_start3A_216 : memref<1x128x16xf32, #tpu.memory_space<vmem>> -> memref<128x16xf32, #tpu.memory_space<vmem>>
      %dma_start3A_218 = arith.constant 0 : i32
      %dma_start3A_219 = tpu.memref_slice %arg8[%add3A_212, %dma_start3A_218] : memref<160x128xi32, #tpu.memory_space<vmem>> -> memref<1x128xi32, #tpu.memory_space<vmem>>
      %dma_start3A_220 = tpu.memref_squeeze %dma_start3A_219 : memref<1x128xi32, #tpu.memory_space<vmem>> -> memref<128xi32, #tpu.memory_space<vmem>>
      %dma_start3A_221 = arith.constant 0 : i32
      %dma_start3A_222 = arith.constant 0 : i32
      %dma_start3A_223 = tpu.memref_slice %arg9[%dma_start3A_221, %dma_start3A_222] : memref<80512x16xf32, #tpu.memory_space<vmem_shared>> -> memref<80512x16xf32, #tpu.memory_space<vmem_shared>>
      tpu.enqueue_indirect_dma source(%dma_start3A_217 : memref<128x16xf32, #tpu.memory_space<vmem>>) target(%dma_start3A_223 : memref<80512x16xf32, #tpu.memory_space<vmem_shared>>) offsets(%dma_start3A_220 : memref<128xi32, #tpu.memory_space<vmem>>) semaphore(%arg12 : memref<!tpu.dma_semaphore, #tpu.memory_space<semaphore_mem>>) {add = true}
      %mul3A_224 = arith.constant 5 : i32
      %mul3A_225 = arith.muli %mul3A_109, %mul3A_224 : i32
      %add3A_226 = arith.constant 3 : i32
      %add3A_227 = arith.addi %mul3A_225, %add3A_226 : i32
      %dma_start3A_228 = arith.constant 0 : i32
      %dma_start3A_229 = arith.constant 384 : i32
      %dma_start3A_230 = arith.constant 0 : i32
      %dma_start3A_231 = tpu.memref_slice %arg7[%dma_start3A_228, %dma_start3A_229, %dma_start3A_230] : memref<2x640x16xf32, #tpu.memory_space<vmem>> -> memref<1x128x16xf32, #tpu.memory_space<vmem>>
      %dma_start3A_232 = tpu.memref_squeeze %dma_start3A_231 : memref<1x128x16xf32, #tpu.memory_space<vmem>> -> memref<128x16xf32, #tpu.memory_space<vmem>>
      %dma_start3A_233 = arith.constant 0 : i32
      %dma_start3A_234 = tpu.memref_slice %arg8[%add3A_227, %dma_start3A_233] : memref<160x128xi32, #tpu.memory_space<vmem>> -> memref<1x128xi32, #tpu.memory_space<vmem>>
      %dma_start3A_235 = tpu.memref_squeeze %dma_start3A_234 : memref<1x128xi32, #tpu.memory_space<vmem>> -> memref<128xi32, #tpu.memory_space<vmem>>
      %dma_start3A_236 = arith.constant 0 : i32
      %dma_start3A_237 = arith.constant 0 : i32
      %dma_start3A_238 = tpu.memref_slice %arg9[%dma_start3A_236, %dma_start3A_237] : memref<80512x16xf32, #tpu.memory_space<vmem_shared>> -> memref<80512x16xf32, #tpu.memory_space<vmem_shared>>
      tpu.enqueue_indirect_dma source(%dma_start3A_232 : memref<128x16xf32, #tpu.memory_space<vmem>>) target(%dma_start3A_238 : memref<80512x16xf32, #tpu.memory_space<vmem_shared>>) offsets(%dma_start3A_235 : memref<128xi32, #tpu.memory_space<vmem>>) semaphore(%arg12 : memref<!tpu.dma_semaphore, #tpu.memory_space<semaphore_mem>>) {add = true}
      %mul3A_239 = arith.constant 5 : i32
      %mul3A_240 = arith.muli %mul3A_109, %mul3A_239 : i32
      %add3A_241 = arith.constant 4 : i32
      %add3A_242 = arith.addi %mul3A_240, %add3A_241 : i32
      %dma_start3A_243 = arith.constant 0 : i32
      %dma_start3A_244 = arith.constant 512 : i32
      %dma_start3A_245 = arith.constant 0 : i32
      %dma_start3A_246 = tpu.memref_slice %arg7[%dma_start3A_243, %dma_start3A_244, %dma_start3A_245] : memref<2x640x16xf32, #tpu.memory_space<vmem>> -> memref<1x128x16xf32, #tpu.memory_space<vmem>>
      %dma_start3A_247 = tpu.memref_squeeze %dma_start3A_246 : memref<1x128x16xf32, #tpu.memory_space<vmem>> -> memref<128x16xf32, #tpu.memory_space<vmem>>
      %dma_start3A_248 = arith.constant 0 : i32
      %dma_start3A_249 = tpu.memref_slice %arg8[%add3A_242, %dma_start3A_248] : memref<160x128xi32, #tpu.memory_space<vmem>> -> memref<1x128xi32, #tpu.memory_space<vmem>>
      %dma_start3A_250 = tpu.memref_squeeze %dma_start3A_249 : memref<1x128xi32, #tpu.memory_space<vmem>> -> memref<128xi32, #tpu.memory_space<vmem>>
      %dma_start3A_251 = arith.constant 0 : i32
      %dma_start3A_252 = arith.constant 0 : i32
      %dma_start3A_253 = tpu.memref_slice %arg9[%dma_start3A_251, %dma_start3A_252] : memref<80512x16xf32, #tpu.memory_space<vmem_shared>> -> memref<80512x16xf32, #tpu.memory_space<vmem_shared>>
      tpu.enqueue_indirect_dma source(%dma_start3A_247 : memref<128x16xf32, #tpu.memory_space<vmem>>) target(%dma_start3A_253 : memref<80512x16xf32, #tpu.memory_space<vmem_shared>>) offsets(%dma_start3A_250 : memref<128xi32, #tpu.memory_space<vmem>>) semaphore(%arg12 : memref<!tpu.dma_semaphore, #tpu.memory_space<semaphore_mem>>) {add = true}
      %dma_wait3A_254 = arith.constant 1 : i32
      %dma_wait3A_255 = arith.constant 0 : i32
      %dma_wait3A_256 = tpu.memref_slice %arg6[%dma_wait3A_254, %dma_wait3A_255] : memref<2x640xi32, #tpu.memory_space<vmem>> -> memref<1x640xi32, #tpu.memory_space<vmem>>
      %dma_wait3A_257 = tpu.memref_squeeze %dma_wait3A_256 : memref<1x640xi32, #tpu.memory_space<vmem>> -> memref<640xi32, #tpu.memory_space<vmem>>
      %dma_wait3A_258 = arith.constant 0 : i32
      %dma_wait3A_259 = tpu.memref_slice %arg3[%dma_wait3A_258] : memref<327680xi32, #tpu.memory_space<hbm>> -> memref<640xi32, #tpu.memory_space<hbm>>
      %dma_wait3A_260 = arith.constant 0 : i32
      %dma_wait3A_261 = tpu.memref_slice %arg6[%dma_wait3A_254, %dma_wait3A_260] : memref<2x640xi32, #tpu.memory_space<vmem>> -> memref<1x640xi32, #tpu.memory_space<vmem>>
      %dma_wait3A_262 = tpu.memref_squeeze %dma_wait3A_261 : memref<1x640xi32, #tpu.memory_space<vmem>> -> memref<640xi32, #tpu.memory_space<vmem>>
      %dma_wait3A_263 = arith.constant 0 : i32
      %dma_wait3A_264 = tpu.memref_slice %arg3[%dma_wait3A_263] : memref<327680xi32, #tpu.memory_space<hbm>> -> memref<640xi32, #tpu.memory_space<hbm>>
      tpu.wait_dma2 semaphore(%arg11 : memref<!tpu.dma_semaphore, #tpu.memory_space<semaphore_mem>>) src(%dma_wait3A_264 : memref<640xi32, #tpu.memory_space<hbm>>) dst(%dma_wait3A_262 : memref<640xi32, #tpu.memory_space<vmem>>)
      %dma_wait3A_265 = arith.constant 1 : i32
      %dma_wait3A_266 = arith.constant 0 : i32
      %dma_wait3A_267 = arith.constant 0 : i32
      %dma_wait3A_268 = tpu.memref_slice %arg7[%dma_wait3A_265, %dma_wait3A_266, %dma_wait3A_267] : memref<2x640x16xf32, #tpu.memory_space<vmem>> -> memref<1x640x16xf32, #tpu.memory_space<vmem>>
      %dma_wait3A_269 = tpu.memref_squeeze %dma_wait3A_268 : memref<1x640x16xf32, #tpu.memory_space<vmem>> -> memref<640x16xf32, #tpu.memory_space<vmem>>
      %dma_wait3A_270 = arith.constant 0 : i32
      %dma_wait3A_271 = arith.constant 0 : i32
      %dma_wait3A_272 = tpu.memref_slice %arg2[%dma_wait3A_270, %dma_wait3A_271] : memref<327680x128xf32, #tpu.memory_space<hbm>> -> memref<640x16xf32, #tpu.memory_space<hbm>>
      %dma_wait3A_273 = arith.constant 0 : i32
      %dma_wait3A_274 = arith.constant 0 : i32
      %dma_wait3A_275 = tpu.memref_slice %arg7[%dma_wait3A_265, %dma_wait3A_273, %dma_wait3A_274] : memref<2x640x16xf32, #tpu.memory_space<vmem>> -> memref<1x640x16xf32, #tpu.memory_space<vmem>>
      %dma_wait3A_276 = tpu.memref_squeeze %dma_wait3A_275 : memref<1x640x16xf32, #tpu.memory_space<vmem>> -> memref<640x16xf32, #tpu.memory_space<vmem>>
      %dma_wait3A_277 = arith.constant 0 : i32
      %dma_wait3A_278 = arith.constant 0 : i32
      %dma_wait3A_279 = tpu.memref_slice %arg2[%dma_wait3A_277, %dma_wait3A_278] : memref<327680x128xf32, #tpu.memory_space<hbm>> -> memref<640x16xf32, #tpu.memory_space<hbm>>
      tpu.wait_dma2 semaphore(%arg11 : memref<!tpu.dma_semaphore, #tpu.memory_space<semaphore_mem>>) src(%dma_wait3A_279 : memref<640x16xf32, #tpu.memory_space<hbm>>) dst(%dma_wait3A_276 : memref<640x16xf32, #tpu.memory_space<vmem>>)
      %add3A_280 = arith.constant 1 : i32
      %add3A_281 = arith.addi %mul3A_109, %add3A_280 : i32
      %mul3A_282 = arith.constant 5 : i32
      %mul3A_283 = arith.muli %add3A_281, %mul3A_282 : i32
      %add3A_284 = arith.addi %mul3A_2, %mul3A_283 : i32
      %mul3A_285 = arith.constant 128 : i32
      %mul3A_286 = arith.muli %add3A_284, %mul3A_285 : i32
      %scan3A_287 = arith.constant 0 : i32
      %scan3A_288 = arith.constant 0 : i32
      %scan3A_289 = arith.constant 40 : i32
      %scan3A_290 = arith.addi %scan3A_288, %scan3A_289 : i32
      %scan3A_291 = arith.constant 1 : i32
      %scan3A_292 = scf.for %scan3A_451 = %scan3A_288 to %scan3A_290 step %scan3A_291 iter_args(%scan3A_452 = %scan3A_287) -> (i32)  : i32 {
        %mul3A_453 = arith.constant 16 : i32
        %mul3A_454 = arith.muli %scan3A_451, %mul3A_453 : i32
        %get3A = arith.constant 1 : i32
        %get3A_455 = arith.index_cast %get3A : i32 to index
        %get3A_456 = arith.index_cast %mul3A_454 : i32 to index
        %get3A_457 = tpu.vector_load %arg6[%get3A_455, %get3A_456] {strides = array<i32>} : memref<2x640xi32, #tpu.memory_space<vmem>>, vector<1x16xi32>,
        %get3A_458 = vector.shape_cast %get3A_457 : vector<1x16xi32> to vector<16xi32>
        %mul3A_459 = arith.constant 16 : i32
        %mul3A_460 = arith.muli %scan3A_451, %mul3A_459 : i32
        %add3A_461 = arith.addi %mul3A_286, %mul3A_460 : i32
        %add3A_462 = vector.broadcast %add3A_461 : i32 to vector<16xi32>
        %add3A_463 = arith.addi %add3A_462, %iota3A : vector<16xi32>
        %ge3A = vector.broadcast %mul3A_0 : i32 to vector<16xi32>
        %ge3A_464 = arith.cmpi sge, %get3A_458, %ge3A : vector<16xi32>
        %add3A_465 = arith.constant 80000 : i32
        %add3A_466 = arith.addi %mul3A_0, %add3A_465 : i32
        %lt3A_467 = vector.broadcast %add3A_466 : i32 to vector<16xi32>
        %lt3A_468 = arith.cmpi slt, %get3A_458, %lt3A_467 : vector<16xi32>
        %and3A = arith.andi %ge3A_464, %lt3A_468 : vector<16xi1>
        %sub3A = vector.broadcast %mul3A_0 : i32 to vector<16xi32>
        %sub3A_469 = arith.subi %get3A_458, %sub3A : vector<16xi32>
        %and3A_470 = arith.constant 511 : i32
        %and3A_471 = vector.broadcast %and3A_470 : i32 to vector<16xi32>
        %and3A_472 = arith.andi %add3A_463, %and3A_471 : vector<16xi32>
        %add3A_473 = arith.constant 80000 : i32
        %add3A_474 = vector.broadcast %add3A_473 : i32 to vector<16xi32>
        %add3A_475 = arith.addi %add3A_474, %and3A_472 : vector<16xi32>
        %select_n3A = arith.select %and3A, %sub3A_469, %add3A_475 : vector<16xi1>, vector<16xi32>
        %mul3A_476 = arith.constant 5 : i32
        %mul3A_477 = arith.muli %add3A_281, %mul3A_476 : i32
        %jit3A = arith.constant 8 : i32
        %div3A = arith.divsi %scan3A_451, %jit3A : i32
        %sign3A = arith.constant 0 : i32
        %sign3A_478 = arith.cmpi sgt, %scan3A_451, %sign3A : i32
        %sign3A_479 = arith.extui %sign3A_478 : i1 to i32
        %sign3A_480 = arith.constant 0 : i32
        %sign3A_481 = arith.cmpi slt, %scan3A_451, %sign3A_480 : i32
        %sign3A_482 = arith.extui %sign3A_481 : i1 to i32
        %sign3A_483 = arith.subi %sign3A_479, %sign3A_482 : i32
        %sign3A_484 = arith.constant 0 : i32
        %sign3A_485 = arith.cmpi sgt, %jit3A, %sign3A_484 : i32
        %sign3A_486 = arith.extui %sign3A_485 : i1 to i32
        %sign3A_487 = arith.constant 0 : i32
        %sign3A_488 = arith.cmpi slt, %jit3A, %sign3A_487 : i32
        %sign3A_489 = arith.extui %sign3A_488 : i1 to i32
        %sign3A_490 = arith.subi %sign3A_486, %sign3A_489 : i32
        %ne3A = arith.cmpi ne, %sign3A_483, %sign3A_490 : i32
        %rem3A = arith.remsi %scan3A_451, %jit3A : i32
        %ne3A_491 = arith.constant 0 : i32
        %ne3A_492 = arith.cmpi ne, %rem3A, %ne3A_491 : i32
        %and3A_493 = arith.andi %ne3A, %ne3A_492 : i1
        %sub3A_494 = arith.constant 1 : i32
        %sub3A_495 = arith.subi %div3A, %sub3A_494 : i32
        %select_n3A_496 = arith.select %and3A_493, %sub3A_495, %div3A : i32
        %add3A_497 = arith.addi %mul3A_477, %select_n3A_496 : i32
        %jit3A_498 = arith.constant 8 : i32
        %eq3A = arith.constant 0 : i32
        %eq3A_499 = arith.cmpi eq, %jit3A_498, %eq3A : i32
        %jit3A_500 = arith.constant 1 : i32
        %select_n3A_501 = arith.select %eq3A_499, %jit3A_500, %jit3A_498 : i32
        %rem3A_502 = arith.remsi %scan3A_451, %select_n3A_501 : i32
        %ne3A_503 = arith.constant 0 : i32
        %ne3A_504 = arith.cmpi ne, %rem3A_502, %ne3A_503 : i32
        %lt3A_505 = arith.constant 0 : i32
        %lt3A_506 = arith.cmpi slt, %rem3A_502, %lt3A_505 : i32
        %lt3A_507 = arith.constant 0 : i32
        %lt3A_508 = arith.cmpi slt, %select_n3A_501, %lt3A_507 : i32
        %ne3A_509 = arith.xori %lt3A_506, %lt3A_508 : i1
        %and3A_510 = arith.andi %ne3A_509, %ne3A_504 : i1
        %add3A_511 = arith.addi %rem3A_502, %select_n3A_501 : i32
        %select_n3A_512 = arith.select %and3A_510, %add3A_511, %rem3A_502 : i32
        %mul3A_513 = arith.constant 16 : i32
        %mul3A_514 = arith.muli %select_n3A_512, %mul3A_513 : i32
        %swap3A = arith.index_cast %add3A_497 : i32 to index
        %swap3A_515 = arith.index_cast %mul3A_514 : i32 to index
        %swap3A_516 = tpu.vector_load %arg8[%swap3A, %swap3A_515] {strides = array<i32>} : memref<160x128xi32, #tpu.memory_space<vmem>>, vector<1x16xi32>,
        %swap3A_517 = vector.shape_cast %swap3A_516 : vector<1x16xi32> to vector<16xi32>
        %swap3A_518 = vector.shape_cast %select_n3A : vector<16xi32> to vector<1x16xi32>
        tpu.vector_store %arg8[%swap3A, %swap3A_515], %swap3A_518 {strides = array<i32>} : memref<160x128xi32, #tpu.memory_space<vmem>>, vector<1x16xi32>,
        %scan3A_519 = arith.constant 0 : i32
        scf.yield %scan3A_519 : i32
      }
      %scan3A_293 = arith.constant 40 : i32
      %mul3A_294 = arith.constant 5 : i32
      %mul3A_295 = arith.muli %mul3A_109, %mul3A_294 : i32
      %add3A_296 = arith.constant 0 : i32
      %add3A_297 = arith.addi %mul3A_295, %add3A_296 : i32
      %dma_wait3A_298 = arith.constant 0 : i32
      %dma_wait3A_299 = arith.constant 0 : i32
      %dma_wait3A_300 = arith.constant 0 : i32
      %dma_wait3A_301 = tpu.memref_slice %arg7[%dma_wait3A_298, %dma_wait3A_299, %dma_wait3A_300] : memref<2x640x16xf32, #tpu.memory_space<vmem>> -> memref<1x128x16xf32, #tpu.memory_space<vmem>>
      %dma_wait3A_302 = tpu.memref_squeeze %dma_wait3A_301 : memref<1x128x16xf32, #tpu.memory_space<vmem>> -> memref<128x16xf32, #tpu.memory_space<vmem>>
      %dma_wait3A_303 = arith.constant 0 : i32
      %dma_wait3A_304 = tpu.memref_slice %arg8[%add3A_297, %dma_wait3A_303] : memref<160x128xi32, #tpu.memory_space<vmem>> -> memref<1x128xi32, #tpu.memory_space<vmem>>
      %dma_wait3A_305 = tpu.memref_squeeze %dma_wait3A_304 : memref<1x128xi32, #tpu.memory_space<vmem>> -> memref<128xi32, #tpu.memory_space<vmem>>
      %dma_wait3A_306 = arith.constant 0 : i32
      %dma_wait3A_307 = arith.constant 0 : i32
      %dma_wait3A_308 = tpu.memref_slice %arg9[%dma_wait3A_306, %dma_wait3A_307] : memref<80512x16xf32, #tpu.memory_space<vmem_shared>> -> memref<80512x16xf32, #tpu.memory_space<vmem_shared>>
      tpu.wait_indirect_dma semaphore(%arg12 : memref<!tpu.dma_semaphore, #tpu.memory_space<semaphore_mem>>) src(%dma_wait3A_302 : memref<128x16xf32, #tpu.memory_space<vmem>>) dst(%dma_wait3A_308 : memref<80512x16xf32, #tpu.memory_space<vmem_shared>>)
      %mul3A_309 = arith.constant 5 : i32
      %mul3A_310 = arith.muli %mul3A_109, %mul3A_309 : i32
      %add3A_311 = arith.constant 1 : i32
      %add3A_312 = arith.addi %mul3A_310, %add3A_311 : i32
      %dma_wait3A_313 = arith.constant 0 : i32
      %dma_wait3A_314 = arith.constant 128 : i32
      %dma_wait3A_315 = arith.constant 0 : i32
      %dma_wait3A_316 = tpu.memref_slice %arg7[%dma_wait3A_313, %dma_wait3A_314, %dma_wait3A_315] : memref<2x640x16xf32, #tpu.memory_space<vmem>> -> memref<1x128x16xf32, #tpu.memory_space<vmem>>
      %dma_wait3A_317 = tpu.memref_squeeze %dma_wait3A_316 : memref<1x128x16xf32, #tpu.memory_space<vmem>> -> memref<128x16xf32, #tpu.memory_space<vmem>>
      %dma_wait3A_318 = arith.constant 0 : i32
      %dma_wait3A_319 = tpu.memref_slice %arg8[%add3A_312, %dma_wait3A_318] : memref<160x128xi32, #tpu.memory_space<vmem>> -> memref<1x128xi32, #tpu.memory_space<vmem>>
      %dma_wait3A_320 = tpu.memref_squeeze %dma_wait3A_319 : memref<1x128xi32, #tpu.memory_space<vmem>> -> memref<128xi32, #tpu.memory_space<vmem>>
      %dma_wait3A_321 = arith.constant 0 : i32
      %dma_wait3A_322 = arith.constant 0 : i32
      %dma_wait3A_323 = tpu.memref_slice %arg9[%dma_wait3A_321, %dma_wait3A_322] : memref<80512x16xf32, #tpu.memory_space<vmem_shared>> -> memref<80512x16xf32, #tpu.memory_space<vmem_shared>>
      tpu.wait_indirect_dma semaphore(%arg12 : memref<!tpu.dma_semaphore, #tpu.memory_space<semaphore_mem>>) src(%dma_wait3A_317 : memref<128x16xf32, #tpu.memory_space<vmem>>) dst(%dma_wait3A_323 : memref<80512x16xf32, #tpu.memory_space<vmem_shared>>)
      %mul3A_324 = arith.constant 5 : i32
      %mul3A_325 = arith.muli %mul3A_109, %mul3A_324 : i32
      %add3A_326 = arith.constant 2 : i32
      %add3A_327 = arith.addi %mul3A_325, %add3A_326 : i32
      %dma_wait3A_328 = arith.constant 0 : i32
      %dma_wait3A_329 = arith.constant 256 : i32
      %dma_wait3A_330 = arith.constant 0 : i32
      %dma_wait3A_331 = tpu.memref_slice %arg7[%dma_wait3A_328, %dma_wait3A_329, %dma_wait3A_330] : memref<2x640x16xf32, #tpu.memory_space<vmem>> -> memref<1x128x16xf32, #tpu.memory_space<vmem>>
      %dma_wait3A_332 = tpu.memref_squeeze %dma_wait3A_331 : memref<1x128x16xf32, #tpu.memory_space<vmem>> -> memref<128x16xf32, #tpu.memory_space<vmem>>
      %dma_wait3A_333 = arith.constant 0 : i32
      %dma_wait3A_334 = tpu.memref_slice %arg8[%add3A_327, %dma_wait3A_333] : memref<160x128xi32, #tpu.memory_space<vmem>> -> memref<1x128xi32, #tpu.memory_space<vmem>>
      %dma_wait3A_335 = tpu.memref_squeeze %dma_wait3A_334 : memref<1x128xi32, #tpu.memory_space<vmem>> -> memref<128xi32, #tpu.memory_space<vmem>>
      %dma_wait3A_336 = arith.constant 0 : i32
      %dma_wait3A_337 = arith.constant 0 : i32
      %dma_wait3A_338 = tpu.memref_slice %arg9[%dma_wait3A_336, %dma_wait3A_337] : memref<80512x16xf32, #tpu.memory_space<vmem_shared>> -> memref<80512x16xf32, #tpu.memory_space<vmem_shared>>
      tpu.wait_indirect_dma semaphore(%arg12 : memref<!tpu.dma_semaphore, #tpu.memory_space<semaphore_mem>>) src(%dma_wait3A_332 : memref<128x16xf32, #tpu.memory_space<vmem>>) dst(%dma_wait3A_338 : memref<80512x16xf32, #tpu.memory_space<vmem_shared>>)
      %mul3A_339 = arith.constant 5 : i32
      %mul3A_340 = arith.muli %mul3A_109, %mul3A_339 : i32
      %add3A_341 = arith.constant 3 : i32
      %add3A_342 = arith.addi %mul3A_340, %add3A_341 : i32
      %dma_wait3A_343 = arith.constant 0 : i32
      %dma_wait3A_344 = arith.constant 384 : i32
      %dma_wait3A_345 = arith.constant 0 : i32
      %dma_wait3A_346 = tpu.memref_slice %arg7[%dma_wait3A_343, %dma_wait3A_344, %dma_wait3A_345] : memref<2x640x16xf32, #tpu.memory_space<vmem>> -> memref<1x128x16xf32, #tpu.memory_space<vmem>>
      %dma_wait3A_347 = tpu.memref_squeeze %dma_wait3A_346 : memref<1x128x16xf32, #tpu.memory_space<vmem>> -> memref<128x16xf32, #tpu.memory_space<vmem>>
      %dma_wait3A_348 = arith.constant 0 : i32
      %dma_wait3A_349 = tpu.memref_slice %arg8[%add3A_342, %dma_wait3A_348] : memref<160x128xi32, #tpu.memory_space<vmem>> -> memref<1x128xi32, #tpu.memory_space<vmem>>
      %dma_wait3A_350 = tpu.memref_squeeze %dma_wait3A_349 : memref<1x128xi32, #tpu.memory_space<vmem>> -> memref<128xi32, #tpu.memory_space<vmem>>
      %dma_wait3A_351 = arith.constant 0 : i32
      %dma_wait3A_352 = arith.constant 0 : i32
      %dma_wait3A_353 = tpu.memref_slice %arg9[%dma_wait3A_351, %dma_wait3A_352] : memref<80512x16xf32, #tpu.memory_space<vmem_shared>> -> memref<80512x16xf32, #tpu.memory_space<vmem_shared>>
      tpu.wait_indirect_dma semaphore(%arg12 : memref<!tpu.dma_semaphore, #tpu.memory_space<semaphore_mem>>) src(%dma_wait3A_347 : memref<128x16xf32, #tpu.memory_space<vmem>>) dst(%dma_wait3A_353 : memref<80512x16xf32, #tpu.memory_space<vmem_shared>>)
      %mul3A_354 = arith.constant 5 : i32
      %mul3A_355 = arith.muli %mul3A_109, %mul3A_354 : i32
      %add3A_356 = arith.constant 4 : i32
      %add3A_357 = arith.addi %mul3A_355, %add3A_356 : i32
      %dma_wait3A_358 = arith.constant 0 : i32
      %dma_wait3A_359 = arith.constant 512 : i32
      %dma_wait3A_360 = arith.constant 0 : i32
      %dma_wait3A_361 = tpu.memref_slice %arg7[%dma_wait3A_358, %dma_wait3A_359, %dma_wait3A_360] : memref<2x640x16xf32, #tpu.memory_space<vmem>> -> memref<1x128x16xf32, #tpu.memory_space<vmem>>
      %dma_wait3A_362 = tpu.memref_squeeze %dma_wait3A_361 : memref<1x128x16xf32, #tpu.memory_space<vmem>> -> memref<128x16xf32, #tpu.memory_space<vmem>>
      %dma_wait3A_363 = arith.constant 0 : i32
      %dma_wait3A_364 = tpu.memref_slice %arg8[%add3A_357, %dma_wait3A_363] : memref<160x128xi32, #tpu.memory_space<vmem>> -> memref<1x128xi32, #tpu.memory_space<vmem>>
      %dma_wait3A_365 = tpu.memref_squeeze %dma_wait3A_364 : memref<1x128xi32, #tpu.memory_space<vmem>> -> memref<128xi32, #tpu.memory_space<vmem>>
      %dma_wait3A_366 = arith.constant 0 : i32
      %dma_wait3A_367 = arith.constant 0 : i32
      %dma_wait3A_368 = tpu.memref_slice %arg9[%dma_wait3A_366, %dma_wait3A_367] : memref<80512x16xf32, #tpu.memory_space<vmem_shared>> -> memref<80512x16xf32, #tpu.memory_space<vmem_shared>>
      tpu.wait_indirect_dma semaphore(%arg12 : memref<!tpu.dma_semaphore, #tpu.memory_space<semaphore_mem>>) src(%dma_wait3A_362 : memref<128x16xf32, #tpu.memory_space<vmem>>) dst(%dma_wait3A_368 : memref<80512x16xf32, #tpu.memory_space<vmem_shared>>)
      %lt3A = arith.constant 15 : i32
      %lt3A_369 = arith.cmpi slt, %scan3A_106, %lt3A : i32
      %convert_element_type3A_370 = arith.extui %lt3A_369 : i1 to i32
      %cond3A_371 = arith.constant 0 : i32
      %cond3A_372 = arith.cmpi ne, %convert_element_type3A_370, %cond3A_371 : i32
      scf.if %cond3A_372 {
        %add3A_451 = arith.constant 2 : i32
        %add3A_452 = arith.addi %mul3A_109, %add3A_451 : i32
        %mul3A_453 = arith.constant 5 : i32
        %mul3A_454 = arith.muli %add3A_452, %mul3A_453 : i32
        %add3A_455 = arith.addi %mul3A_2, %mul3A_454 : i32
        %mul3A_456 = arith.constant 128 : i32
        %mul3A_457 = arith.muli %add3A_455, %mul3A_456 : i32
        %dma_start3A_458 = arith.constant 0 : i32
        %dma_start3A_459 = arith.constant 0 : i32
        %dma_start3A_460 = tpu.memref_slice %arg6[%dma_start3A_458, %dma_start3A_459] : memref<2x640xi32, #tpu.memory_space<vmem>> -> memref<1x640xi32, #tpu.memory_space<vmem>>
        %dma_start3A_461 = tpu.memref_squeeze %dma_start3A_460 : memref<1x640xi32, #tpu.memory_space<vmem>> -> memref<640xi32, #tpu.memory_space<vmem>>
        %dma_start3A_462 = tpu.memref_slice %arg3[%mul3A_457] : memref<327680xi32, #tpu.memory_space<hbm>> -> memref<640xi32, #tpu.memory_space<hbm>>
        %dma_start3A_463 = arith.constant 0 : i32
        %dma_start3A_464 = tpu.memref_slice %arg6[%dma_start3A_458, %dma_start3A_463] : memref<2x640xi32, #tpu.memory_space<vmem>> -> memref<1x640xi32, #tpu.memory_space<vmem>>
        %dma_start3A_465 = tpu.memref_squeeze %dma_start3A_464 : memref<1x640xi32, #tpu.memory_space<vmem>> -> memref<640xi32, #tpu.memory_space<vmem>>
        %dma_start3A_466 = tpu.memref_slice %arg3[%mul3A_457] : memref<327680xi32, #tpu.memory_space<hbm>> -> memref<640xi32, #tpu.memory_space<hbm>>
        tpu.enqueue_dma source(%dma_start3A_466 : memref<640xi32, #tpu.memory_space<hbm>>) target(%dma_start3A_465 : memref<640xi32, #tpu.memory_space<vmem>>) target_semaphore(%arg10 : memref<!tpu.dma_semaphore, #tpu.memory_space<semaphore_mem>>)
        %dma_start3A_467 = arith.constant 0 : i32
        %dma_start3A_468 = arith.constant 0 : i32
        %dma_start3A_469 = arith.constant 0 : i32
        %dma_start3A_470 = tpu.memref_slice %arg7[%dma_start3A_467, %dma_start3A_468, %dma_start3A_469] : memref<2x640x16xf32, #tpu.memory_space<vmem>> -> memref<1x640x16xf32, #tpu.memory_space<vmem>>
        %dma_start3A_471 = tpu.memref_squeeze %dma_start3A_470 : memref<1x640x16xf32, #tpu.memory_space<vmem>> -> memref<640x16xf32, #tpu.memory_space<vmem>>
        %dma_start3A_472 = arith.constant 0 : i32
        %dma_start3A_473 = tpu.memref_slice %arg2[%mul3A_457, %dma_start3A_472] : memref<327680x128xf32, #tpu.memory_space<hbm>> -> memref<640x16xf32, #tpu.memory_space<hbm>>
        %dma_start3A_474 = arith.constant 0 : i32
        %dma_start3A_475 = arith.constant 0 : i32
        %dma_start3A_476 = tpu.memref_slice %arg7[%dma_start3A_467, %dma_start3A_474, %dma_start3A_475] : memref<2x640x16xf32, #tpu.memory_space<vmem>> -> memref<1x640x16xf32, #tpu.memory_space<vmem>>
        %dma_start3A_477 = tpu.memref_squeeze %dma_start3A_476 : memref<1x640x16xf32, #tpu.memory_space<vmem>> -> memref<640x16xf32, #tpu.memory_space<vmem>>
        %dma_start3A_478 = arith.constant 0 : i32
        %dma_start3A_479 = tpu.memref_slice %arg2[%mul3A_457, %dma_start3A_478] : memref<327680x128xf32, #tpu.memory_space<hbm>> -> memref<640x16xf32, #tpu.memory_space<hbm>>
        tpu.enqueue_dma source(%dma_start3A_479 : memref<640x16xf32, #tpu.memory_space<hbm>>) target(%dma_start3A_477 : memref<640x16xf32, #tpu.memory_space<vmem>>) target_semaphore(%arg10 : memref<!tpu.dma_semaphore, #tpu.memory_space<semaphore_mem>>)
      } else {
      }
      %add3A_373 = arith.constant 1 : i32
      %add3A_374 = arith.addi %mul3A_109, %add3A_373 : i32
      %mul3A_375 = arith.constant 5 : i32
      %mul3A_376 = arith.muli %add3A_374, %mul3A_375 : i32
      %add3A_377 = arith.constant 0 : i32
      %add3A_378 = arith.addi %mul3A_376, %add3A_377 : i32
      %dma_start3A_379 = arith.constant 1 : i32
      %dma_start3A_380 = arith.constant 0 : i32
      %dma_start3A_381 = arith.constant 0 : i32
      %dma_start3A_382 = tpu.memref_slice %arg7[%dma_start3A_379, %dma_start3A_380, %dma_start3A_381] : memref<2x640x16xf32, #tpu.memory_space<vmem>> -> memref<1x128x16xf32, #tpu.memory_space<vmem>>
      %dma_start3A_383 = tpu.memref_squeeze %dma_start3A_382 : memref<1x128x16xf32, #tpu.memory_space<vmem>> -> memref<128x16xf32, #tpu.memory_space<vmem>>
      %dma_start3A_384 = arith.constant 0 : i32
      %dma_start3A_385 = tpu.memref_slice %arg8[%add3A_378, %dma_start3A_384] : memref<160x128xi32, #tpu.memory_space<vmem>> -> memref<1x128xi32, #tpu.memory_space<vmem>>
      %dma_start3A_386 = tpu.memref_squeeze %dma_start3A_385 : memref<1x128xi32, #tpu.memory_space<vmem>> -> memref<128xi32, #tpu.memory_space<vmem>>
      %dma_start3A_387 = arith.constant 0 : i32
      %dma_start3A_388 = arith.constant 0 : i32
      %dma_start3A_389 = tpu.memref_slice %arg9[%dma_start3A_387, %dma_start3A_388] : memref<80512x16xf32, #tpu.memory_space<vmem_shared>> -> memref<80512x16xf32, #tpu.memory_space<vmem_shared>>
      tpu.enqueue_indirect_dma source(%dma_start3A_383 : memref<128x16xf32, #tpu.memory_space<vmem>>) target(%dma_start3A_389 : memref<80512x16xf32, #tpu.memory_space<vmem_shared>>) offsets(%dma_start3A_386 : memref<128xi32, #tpu.memory_space<vmem>>) semaphore(%arg13 : memref<!tpu.dma_semaphore, #tpu.memory_space<semaphore_mem>>) {add = true}
      %mul3A_390 = arith.constant 5 : i32
      %mul3A_391 = arith.muli %add3A_374, %mul3A_390 : i32
      %add3A_392 = arith.constant 1 : i32
      %add3A_393 = arith.addi %mul3A_391, %add3A_392 : i32
      %dma_start3A_394 = arith.constant 1 : i32
      %dma_start3A_395 = arith.constant 128 : i32
      %dma_start3A_396 = arith.constant 0 : i32
      %dma_start3A_397 = tpu.memref_slice %arg7[%dma_start3A_394, %dma_start3A_395, %dma_start3A_396] : memref<2x640x16xf32, #tpu.memory_space<vmem>> -> memref<1x128x16xf32, #tpu.memory_space<vmem>>
      %dma_start3A_398 = tpu.memref_squeeze %dma_start3A_397 : memref<1x128x16xf32, #tpu.memory_space<vmem>> -> memref<128x16xf32, #tpu.memory_space<vmem>>
      %dma_start3A_399 = arith.constant 0 : i32
      %dma_start3A_400 = tpu.memref_slice %arg8[%add3A_393, %dma_start3A_399] : memref<160x128xi32, #tpu.memory_space<vmem>> -> memref<1x128xi32, #tpu.memory_space<vmem>>
      %dma_start3A_401 = tpu.memref_squeeze %dma_start3A_400 : memref<1x128xi32, #tpu.memory_space<vmem>> -> memref<128xi32, #tpu.memory_space<vmem>>
      %dma_start3A_402 = arith.constant 0 : i32
      %dma_start3A_403 = arith.constant 0 : i32
      %dma_start3A_404 = tpu.memref_slice %arg9[%dma_start3A_402, %dma_start3A_403] : memref<80512x16xf32, #tpu.memory_space<vmem_shared>> -> memref<80512x16xf32, #tpu.memory_space<vmem_shared>>
      tpu.enqueue_indirect_dma source(%dma_start3A_398 : memref<128x16xf32, #tpu.memory_space<vmem>>) target(%dma_start3A_404 : memref<80512x16xf32, #tpu.memory_space<vmem_shared>>) offsets(%dma_start3A_401 : memref<128xi32, #tpu.memory_space<vmem>>) semaphore(%arg13 : memref<!tpu.dma_semaphore, #tpu.memory_space<semaphore_mem>>) {add = true}
      %mul3A_405 = arith.constant 5 : i32
      %mul3A_406 = arith.muli %add3A_374, %mul3A_405 : i32
      %add3A_407 = arith.constant 2 : i32
      %add3A_408 = arith.addi %mul3A_406, %add3A_407 : i32
      %dma_start3A_409 = arith.constant 1 : i32
      %dma_start3A_410 = arith.constant 256 : i32
      %dma_start3A_411 = arith.constant 0 : i32
      %dma_start3A_412 = tpu.memref_slice %arg7[%dma_start3A_409, %dma_start3A_410, %dma_start3A_411] : memref<2x640x16xf32, #tpu.memory_space<vmem>> -> memref<1x128x16xf32, #tpu.memory_space<vmem>>
      %dma_start3A_413 = tpu.memref_squeeze %dma_start3A_412 : memref<1x128x16xf32, #tpu.memory_space<vmem>> -> memref<128x16xf32, #tpu.memory_space<vmem>>
      %dma_start3A_414 = arith.constant 0 : i32
      %dma_start3A_415 = tpu.memref_slice %arg8[%add3A_408, %dma_start3A_414] : memref<160x128xi32, #tpu.memory_space<vmem>> -> memref<1x128xi32, #tpu.memory_space<vmem>>
      %dma_start3A_416 = tpu.memref_squeeze %dma_start3A_415 : memref<1x128xi32, #tpu.memory_space<vmem>> -> memref<128xi32, #tpu.memory_space<vmem>>
      %dma_start3A_417 = arith.constant 0 : i32
      %dma_start3A_418 = arith.constant 0 : i32
      %dma_start3A_419 = tpu.memref_slice %arg9[%dma_start3A_417, %dma_start3A_418] : memref<80512x16xf32, #tpu.memory_space<vmem_shared>> -> memref<80512x16xf32, #tpu.memory_space<vmem_shared>>
      tpu.enqueue_indirect_dma source(%dma_start3A_413 : memref<128x16xf32, #tpu.memory_space<vmem>>) target(%dma_start3A_419 : memref<80512x16xf32, #tpu.memory_space<vmem_shared>>) offsets(%dma_start3A_416 : memref<128xi32, #tpu.memory_space<vmem>>) semaphore(%arg13 : memref<!tpu.dma_semaphore, #tpu.memory_space<semaphore_mem>>) {add = true}
      %mul3A_420 = arith.constant 5 : i32
      %mul3A_421 = arith.muli %add3A_374, %mul3A_420 : i32
      %add3A_422 = arith.constant 3 : i32
      %add3A_423 = arith.addi %mul3A_421, %add3A_422 : i32
      %dma_start3A_424 = arith.constant 1 : i32
      %dma_start3A_425 = arith.constant 384 : i32
      %dma_start3A_426 = arith.constant 0 : i32
      %dma_start3A_427 = tpu.memref_slice %arg7[%dma_start3A_424, %dma_start3A_425, %dma_start3A_426] : memref<2x640x16xf32, #tpu.memory_space<vmem>> -> memref<1x128x16xf32, #tpu.memory_space<vmem>>
      %dma_start3A_428 = tpu.memref_squeeze %dma_start3A_427 : memref<1x128x16xf32, #tpu.memory_space<vmem>> -> memref<128x16xf32, #tpu.memory_space<vmem>>
      %dma_start3A_429 = arith.constant 0 : i32
      %dma_start3A_430 = tpu.memref_slice %arg8[%add3A_423, %dma_start3A_429] : memref<160x128xi32, #tpu.memory_space<vmem>> -> memref<1x128xi32, #tpu.memory_space<vmem>>
      %dma_start3A_431 = tpu.memref_squeeze %dma_start3A_430 : memref<1x128xi32, #tpu.memory_space<vmem>> -> memref<128xi32, #tpu.memory_space<vmem>>
      %dma_start3A_432 = arith.constant 0 : i32
      %dma_start3A_433 = arith.constant 0 : i32
      %dma_start3A_434 = tpu.memref_slice %arg9[%dma_start3A_432, %dma_start3A_433] : memref<80512x16xf32, #tpu.memory_space<vmem_shared>> -> memref<80512x16xf32, #tpu.memory_space<vmem_shared>>
      tpu.enqueue_indirect_dma source(%dma_start3A_428 : memref<128x16xf32, #tpu.memory_space<vmem>>) target(%dma_start3A_434 : memref<80512x16xf32, #tpu.memory_space<vmem_shared>>) offsets(%dma_start3A_431 : memref<128xi32, #tpu.memory_space<vmem>>) semaphore(%arg13 : memref<!tpu.dma_semaphore, #tpu.memory_space<semaphore_mem>>) {add = true}
      %mul3A_435 = arith.constant 5 : i32
      %mul3A_436 = arith.muli %add3A_374, %mul3A_435 : i32
      %add3A_437 = arith.constant 4 : i32
      %add3A_438 = arith.addi %mul3A_436, %add3A_437 : i32
      %dma_start3A_439 = arith.constant 1 : i32
      %dma_start3A_440 = arith.constant 512 : i32
      %dma_start3A_441 = arith.constant 0 : i32
      %dma_start3A_442 = tpu.memref_slice %arg7[%dma_start3A_439, %dma_start3A_440, %dma_start3A_441] : memref<2x640x16xf32, #tpu.memory_space<vmem>> -> memref<1x128x16xf32, #tpu.memory_space<vmem>>
      %dma_start3A_443 = tpu.memref_squeeze %dma_start3A_442 : memref<1x128x16xf32, #tpu.memory_space<vmem>> -> memref<128x16xf32, #tpu.memory_space<vmem>>
      %dma_start3A_444 = arith.constant 0 : i32
      %dma_start3A_445 = tpu.memref_slice %arg8[%add3A_438, %dma_start3A_444] : memref<160x128xi32, #tpu.memory_space<vmem>> -> memref<1x128xi32, #tpu.memory_space<vmem>>
      %dma_start3A_446 = tpu.memref_squeeze %dma_start3A_445 : memref<1x128xi32, #tpu.memory_space<vmem>> -> memref<128xi32, #tpu.memory_space<vmem>>
      %dma_start3A_447 = arith.constant 0 : i32
      %dma_start3A_448 = arith.constant 0 : i32
      %dma_start3A_449 = tpu.memref_slice %arg9[%dma_start3A_447, %dma_start3A_448] : memref<80512x16xf32, #tpu.memory_space<vmem_shared>> -> memref<80512x16xf32, #tpu.memory_space<vmem_shared>>
      tpu.enqueue_indirect_dma source(%dma_start3A_443 : memref<128x16xf32, #tpu.memory_space<vmem>>) target(%dma_start3A_449 : memref<80512x16xf32, #tpu.memory_space<vmem_shared>>) offsets(%dma_start3A_446 : memref<128xi32, #tpu.memory_space<vmem>>) semaphore(%arg13 : memref<!tpu.dma_semaphore, #tpu.memory_space<semaphore_mem>>) {add = true}
      %scan3A_450 = arith.constant 0 : i32
      scf.yield %scan3A_450 : i32
    }
    %scan3A_34 = arith.constant 16 : i32
    %dma_wait3A = arith.constant 1 : i32
    %dma_wait3A_35 = arith.constant 155 : i32
    %dma_wait3A_36 = arith.constant 0 : i32
    %dma_wait3A_37 = arith.constant 0 : i32
    %dma_wait3A_38 = tpu.memref_slice %arg7[%dma_wait3A, %dma_wait3A_36, %dma_wait3A_37] : memref<2x640x16xf32, #tpu.memory_space<vmem>> -> memref<1x128x16xf32, #tpu.memory_space<vmem>>
    %dma_wait3A_39 = tpu.memref_squeeze %dma_wait3A_38 : memref<1x128x16xf32, #tpu.memory_space<vmem>> -> memref<128x16xf32, #tpu.memory_space<vmem>>
    %dma_wait3A_40 = arith.constant 0 : i32
    %dma_wait3A_41 = tpu.memref_slice %arg8[%dma_wait3A_35, %dma_wait3A_40] : memref<160x128xi32, #tpu.memory_space<vmem>> -> memref<1x128xi32, #tpu.memory_space<vmem>>
    %dma_wait3A_42 = tpu.memref_squeeze %dma_wait3A_41 : memref<1x128xi32, #tpu.memory_space<vmem>> -> memref<128xi32, #tpu.memory_space<vmem>>
    %dma_wait3A_43 = arith.constant 0 : i32
    %dma_wait3A_44 = arith.constant 0 : i32
    %dma_wait3A_45 = tpu.memref_slice %arg9[%dma_wait3A_43, %dma_wait3A_44] : memref<80512x16xf32, #tpu.memory_space<vmem_shared>> -> memref<80512x16xf32, #tpu.memory_space<vmem_shared>>
    tpu.wait_indirect_dma semaphore(%arg13 : memref<!tpu.dma_semaphore, #tpu.memory_space<semaphore_mem>>) src(%dma_wait3A_39 : memref<128x16xf32, #tpu.memory_space<vmem>>) dst(%dma_wait3A_45 : memref<80512x16xf32, #tpu.memory_space<vmem_shared>>)
    %dma_wait3A_46 = arith.constant 1 : i32
    %dma_wait3A_47 = arith.constant 156 : i32
    %dma_wait3A_48 = arith.constant 128 : i32
    %dma_wait3A_49 = arith.constant 0 : i32
    %dma_wait3A_50 = tpu.memref_slice %arg7[%dma_wait3A_46, %dma_wait3A_48, %dma_wait3A_49] : memref<2x640x16xf32, #tpu.memory_space<vmem>> -> memref<1x128x16xf32, #tpu.memory_space<vmem>>
    %dma_wait3A_51 = tpu.memref_squeeze %dma_wait3A_50 : memref<1x128x16xf32, #tpu.memory_space<vmem>> -> memref<128x16xf32, #tpu.memory_space<vmem>>
    %dma_wait3A_52 = arith.constant 0 : i32
    %dma_wait3A_53 = tpu.memref_slice %arg8[%dma_wait3A_47, %dma_wait3A_52] : memref<160x128xi32, #tpu.memory_space<vmem>> -> memref<1x128xi32, #tpu.memory_space<vmem>>
    %dma_wait3A_54 = tpu.memref_squeeze %dma_wait3A_53 : memref<1x128xi32, #tpu.memory_space<vmem>> -> memref<128xi32, #tpu.memory_space<vmem>>
    %dma_wait3A_55 = arith.constant 0 : i32
    %dma_wait3A_56 = arith.constant 0 : i32
    %dma_wait3A_57 = tpu.memref_slice %arg9[%dma_wait3A_55, %dma_wait3A_56] : memref<80512x16xf32, #tpu.memory_space<vmem_shared>> -> memref<80512x16xf32, #tpu.memory_space<vmem_shared>>
    tpu.wait_indirect_dma semaphore(%arg13 : memref<!tpu.dma_semaphore, #tpu.memory_space<semaphore_mem>>) src(%dma_wait3A_51 : memref<128x16xf32, #tpu.memory_space<vmem>>) dst(%dma_wait3A_57 : memref<80512x16xf32, #tpu.memory_space<vmem_shared>>)
    %dma_wait3A_58 = arith.constant 1 : i32
    %dma_wait3A_59 = arith.constant 157 : i32
    %dma_wait3A_60 = arith.constant 256 : i32
    %dma_wait3A_61 = arith.constant 0 : i32
    %dma_wait3A_62 = tpu.memref_slice %arg7[%dma_wait3A_58, %dma_wait3A_60, %dma_wait3A_61] : memref<2x640x16xf32, #tpu.memory_space<vmem>> -> memref<1x128x16xf32, #tpu.memory_space<vmem>>
    %dma_wait3A_63 = tpu.memref_squeeze %dma_wait3A_62 : memref<1x128x16xf32, #tpu.memory_space<vmem>> -> memref<128x16xf32, #tpu.memory_space<vmem>>
    %dma_wait3A_64 = arith.constant 0 : i32
    %dma_wait3A_65 = tpu.memref_slice %arg8[%dma_wait3A_59, %dma_wait3A_64] : memref<160x128xi32, #tpu.memory_space<vmem>> -> memref<1x128xi32, #tpu.memory_space<vmem>>
    %dma_wait3A_66 = tpu.memref_squeeze %dma_wait3A_65 : memref<1x128xi32, #tpu.memory_space<vmem>> -> memref<128xi32, #tpu.memory_space<vmem>>
    %dma_wait3A_67 = arith.constant 0 : i32
    %dma_wait3A_68 = arith.constant 0 : i32
    %dma_wait3A_69 = tpu.memref_slice %arg9[%dma_wait3A_67, %dma_wait3A_68] : memref<80512x16xf32, #tpu.memory_space<vmem_shared>> -> memref<80512x16xf32, #tpu.memory_space<vmem_shared>>
    tpu.wait_indirect_dma semaphore(%arg13 : memref<!tpu.dma_semaphore, #tpu.memory_space<semaphore_mem>>) src(%dma_wait3A_63 : memref<128x16xf32, #tpu.memory_space<vmem>>) dst(%dma_wait3A_69 : memref<80512x16xf32, #tpu.memory_space<vmem_shared>>)
    %dma_wait3A_70 = arith.constant 1 : i32
    %dma_wait3A_71 = arith.constant 158 : i32
    %dma_wait3A_72 = arith.constant 384 : i32
    %dma_wait3A_73 = arith.constant 0 : i32
    %dma_wait3A_74 = tpu.memref_slice %arg7[%dma_wait3A_70, %dma_wait3A_72, %dma_wait3A_73] : memref<2x640x16xf32, #tpu.memory_space<vmem>> -> memref<1x128x16xf32, #tpu.memory_space<vmem>>
    %dma_wait3A_75 = tpu.memref_squeeze %dma_wait3A_74 : memref<1x128x16xf32, #tpu.memory_space<vmem>> -> memref<128x16xf32, #tpu.memory_space<vmem>>
    %dma_wait3A_76 = arith.constant 0 : i32
    %dma_wait3A_77 = tpu.memref_slice %arg8[%dma_wait3A_71, %dma_wait3A_76] : memref<160x128xi32, #tpu.memory_space<vmem>> -> memref<1x128xi32, #tpu.memory_space<vmem>>
    %dma_wait3A_78 = tpu.memref_squeeze %dma_wait3A_77 : memref<1x128xi32, #tpu.memory_space<vmem>> -> memref<128xi32, #tpu.memory_space<vmem>>
    %dma_wait3A_79 = arith.constant 0 : i32
    %dma_wait3A_80 = arith.constant 0 : i32
    %dma_wait3A_81 = tpu.memref_slice %arg9[%dma_wait3A_79, %dma_wait3A_80] : memref<80512x16xf32, #tpu.memory_space<vmem_shared>> -> memref<80512x16xf32, #tpu.memory_space<vmem_shared>>
    tpu.wait_indirect_dma semaphore(%arg13 : memref<!tpu.dma_semaphore, #tpu.memory_space<semaphore_mem>>) src(%dma_wait3A_75 : memref<128x16xf32, #tpu.memory_space<vmem>>) dst(%dma_wait3A_81 : memref<80512x16xf32, #tpu.memory_space<vmem_shared>>)
    %dma_wait3A_82 = arith.constant 1 : i32
    %dma_wait3A_83 = arith.constant 159 : i32
    %dma_wait3A_84 = arith.constant 512 : i32
    %dma_wait3A_85 = arith.constant 0 : i32
    %dma_wait3A_86 = tpu.memref_slice %arg7[%dma_wait3A_82, %dma_wait3A_84, %dma_wait3A_85] : memref<2x640x16xf32, #tpu.memory_space<vmem>> -> memref<1x128x16xf32, #tpu.memory_space<vmem>>
    %dma_wait3A_87 = tpu.memref_squeeze %dma_wait3A_86 : memref<1x128x16xf32, #tpu.memory_space<vmem>> -> memref<128x16xf32, #tpu.memory_space<vmem>>
    %dma_wait3A_88 = arith.constant 0 : i32
    %dma_wait3A_89 = tpu.memref_slice %arg8[%dma_wait3A_83, %dma_wait3A_88] : memref<160x128xi32, #tpu.memory_space<vmem>> -> memref<1x128xi32, #tpu.memory_space<vmem>>
    %dma_wait3A_90 = tpu.memref_squeeze %dma_wait3A_89 : memref<1x128xi32, #tpu.memory_space<vmem>> -> memref<128xi32, #tpu.memory_space<vmem>>
    %dma_wait3A_91 = arith.constant 0 : i32
    %dma_wait3A_92 = arith.constant 0 : i32
    %dma_wait3A_93 = tpu.memref_slice %arg9[%dma_wait3A_91, %dma_wait3A_92] : memref<80512x16xf32, #tpu.memory_space<vmem_shared>> -> memref<80512x16xf32, #tpu.memory_space<vmem_shared>>
    tpu.wait_indirect_dma semaphore(%arg13 : memref<!tpu.dma_semaphore, #tpu.memory_space<semaphore_mem>>) src(%dma_wait3A_87 : memref<128x16xf32, #tpu.memory_space<vmem>>) dst(%dma_wait3A_93 : memref<80512x16xf32, #tpu.memory_space<vmem_shared>>)
    %barrier3A_94 = arith.constant 0 : index
    tpu.barrier barrier_id(%barrier3A_94)
    %mul3A_95 = arith.constant 5000 : i32
    %mul3A_96 = arith.muli %arg1, %mul3A_95 : i32
    %add3A_97 = arith.addi %mul3A_0, %mul3A_96 : i32
    "tpu.region"() ({
      %run_scoped3A = tpu.sem_alloc : memref<!tpu.dma_semaphore, #tpu.memory_space<semaphore_mem>>
      %dma_start3A_106 = arith.constant 0 : i32
      %dma_start3A_107 = tpu.memref_slice %arg5[%add3A_97, %dma_start3A_106] : memref<160000x128xf32, #tpu.memory_space<hbm>> -> memref<5000x16xf32, #tpu.memory_space<hbm>>
      %dma_start3A_108 = arith.constant 0 : i32
      %dma_start3A_109 = tpu.memref_slice %arg9[%mul3A_96, %dma_start3A_108] : memref<80512x16xf32, #tpu.memory_space<vmem_shared>> -> memref<5000x16xf32, #tpu.memory_space<vmem_shared>>
      tpu.enqueue_dma source(%dma_start3A_109 : memref<5000x16xf32, #tpu.memory_space<vmem_shared>>) target(%dma_start3A_107 : memref<5000x16xf32, #tpu.memory_space<hbm>>) target_semaphore(%run_scoped3A : memref<!tpu.dma_semaphore, #tpu.memory_space<semaphore_mem>>)
      %dma_wait3A_110 = arith.constant 0 : i32
      %dma_wait3A_111 = tpu.memref_slice %arg5[%add3A_97, %dma_wait3A_110] : memref<160000x128xf32, #tpu.memory_space<hbm>> -> memref<5000x16xf32, #tpu.memory_space<hbm>>
      %dma_wait3A_112 = arith.constant 0 : i32
      %dma_wait3A_113 = tpu.memref_slice %arg9[%mul3A_96, %dma_wait3A_112] : memref<80512x16xf32, #tpu.memory_space<vmem_shared>> -> memref<5000x16xf32, #tpu.memory_space<vmem_shared>>
      tpu.wait_dma2 semaphore(%run_scoped3A : memref<!tpu.dma_semaphore, #tpu.memory_space<semaphore_mem>>) src(%dma_wait3A_113 : memref<5000x16xf32, #tpu.memory_space<vmem_shared>>) dst(%dma_wait3A_111 : memref<5000x16xf32, #tpu.memory_space<hbm>>)
      tpu.yield
    }) : () -> ()
    %barrier3A_98 = arith.constant 0 : index
    tpu.barrier barrier_id(%barrier3A_98)
    %scan3A_99 = arith.constant 0 : i32
    %scan3A_100 = arith.constant 1 : i32
    %scan3A_101 = arith.constant 7 : i32
    %scan3A_102 = arith.addi %scan3A_100, %scan3A_101 : i32
    %scan3A_103 = arith.constant 1 : i32
    %scan3A_104 = scf.for %scan3A_106 = %scan3A_100 to %scan3A_102 step %scan3A_103 iter_args(%scan3A_107 = %scan3A_99) -> (i32)  : i32 {
      %mul3A_108 = arith.constant 5032 : i32
      %mul3A_109 = arith.muli %arg1, %mul3A_108 : i32
      "tpu.region"() ({
        %run_scoped3A = tpu.sem_alloc : memref<!tpu.dma_semaphore, #tpu.memory_space<semaphore_mem>>
        %dma_start3A_203 = arith.constant 0 : i32
        %dma_start3A_204 = tpu.memref_slice %arg9[%mul3A_109, %dma_start3A_203] : memref<80512x16xf32, #tpu.memory_space<vmem_shared>> -> memref<5032x16xf32, #tpu.memory_space<vmem_shared>>
        tpu.enqueue_dma source(%arg4 : memref<5032x16xf32, #tpu.memory_space<hbm>>) target(%dma_start3A_204 : memref<5032x16xf32, #tpu.memory_space<vmem_shared>>) target_semaphore(%run_scoped3A : memref<!tpu.dma_semaphore, #tpu.memory_space<semaphore_mem>>)
        %dma_wait3A_205 = arith.constant 0 : i32
        %dma_wait3A_206 = tpu.memref_slice %arg9[%mul3A_109, %dma_wait3A_205] : memref<80512x16xf32, #tpu.memory_space<vmem_shared>> -> memref<5032x16xf32, #tpu.memory_space<vmem_shared>>
        tpu.wait_dma2 semaphore(%run_scoped3A : memref<!tpu.dma_semaphore, #tpu.memory_space<semaphore_mem>>) src(%arg4 : memref<5032x16xf32, #tpu.memory_space<hbm>>) dst(%dma_wait3A_206 : memref<5032x16xf32, #tpu.memory_space<vmem_shared>>)
        tpu.yield
      }) : () -> ()
      %barrier3A_110 = arith.constant 0 : index
      tpu.barrier barrier_id(%barrier3A_110)
      %add3A_111 = arith.constant 0 : i32
      %add3A_112 = arith.addi %mul3A_2, %add3A_111 : i32
      %mul3A_113 = arith.constant 128 : i32
      %mul3A_114 = arith.muli %add3A_112, %mul3A_113 : i32
      %mul3A_115 = arith.constant 16 : i32
      %mul3A_116 = arith.muli %scan3A_106, %mul3A_115 : i32
      %dma_start3A_117 = arith.constant 0 : i32
      %dma_start3A_118 = arith.constant 0 : i32
      %dma_start3A_119 = arith.constant 0 : i32
      %dma_start3A_120 = tpu.memref_slice %arg7[%dma_start3A_117, %dma_start3A_118, %dma_start3A_119] : memref<2x640x16xf32, #tpu.memory_space<vmem>> -> memref<1x640x16xf32, #tpu.memory_space<vmem>>
      %dma_start3A_121 = tpu.memref_squeeze %dma_start3A_120 : memref<1x640x16xf32, #tpu.memory_space<vmem>> -> memref<640x16xf32, #tpu.memory_space<vmem>>
      %dma_start3A_122 = tpu.memref_slice %arg2[%mul3A_114, %mul3A_116] : memref<327680x128xf32, #tpu.memory_space<hbm>> -> memref<640x16xf32, #tpu.memory_space<hbm>>
      %dma_start3A_123 = arith.constant 0 : i32
      %dma_start3A_124 = arith.constant 0 : i32
      %dma_start3A_125 = tpu.memref_slice %arg7[%dma_start3A_117, %dma_start3A_123, %dma_start3A_124] : memref<2x640x16xf32, #tpu.memory_space<vmem>> -> memref<1x640x16xf32, #tpu.memory_space<vmem>>
      %dma_start3A_126 = tpu.memref_squeeze %dma_start3A_125 : memref<1x640x16xf32, #tpu.memory_space<vmem>> -> memref<640x16xf32, #tpu.memory_space<vmem>>
      %dma_start3A_127 = tpu.memref_slice %arg2[%mul3A_114, %mul3A_116] : memref<327680x128xf32, #tpu.memory_space<hbm>> -> memref<640x16xf32, #tpu.memory_space<hbm>>
      tpu.enqueue_dma source(%dma_start3A_127 : memref<640x16xf32, #tpu.memory_space<hbm>>) target(%dma_start3A_126 : memref<640x16xf32, #tpu.memory_space<vmem>>) target_semaphore(%arg10 : memref<!tpu.dma_semaphore, #tpu.memory_space<semaphore_mem>>)
      %scan3A_128 = arith.constant 0 : i32
      %scan3A_129 = arith.constant 0 : i32
      %scan3A_130 = arith.constant 16 : i32
      %scan3A_131 = arith.addi %scan3A_129, %scan3A_130 : i32
      %scan3A_132 = arith.constant 1 : i32
      %scan3A_133 = scf.for %scan3A_203 = %scan3A_129 to %scan3A_131 step %scan3A_132 iter_args(%scan3A_204 = %scan3A_128) -> (i32)  : i32 {
        %mul3A_205 = arith.constant 2 : i32
        %mul3A_206 = arith.muli %scan3A_203, %mul3A_205 : i32
        %dma_wait3A_207 = arith.constant 0 : i32
        %dma_wait3A_208 = arith.constant 0 : i32
        %dma_wait3A_209 = arith.constant 0 : i32
        %dma_wait3A_210 = tpu.memref_slice %arg7[%dma_wait3A_207, %dma_wait3A_208, %dma_wait3A_209] : memref<2x640x16xf32, #tpu.memory_space<vmem>> -> memref<1x640x16xf32, #tpu.memory_space<vmem>>
        %dma_wait3A_211 = tpu.memref_squeeze %dma_wait3A_210 : memref<1x640x16xf32, #tpu.memory_space<vmem>> -> memref<640x16xf32, #tpu.memory_space<vmem>>
        %dma_wait3A_212 = arith.constant 0 : i32
        %dma_wait3A_213 = arith.constant 0 : i32
        %dma_wait3A_214 = tpu.memref_slice %arg2[%dma_wait3A_212, %dma_wait3A_213] : memref<327680x128xf32, #tpu.memory_space<hbm>> -> memref<640x16xf32, #tpu.memory_space<hbm>>
        %dma_wait3A_215 = arith.constant 0 : i32
        %dma_wait3A_216 = arith.constant 0 : i32
        %dma_wait3A_217 = tpu.memref_slice %arg7[%dma_wait3A_207, %dma_wait3A_215, %dma_wait3A_216] : memref<2x640x16xf32, #tpu.memory_space<vmem>> -> memref<1x640x16xf32, #tpu.memory_space<vmem>>
        %dma_wait3A_218 = tpu.memref_squeeze %dma_wait3A_217 : memref<1x640x16xf32, #tpu.memory_space<vmem>> -> memref<640x16xf32, #tpu.memory_space<vmem>>
        %dma_wait3A_219 = arith.constant 0 : i32
        %dma_wait3A_220 = arith.constant 0 : i32
        %dma_wait3A_221 = tpu.memref_slice %arg2[%dma_wait3A_219, %dma_wait3A_220] : memref<327680x128xf32, #tpu.memory_space<hbm>> -> memref<640x16xf32, #tpu.memory_space<hbm>>
        tpu.wait_dma2 semaphore(%arg10 : memref<!tpu.dma_semaphore, #tpu.memory_space<semaphore_mem>>) src(%dma_wait3A_221 : memref<640x16xf32, #tpu.memory_space<hbm>>) dst(%dma_wait3A_218 : memref<640x16xf32, #tpu.memory_space<vmem>>)
        %gt3A = arith.constant 0 : i32
        %gt3A_222 = arith.cmpi sgt, %scan3A_203, %gt3A : i32
        %convert_element_type3A = arith.extui %gt3A_222 : i1 to i32
        %cond3A = arith.constant 0 : i32
        %cond3A_223 = arith.cmpi ne, %convert_element_type3A, %cond3A : i32
        scf.if %cond3A_223 {
          %sub3A = arith.constant 1 : i32
          %sub3A_491 = arith.subi %mul3A_206, %sub3A : i32
          %mul3A_492 = arith.constant 5 : i32
          %mul3A_493 = arith.muli %sub3A_491, %mul3A_492 : i32
          %add3A_494 = arith.constant 0 : i32
          %add3A_495 = arith.addi %mul3A_493, %add3A_494 : i32
          %dma_wait3A_496 = arith.constant 1 : i32
          %dma_wait3A_497 = arith.constant 0 : i32
          %dma_wait3A_498 = arith.constant 0 : i32
          %dma_wait3A_499 = tpu.memref_slice %arg7[%dma_wait3A_496, %dma_wait3A_497, %dma_wait3A_498] : memref<2x640x16xf32, #tpu.memory_space<vmem>> -> memref<1x128x16xf32, #tpu.memory_space<vmem>>
          %dma_wait3A_500 = tpu.memref_squeeze %dma_wait3A_499 : memref<1x128x16xf32, #tpu.memory_space<vmem>> -> memref<128x16xf32, #tpu.memory_space<vmem>>
          %dma_wait3A_501 = arith.constant 0 : i32
          %dma_wait3A_502 = tpu.memref_slice %arg8[%add3A_495, %dma_wait3A_501] : memref<160x128xi32, #tpu.memory_space<vmem>> -> memref<1x128xi32, #tpu.memory_space<vmem>>
          %dma_wait3A_503 = tpu.memref_squeeze %dma_wait3A_502 : memref<1x128xi32, #tpu.memory_space<vmem>> -> memref<128xi32, #tpu.memory_space<vmem>>
          %dma_wait3A_504 = arith.constant 0 : i32
          %dma_wait3A_505 = arith.constant 0 : i32
          %dma_wait3A_506 = tpu.memref_slice %arg9[%dma_wait3A_504, %dma_wait3A_505] : memref<80512x16xf32, #tpu.memory_space<vmem_shared>> -> memref<80512x16xf32, #tpu.memory_space<vmem_shared>>
          tpu.wait_indirect_dma semaphore(%arg13 : memref<!tpu.dma_semaphore, #tpu.memory_space<semaphore_mem>>) src(%dma_wait3A_500 : memref<128x16xf32, #tpu.memory_space<vmem>>) dst(%dma_wait3A_506 : memref<80512x16xf32, #tpu.memory_space<vmem_shared>>)
          %mul3A_507 = arith.constant 5 : i32
          %mul3A_508 = arith.muli %sub3A_491, %mul3A_507 : i32
          %add3A_509 = arith.constant 1 : i32
          %add3A_510 = arith.addi %mul3A_508, %add3A_509 : i32
          %dma_wait3A_511 = arith.constant 1 : i32
          %dma_wait3A_512 = arith.constant 128 : i32
          %dma_wait3A_513 = arith.constant 0 : i32
          %dma_wait3A_514 = tpu.memref_slice %arg7[%dma_wait3A_511, %dma_wait3A_512, %dma_wait3A_513] : memref<2x640x16xf32, #tpu.memory_space<vmem>> -> memref<1x128x16xf32, #tpu.memory_space<vmem>>
          %dma_wait3A_515 = tpu.memref_squeeze %dma_wait3A_514 : memref<1x128x16xf32, #tpu.memory_space<vmem>> -> memref<128x16xf32, #tpu.memory_space<vmem>>
          %dma_wait3A_516 = arith.constant 0 : i32
          %dma_wait3A_517 = tpu.memref_slice %arg8[%add3A_510, %dma_wait3A_516] : memref<160x128xi32, #tpu.memory_space<vmem>> -> memref<1x128xi32, #tpu.memory_space<vmem>>
          %dma_wait3A_518 = tpu.memref_squeeze %dma_wait3A_517 : memref<1x128xi32, #tpu.memory_space<vmem>> -> memref<128xi32, #tpu.memory_space<vmem>>
          %dma_wait3A_519 = arith.constant 0 : i32
          %dma_wait3A_520 = arith.constant 0 : i32
          %dma_wait3A_521 = tpu.memref_slice %arg9[%dma_wait3A_519, %dma_wait3A_520] : memref<80512x16xf32, #tpu.memory_space<vmem_shared>> -> memref<80512x16xf32, #tpu.memory_space<vmem_shared>>
          tpu.wait_indirect_dma semaphore(%arg13 : memref<!tpu.dma_semaphore, #tpu.memory_space<semaphore_mem>>) src(%dma_wait3A_515 : memref<128x16xf32, #tpu.memory_space<vmem>>) dst(%dma_wait3A_521 : memref<80512x16xf32, #tpu.memory_space<vmem_shared>>)
          %mul3A_522 = arith.constant 5 : i32
          %mul3A_523 = arith.muli %sub3A_491, %mul3A_522 : i32
          %add3A_524 = arith.constant 2 : i32
          %add3A_525 = arith.addi %mul3A_523, %add3A_524 : i32
          %dma_wait3A_526 = arith.constant 1 : i32
          %dma_wait3A_527 = arith.constant 256 : i32
          %dma_wait3A_528 = arith.constant 0 : i32
          %dma_wait3A_529 = tpu.memref_slice %arg7[%dma_wait3A_526, %dma_wait3A_527, %dma_wait3A_528] : memref<2x640x16xf32, #tpu.memory_space<vmem>> -> memref<1x128x16xf32, #tpu.memory_space<vmem>>
          %dma_wait3A_530 = tpu.memref_squeeze %dma_wait3A_529 : memref<1x128x16xf32, #tpu.memory_space<vmem>> -> memref<128x16xf32, #tpu.memory_space<vmem>>
          %dma_wait3A_531 = arith.constant 0 : i32
          %dma_wait3A_532 = tpu.memref_slice %arg8[%add3A_525, %dma_wait3A_531] : memref<160x128xi32, #tpu.memory_space<vmem>> -> memref<1x128xi32, #tpu.memory_space<vmem>>
          %dma_wait3A_533 = tpu.memref_squeeze %dma_wait3A_532 : memref<1x128xi32, #tpu.memory_space<vmem>> -> memref<128xi32, #tpu.memory_space<vmem>>
          %dma_wait3A_534 = arith.constant 0 : i32
          %dma_wait3A_535 = arith.constant 0 : i32
          %dma_wait3A_536 = tpu.memref_slice %arg9[%dma_wait3A_534, %dma_wait3A_535] : memref<80512x16xf32, #tpu.memory_space<vmem_shared>> -> memref<80512x16xf32, #tpu.memory_space<vmem_shared>>
          tpu.wait_indirect_dma semaphore(%arg13 : memref<!tpu.dma_semaphore, #tpu.memory_space<semaphore_mem>>) src(%dma_wait3A_530 : memref<128x16xf32, #tpu.memory_space<vmem>>) dst(%dma_wait3A_536 : memref<80512x16xf32, #tpu.memory_space<vmem_shared>>)
          %mul3A_537 = arith.constant 5 : i32
          %mul3A_538 = arith.muli %sub3A_491, %mul3A_537 : i32
          %add3A_539 = arith.constant 3 : i32
          %add3A_540 = arith.addi %mul3A_538, %add3A_539 : i32
          %dma_wait3A_541 = arith.constant 1 : i32
          %dma_wait3A_542 = arith.constant 384 : i32
          %dma_wait3A_543 = arith.constant 0 : i32
          %dma_wait3A_544 = tpu.memref_slice %arg7[%dma_wait3A_541, %dma_wait3A_542, %dma_wait3A_543] : memref<2x640x16xf32, #tpu.memory_space<vmem>> -> memref<1x128x16xf32, #tpu.memory_space<vmem>>
          %dma_wait3A_545 = tpu.memref_squeeze %dma_wait3A_544 : memref<1x128x16xf32, #tpu.memory_space<vmem>> -> memref<128x16xf32, #tpu.memory_space<vmem>>
          %dma_wait3A_546 = arith.constant 0 : i32
          %dma_wait3A_547 = tpu.memref_slice %arg8[%add3A_540, %dma_wait3A_546] : memref<160x128xi32, #tpu.memory_space<vmem>> -> memref<1x128xi32, #tpu.memory_space<vmem>>
          %dma_wait3A_548 = tpu.memref_squeeze %dma_wait3A_547 : memref<1x128xi32, #tpu.memory_space<vmem>> -> memref<128xi32, #tpu.memory_space<vmem>>
          %dma_wait3A_549 = arith.constant 0 : i32
          %dma_wait3A_550 = arith.constant 0 : i32
          %dma_wait3A_551 = tpu.memref_slice %arg9[%dma_wait3A_549, %dma_wait3A_550] : memref<80512x16xf32, #tpu.memory_space<vmem_shared>> -> memref<80512x16xf32, #tpu.memory_space<vmem_shared>>
          tpu.wait_indirect_dma semaphore(%arg13 : memref<!tpu.dma_semaphore, #tpu.memory_space<semaphore_mem>>) src(%dma_wait3A_545 : memref<128x16xf32, #tpu.memory_space<vmem>>) dst(%dma_wait3A_551 : memref<80512x16xf32, #tpu.memory_space<vmem_shared>>)
          %mul3A_552 = arith.constant 5 : i32
          %mul3A_553 = arith.muli %sub3A_491, %mul3A_552 : i32
          %add3A_554 = arith.constant 4 : i32
          %add3A_555 = arith.addi %mul3A_553, %add3A_554 : i32
          %dma_wait3A_556 = arith.constant 1 : i32
          %dma_wait3A_557 = arith.constant 512 : i32
          %dma_wait3A_558 = arith.constant 0 : i32
          %dma_wait3A_559 = tpu.memref_slice %arg7[%dma_wait3A_556, %dma_wait3A_557, %dma_wait3A_558] : memref<2x640x16xf32, #tpu.memory_space<vmem>> -> memref<1x128x16xf32, #tpu.memory_space<vmem>>
          %dma_wait3A_560 = tpu.memref_squeeze %dma_wait3A_559 : memref<1x128x16xf32, #tpu.memory_space<vmem>> -> memref<128x16xf32, #tpu.memory_space<vmem>>
          %dma_wait3A_561 = arith.constant 0 : i32
          %dma_wait3A_562 = tpu.memref_slice %arg8[%add3A_555, %dma_wait3A_561] : memref<160x128xi32, #tpu.memory_space<vmem>> -> memref<1x128xi32, #tpu.memory_space<vmem>>
          %dma_wait3A_563 = tpu.memref_squeeze %dma_wait3A_562 : memref<1x128xi32, #tpu.memory_space<vmem>> -> memref<128xi32, #tpu.memory_space<vmem>>
          %dma_wait3A_564 = arith.constant 0 : i32
          %dma_wait3A_565 = arith.constant 0 : i32
          %dma_wait3A_566 = tpu.memref_slice %arg9[%dma_wait3A_564, %dma_wait3A_565] : memref<80512x16xf32, #tpu.memory_space<vmem_shared>> -> memref<80512x16xf32, #tpu.memory_space<vmem_shared>>
          tpu.wait_indirect_dma semaphore(%arg13 : memref<!tpu.dma_semaphore, #tpu.memory_space<semaphore_mem>>) src(%dma_wait3A_560 : memref<128x16xf32, #tpu.memory_space<vmem>>) dst(%dma_wait3A_566 : memref<80512x16xf32, #tpu.memory_space<vmem_shared>>)
        } else {
        }
        %add3A_224 = arith.constant 1 : i32
        %add3A_225 = arith.addi %mul3A_206, %add3A_224 : i32
        %mul3A_226 = arith.constant 5 : i32
        %mul3A_227 = arith.muli %add3A_225, %mul3A_226 : i32
        %add3A_228 = arith.addi %mul3A_2, %mul3A_227 : i32
        %mul3A_229 = arith.constant 128 : i32
        %mul3A_230 = arith.muli %add3A_228, %mul3A_229 : i32
        %mul3A_231 = arith.constant 16 : i32
        %mul3A_232 = arith.muli %scan3A_106, %mul3A_231 : i32
        %dma_start3A_233 = arith.constant 1 : i32
        %dma_start3A_234 = arith.constant 0 : i32
        %dma_start3A_235 = arith.constant 0 : i32
        %dma_start3A_236 = tpu.memref_slice %arg7[%dma_start3A_233, %dma_start3A_234, %dma_start3A_235] : memref<2x640x16xf32, #tpu.memory_space<vmem>> -> memref<1x640x16xf32, #tpu.memory_space<vmem>>
        %dma_start3A_237 = tpu.memref_squeeze %dma_start3A_236 : memref<1x640x16xf32, #tpu.memory_space<vmem>> -> memref<640x16xf32, #tpu.memory_space<vmem>>
        %dma_start3A_238 = tpu.memref_slice %arg2[%mul3A_230, %mul3A_232] : memref<327680x128xf32, #tpu.memory_space<hbm>> -> memref<640x16xf32, #tpu.memory_space<hbm>>
        %dma_start3A_239 = arith.constant 0 : i32
        %dma_start3A_240 = arith.constant 0 : i32
        %dma_start3A_241 = tpu.memref_slice %arg7[%dma_start3A_233, %dma_start3A_239, %dma_start3A_240] : memref<2x640x16xf32, #tpu.memory_space<vmem>> -> memref<1x640x16xf32, #tpu.memory_space<vmem>>
        %dma_start3A_242 = tpu.memref_squeeze %dma_start3A_241 : memref<1x640x16xf32, #tpu.memory_space<vmem>> -> memref<640x16xf32, #tpu.memory_space<vmem>>
        %dma_start3A_243 = tpu.memref_slice %arg2[%mul3A_230, %mul3A_232] : memref<327680x128xf32, #tpu.memory_space<hbm>> -> memref<640x16xf32, #tpu.memory_space<hbm>>
        tpu.enqueue_dma source(%dma_start3A_243 : memref<640x16xf32, #tpu.memory_space<hbm>>) target(%dma_start3A_242 : memref<640x16xf32, #tpu.memory_space<vmem>>) target_semaphore(%arg11 : memref<!tpu.dma_semaphore, #tpu.memory_space<semaphore_mem>>)
        %mul3A_244 = arith.constant 5 : i32
        %mul3A_245 = arith.muli %mul3A_206, %mul3A_244 : i32
        %add3A_246 = arith.constant 0 : i32
        %add3A_247 = arith.addi %mul3A_245, %add3A_246 : i32
        %dma_start3A_248 = arith.constant 0 : i32
        %dma_start3A_249 = arith.constant 0 : i32
        %dma_start3A_250 = arith.constant 0 : i32
        %dma_start3A_251 = tpu.memref_slice %arg7[%dma_start3A_248, %dma_start3A_249, %dma_start3A_250] : memref<2x640x16xf32, #tpu.memory_space<vmem>> -> memref<1x128x16xf32, #tpu.memory_space<vmem>>
        %dma_start3A_252 = tpu.memref_squeeze %dma_start3A_251 : memref<1x128x16xf32, #tpu.memory_space<vmem>> -> memref<128x16xf32, #tpu.memory_space<vmem>>
        %dma_start3A_253 = arith.constant 0 : i32
        %dma_start3A_254 = tpu.memref_slice %arg8[%add3A_247, %dma_start3A_253] : memref<160x128xi32, #tpu.memory_space<vmem>> -> memref<1x128xi32, #tpu.memory_space<vmem>>
        %dma_start3A_255 = tpu.memref_squeeze %dma_start3A_254 : memref<1x128xi32, #tpu.memory_space<vmem>> -> memref<128xi32, #tpu.memory_space<vmem>>
        %dma_start3A_256 = arith.constant 0 : i32
        %dma_start3A_257 = arith.constant 0 : i32
        %dma_start3A_258 = tpu.memref_slice %arg9[%dma_start3A_256, %dma_start3A_257] : memref<80512x16xf32, #tpu.memory_space<vmem_shared>> -> memref<80512x16xf32, #tpu.memory_space<vmem_shared>>
        tpu.enqueue_indirect_dma source(%dma_start3A_252 : memref<128x16xf32, #tpu.memory_space<vmem>>) target(%dma_start3A_258 : memref<80512x16xf32, #tpu.memory_space<vmem_shared>>) offsets(%dma_start3A_255 : memref<128xi32, #tpu.memory_space<vmem>>) semaphore(%arg12 : memref<!tpu.dma_semaphore, #tpu.memory_space<semaphore_mem>>) {add = true}
        %mul3A_259 = arith.constant 5 : i32
        %mul3A_260 = arith.muli %mul3A_206, %mul3A_259 : i32
        %add3A_261 = arith.constant 1 : i32
        %add3A_262 = arith.addi %mul3A_260, %add3A_261 : i32
        %dma_start3A_263 = arith.constant 0 : i32
        %dma_start3A_264 = arith.constant 128 : i32
        %dma_start3A_265 = arith.constant 0 : i32
        %dma_start3A_266 = tpu.memref_slice %arg7[%dma_start3A_263, %dma_start3A_264, %dma_start3A_265] : memref<2x640x16xf32, #tpu.memory_space<vmem>> -> memref<1x128x16xf32, #tpu.memory_space<vmem>>
        %dma_start3A_267 = tpu.memref_squeeze %dma_start3A_266 : memref<1x128x16xf32, #tpu.memory_space<vmem>> -> memref<128x16xf32, #tpu.memory_space<vmem>>
        %dma_start3A_268 = arith.constant 0 : i32
        %dma_start3A_269 = tpu.memref_slice %arg8[%add3A_262, %dma_start3A_268] : memref<160x128xi32, #tpu.memory_space<vmem>> -> memref<1x128xi32, #tpu.memory_space<vmem>>
        %dma_start3A_270 = tpu.memref_squeeze %dma_start3A_269 : memref<1x128xi32, #tpu.memory_space<vmem>> -> memref<128xi32, #tpu.memory_space<vmem>>
        %dma_start3A_271 = arith.constant 0 : i32
        %dma_start3A_272 = arith.constant 0 : i32
        %dma_start3A_273 = tpu.memref_slice %arg9[%dma_start3A_271, %dma_start3A_272] : memref<80512x16xf32, #tpu.memory_space<vmem_shared>> -> memref<80512x16xf32, #tpu.memory_space<vmem_shared>>
        tpu.enqueue_indirect_dma source(%dma_start3A_267 : memref<128x16xf32, #tpu.memory_space<vmem>>) target(%dma_start3A_273 : memref<80512x16xf32, #tpu.memory_space<vmem_shared>>) offsets(%dma_start3A_270 : memref<128xi32, #tpu.memory_space<vmem>>) semaphore(%arg12 : memref<!tpu.dma_semaphore, #tpu.memory_space<semaphore_mem>>) {add = true}
        %mul3A_274 = arith.constant 5 : i32
        %mul3A_275 = arith.muli %mul3A_206, %mul3A_274 : i32
        %add3A_276 = arith.constant 2 : i32
        %add3A_277 = arith.addi %mul3A_275, %add3A_276 : i32
        %dma_start3A_278 = arith.constant 0 : i32
        %dma_start3A_279 = arith.constant 256 : i32
        %dma_start3A_280 = arith.constant 0 : i32
        %dma_start3A_281 = tpu.memref_slice %arg7[%dma_start3A_278, %dma_start3A_279, %dma_start3A_280] : memref<2x640x16xf32, #tpu.memory_space<vmem>> -> memref<1x128x16xf32, #tpu.memory_space<vmem>>
        %dma_start3A_282 = tpu.memref_squeeze %dma_start3A_281 : memref<1x128x16xf32, #tpu.memory_space<vmem>> -> memref<128x16xf32, #tpu.memory_space<vmem>>
        %dma_start3A_283 = arith.constant 0 : i32
        %dma_start3A_284 = tpu.memref_slice %arg8[%add3A_277, %dma_start3A_283] : memref<160x128xi32, #tpu.memory_space<vmem>> -> memref<1x128xi32, #tpu.memory_space<vmem>>
        %dma_start3A_285 = tpu.memref_squeeze %dma_start3A_284 : memref<1x128xi32, #tpu.memory_space<vmem>> -> memref<128xi32, #tpu.memory_space<vmem>>
        %dma_start3A_286 = arith.constant 0 : i32
        %dma_start3A_287 = arith.constant 0 : i32
        %dma_start3A_288 = tpu.memref_slice %arg9[%dma_start3A_286, %dma_start3A_287] : memref<80512x16xf32, #tpu.memory_space<vmem_shared>> -> memref<80512x16xf32, #tpu.memory_space<vmem_shared>>
        tpu.enqueue_indirect_dma source(%dma_start3A_282 : memref<128x16xf32, #tpu.memory_space<vmem>>) target(%dma_start3A_288 : memref<80512x16xf32, #tpu.memory_space<vmem_shared>>) offsets(%dma_start3A_285 : memref<128xi32, #tpu.memory_space<vmem>>) semaphore(%arg12 : memref<!tpu.dma_semaphore, #tpu.memory_space<semaphore_mem>>) {add = true}
        %mul3A_289 = arith.constant 5 : i32
        %mul3A_290 = arith.muli %mul3A_206, %mul3A_289 : i32
        %add3A_291 = arith.constant 3 : i32
        %add3A_292 = arith.addi %mul3A_290, %add3A_291 : i32
        %dma_start3A_293 = arith.constant 0 : i32
        %dma_start3A_294 = arith.constant 384 : i32
        %dma_start3A_295 = arith.constant 0 : i32
        %dma_start3A_296 = tpu.memref_slice %arg7[%dma_start3A_293, %dma_start3A_294, %dma_start3A_295] : memref<2x640x16xf32, #tpu.memory_space<vmem>> -> memref<1x128x16xf32, #tpu.memory_space<vmem>>
        %dma_start3A_297 = tpu.memref_squeeze %dma_start3A_296 : memref<1x128x16xf32, #tpu.memory_space<vmem>> -> memref<128x16xf32, #tpu.memory_space<vmem>>
        %dma_start3A_298 = arith.constant 0 : i32
        %dma_start3A_299 = tpu.memref_slice %arg8[%add3A_292, %dma_start3A_298] : memref<160x128xi32, #tpu.memory_space<vmem>> -> memref<1x128xi32, #tpu.memory_space<vmem>>
        %dma_start3A_300 = tpu.memref_squeeze %dma_start3A_299 : memref<1x128xi32, #tpu.memory_space<vmem>> -> memref<128xi32, #tpu.memory_space<vmem>>
        %dma_start3A_301 = arith.constant 0 : i32
        %dma_start3A_302 = arith.constant 0 : i32
        %dma_start3A_303 = tpu.memref_slice %arg9[%dma_start3A_301, %dma_start3A_302] : memref<80512x16xf32, #tpu.memory_space<vmem_shared>> -> memref<80512x16xf32, #tpu.memory_space<vmem_shared>>
        tpu.enqueue_indirect_dma source(%dma_start3A_297 : memref<128x16xf32, #tpu.memory_space<vmem>>) target(%dma_start3A_303 : memref<80512x16xf32, #tpu.memory_space<vmem_shared>>) offsets(%dma_start3A_300 : memref<128xi32, #tpu.memory_space<vmem>>) semaphore(%arg12 : memref<!tpu.dma_semaphore, #tpu.memory_space<semaphore_mem>>) {add = true}
        %mul3A_304 = arith.constant 5 : i32
        %mul3A_305 = arith.muli %mul3A_206, %mul3A_304 : i32
        %add3A_306 = arith.constant 4 : i32
        %add3A_307 = arith.addi %mul3A_305, %add3A_306 : i32
        %dma_start3A_308 = arith.constant 0 : i32
        %dma_start3A_309 = arith.constant 512 : i32
        %dma_start3A_310 = arith.constant 0 : i32
        %dma_start3A_311 = tpu.memref_slice %arg7[%dma_start3A_308, %dma_start3A_309, %dma_start3A_310] : memref<2x640x16xf32, #tpu.memory_space<vmem>> -> memref<1x128x16xf32, #tpu.memory_space<vmem>>
        %dma_start3A_312 = tpu.memref_squeeze %dma_start3A_311 : memref<1x128x16xf32, #tpu.memory_space<vmem>> -> memref<128x16xf32, #tpu.memory_space<vmem>>
        %dma_start3A_313 = arith.constant 0 : i32
        %dma_start3A_314 = tpu.memref_slice %arg8[%add3A_307, %dma_start3A_313] : memref<160x128xi32, #tpu.memory_space<vmem>> -> memref<1x128xi32, #tpu.memory_space<vmem>>
        %dma_start3A_315 = tpu.memref_squeeze %dma_start3A_314 : memref<1x128xi32, #tpu.memory_space<vmem>> -> memref<128xi32, #tpu.memory_space<vmem>>
        %dma_start3A_316 = arith.constant 0 : i32
        %dma_start3A_317 = arith.constant 0 : i32
        %dma_start3A_318 = tpu.memref_slice %arg9[%dma_start3A_316, %dma_start3A_317] : memref<80512x16xf32, #tpu.memory_space<vmem_shared>> -> memref<80512x16xf32, #tpu.memory_space<vmem_shared>>
        tpu.enqueue_indirect_dma source(%dma_start3A_312 : memref<128x16xf32, #tpu.memory_space<vmem>>) target(%dma_start3A_318 : memref<80512x16xf32, #tpu.memory_space<vmem_shared>>) offsets(%dma_start3A_315 : memref<128xi32, #tpu.memory_space<vmem>>) semaphore(%arg12 : memref<!tpu.dma_semaphore, #tpu.memory_space<semaphore_mem>>) {add = true}
        %dma_wait3A_319 = arith.constant 1 : i32
        %dma_wait3A_320 = arith.constant 0 : i32
        %dma_wait3A_321 = arith.constant 0 : i32
        %dma_wait3A_322 = tpu.memref_slice %arg7[%dma_wait3A_319, %dma_wait3A_320, %dma_wait3A_321] : memref<2x640x16xf32, #tpu.memory_space<vmem>> -> memref<1x640x16xf32, #tpu.memory_space<vmem>>
        %dma_wait3A_323 = tpu.memref_squeeze %dma_wait3A_322 : memref<1x640x16xf32, #tpu.memory_space<vmem>> -> memref<640x16xf32, #tpu.memory_space<vmem>>
        %dma_wait3A_324 = arith.constant 0 : i32
        %dma_wait3A_325 = arith.constant 0 : i32
        %dma_wait3A_326 = tpu.memref_slice %arg2[%dma_wait3A_324, %dma_wait3A_325] : memref<327680x128xf32, #tpu.memory_space<hbm>> -> memref<640x16xf32, #tpu.memory_space<hbm>>
        %dma_wait3A_327 = arith.constant 0 : i32
        %dma_wait3A_328 = arith.constant 0 : i32
        %dma_wait3A_329 = tpu.memref_slice %arg7[%dma_wait3A_319, %dma_wait3A_327, %dma_wait3A_328] : memref<2x640x16xf32, #tpu.memory_space<vmem>> -> memref<1x640x16xf32, #tpu.memory_space<vmem>>
        %dma_wait3A_330 = tpu.memref_squeeze %dma_wait3A_329 : memref<1x640x16xf32, #tpu.memory_space<vmem>> -> memref<640x16xf32, #tpu.memory_space<vmem>>
        %dma_wait3A_331 = arith.constant 0 : i32
        %dma_wait3A_332 = arith.constant 0 : i32
        %dma_wait3A_333 = tpu.memref_slice %arg2[%dma_wait3A_331, %dma_wait3A_332] : memref<327680x128xf32, #tpu.memory_space<hbm>> -> memref<640x16xf32, #tpu.memory_space<hbm>>
        tpu.wait_dma2 semaphore(%arg11 : memref<!tpu.dma_semaphore, #tpu.memory_space<semaphore_mem>>) src(%dma_wait3A_333 : memref<640x16xf32, #tpu.memory_space<hbm>>) dst(%dma_wait3A_330 : memref<640x16xf32, #tpu.memory_space<vmem>>)
        %mul3A_334 = arith.constant 5 : i32
        %mul3A_335 = arith.muli %mul3A_206, %mul3A_334 : i32
        %add3A_336 = arith.constant 0 : i32
        %add3A_337 = arith.addi %mul3A_335, %add3A_336 : i32
        %dma_wait3A_338 = arith.constant 0 : i32
        %dma_wait3A_339 = arith.constant 0 : i32
        %dma_wait3A_340 = arith.constant 0 : i32
        %dma_wait3A_341 = tpu.memref_slice %arg7[%dma_wait3A_338, %dma_wait3A_339, %dma_wait3A_340] : memref<2x640x16xf32, #tpu.memory_space<vmem>> -> memref<1x128x16xf32, #tpu.memory_space<vmem>>
        %dma_wait3A_342 = tpu.memref_squeeze %dma_wait3A_341 : memref<1x128x16xf32, #tpu.memory_space<vmem>> -> memref<128x16xf32, #tpu.memory_space<vmem>>
        %dma_wait3A_343 = arith.constant 0 : i32
        %dma_wait3A_344 = tpu.memref_slice %arg8[%add3A_337, %dma_wait3A_343] : memref<160x128xi32, #tpu.memory_space<vmem>> -> memref<1x128xi32, #tpu.memory_space<vmem>>
        %dma_wait3A_345 = tpu.memref_squeeze %dma_wait3A_344 : memref<1x128xi32, #tpu.memory_space<vmem>> -> memref<128xi32, #tpu.memory_space<vmem>>
        %dma_wait3A_346 = arith.constant 0 : i32
        %dma_wait3A_347 = arith.constant 0 : i32
        %dma_wait3A_348 = tpu.memref_slice %arg9[%dma_wait3A_346, %dma_wait3A_347] : memref<80512x16xf32, #tpu.memory_space<vmem_shared>> -> memref<80512x16xf32, #tpu.memory_space<vmem_shared>>
        tpu.wait_indirect_dma semaphore(%arg12 : memref<!tpu.dma_semaphore, #tpu.memory_space<semaphore_mem>>) src(%dma_wait3A_342 : memref<128x16xf32, #tpu.memory_space<vmem>>) dst(%dma_wait3A_348 : memref<80512x16xf32, #tpu.memory_space<vmem_shared>>)
        %mul3A_349 = arith.constant 5 : i32
        %mul3A_350 = arith.muli %mul3A_206, %mul3A_349 : i32
        %add3A_351 = arith.constant 1 : i32
        %add3A_352 = arith.addi %mul3A_350, %add3A_351 : i32
        %dma_wait3A_353 = arith.constant 0 : i32
        %dma_wait3A_354 = arith.constant 128 : i32
        %dma_wait3A_355 = arith.constant 0 : i32
        %dma_wait3A_356 = tpu.memref_slice %arg7[%dma_wait3A_353, %dma_wait3A_354, %dma_wait3A_355] : memref<2x640x16xf32, #tpu.memory_space<vmem>> -> memref<1x128x16xf32, #tpu.memory_space<vmem>>
        %dma_wait3A_357 = tpu.memref_squeeze %dma_wait3A_356 : memref<1x128x16xf32, #tpu.memory_space<vmem>> -> memref<128x16xf32, #tpu.memory_space<vmem>>
        %dma_wait3A_358 = arith.constant 0 : i32
        %dma_wait3A_359 = tpu.memref_slice %arg8[%add3A_352, %dma_wait3A_358] : memref<160x128xi32, #tpu.memory_space<vmem>> -> memref<1x128xi32, #tpu.memory_space<vmem>>
        %dma_wait3A_360 = tpu.memref_squeeze %dma_wait3A_359 : memref<1x128xi32, #tpu.memory_space<vmem>> -> memref<128xi32, #tpu.memory_space<vmem>>
        %dma_wait3A_361 = arith.constant 0 : i32
        %dma_wait3A_362 = arith.constant 0 : i32
        %dma_wait3A_363 = tpu.memref_slice %arg9[%dma_wait3A_361, %dma_wait3A_362] : memref<80512x16xf32, #tpu.memory_space<vmem_shared>> -> memref<80512x16xf32, #tpu.memory_space<vmem_shared>>
        tpu.wait_indirect_dma semaphore(%arg12 : memref<!tpu.dma_semaphore, #tpu.memory_space<semaphore_mem>>) src(%dma_wait3A_357 : memref<128x16xf32, #tpu.memory_space<vmem>>) dst(%dma_wait3A_363 : memref<80512x16xf32, #tpu.memory_space<vmem_shared>>)
        %mul3A_364 = arith.constant 5 : i32
        %mul3A_365 = arith.muli %mul3A_206, %mul3A_364 : i32
        %add3A_366 = arith.constant 2 : i32
        %add3A_367 = arith.addi %mul3A_365, %add3A_366 : i32
        %dma_wait3A_368 = arith.constant 0 : i32
        %dma_wait3A_369 = arith.constant 256 : i32
        %dma_wait3A_370 = arith.constant 0 : i32
        %dma_wait3A_371 = tpu.memref_slice %arg7[%dma_wait3A_368, %dma_wait3A_369, %dma_wait3A_370] : memref<2x640x16xf32, #tpu.memory_space<vmem>> -> memref<1x128x16xf32, #tpu.memory_space<vmem>>
        %dma_wait3A_372 = tpu.memref_squeeze %dma_wait3A_371 : memref<1x128x16xf32, #tpu.memory_space<vmem>> -> memref<128x16xf32, #tpu.memory_space<vmem>>
        %dma_wait3A_373 = arith.constant 0 : i32
        %dma_wait3A_374 = tpu.memref_slice %arg8[%add3A_367, %dma_wait3A_373] : memref<160x128xi32, #tpu.memory_space<vmem>> -> memref<1x128xi32, #tpu.memory_space<vmem>>
        %dma_wait3A_375 = tpu.memref_squeeze %dma_wait3A_374 : memref<1x128xi32, #tpu.memory_space<vmem>> -> memref<128xi32, #tpu.memory_space<vmem>>
        %dma_wait3A_376 = arith.constant 0 : i32
        %dma_wait3A_377 = arith.constant 0 : i32
        %dma_wait3A_378 = tpu.memref_slice %arg9[%dma_wait3A_376, %dma_wait3A_377] : memref<80512x16xf32, #tpu.memory_space<vmem_shared>> -> memref<80512x16xf32, #tpu.memory_space<vmem_shared>>
        tpu.wait_indirect_dma semaphore(%arg12 : memref<!tpu.dma_semaphore, #tpu.memory_space<semaphore_mem>>) src(%dma_wait3A_372 : memref<128x16xf32, #tpu.memory_space<vmem>>) dst(%dma_wait3A_378 : memref<80512x16xf32, #tpu.memory_space<vmem_shared>>)
        %mul3A_379 = arith.constant 5 : i32
        %mul3A_380 = arith.muli %mul3A_206, %mul3A_379 : i32
        %add3A_381 = arith.constant 3 : i32
        %add3A_382 = arith.addi %mul3A_380, %add3A_381 : i32
        %dma_wait3A_383 = arith.constant 0 : i32
        %dma_wait3A_384 = arith.constant 384 : i32
        %dma_wait3A_385 = arith.constant 0 : i32
        %dma_wait3A_386 = tpu.memref_slice %arg7[%dma_wait3A_383, %dma_wait3A_384, %dma_wait3A_385] : memref<2x640x16xf32, #tpu.memory_space<vmem>> -> memref<1x128x16xf32, #tpu.memory_space<vmem>>
        %dma_wait3A_387 = tpu.memref_squeeze %dma_wait3A_386 : memref<1x128x16xf32, #tpu.memory_space<vmem>> -> memref<128x16xf32, #tpu.memory_space<vmem>>
        %dma_wait3A_388 = arith.constant 0 : i32
        %dma_wait3A_389 = tpu.memref_slice %arg8[%add3A_382, %dma_wait3A_388] : memref<160x128xi32, #tpu.memory_space<vmem>> -> memref<1x128xi32, #tpu.memory_space<vmem>>
        %dma_wait3A_390 = tpu.memref_squeeze %dma_wait3A_389 : memref<1x128xi32, #tpu.memory_space<vmem>> -> memref<128xi32, #tpu.memory_space<vmem>>
        %dma_wait3A_391 = arith.constant 0 : i32
        %dma_wait3A_392 = arith.constant 0 : i32
        %dma_wait3A_393 = tpu.memref_slice %arg9[%dma_wait3A_391, %dma_wait3A_392] : memref<80512x16xf32, #tpu.memory_space<vmem_shared>> -> memref<80512x16xf32, #tpu.memory_space<vmem_shared>>
        tpu.wait_indirect_dma semaphore(%arg12 : memref<!tpu.dma_semaphore, #tpu.memory_space<semaphore_mem>>) src(%dma_wait3A_387 : memref<128x16xf32, #tpu.memory_space<vmem>>) dst(%dma_wait3A_393 : memref<80512x16xf32, #tpu.memory_space<vmem_shared>>)
        %mul3A_394 = arith.constant 5 : i32
        %mul3A_395 = arith.muli %mul3A_206, %mul3A_394 : i32
        %add3A_396 = arith.constant 4 : i32
        %add3A_397 = arith.addi %mul3A_395, %add3A_396 : i32
        %dma_wait3A_398 = arith.constant 0 : i32
        %dma_wait3A_399 = arith.constant 512 : i32
        %dma_wait3A_400 = arith.constant 0 : i32
        %dma_wait3A_401 = tpu.memref_slice %arg7[%dma_wait3A_398, %dma_wait3A_399, %dma_wait3A_400] : memref<2x640x16xf32, #tpu.memory_space<vmem>> -> memref<1x128x16xf32, #tpu.memory_space<vmem>>
        %dma_wait3A_402 = tpu.memref_squeeze %dma_wait3A_401 : memref<1x128x16xf32, #tpu.memory_space<vmem>> -> memref<128x16xf32, #tpu.memory_space<vmem>>
        %dma_wait3A_403 = arith.constant 0 : i32
        %dma_wait3A_404 = tpu.memref_slice %arg8[%add3A_397, %dma_wait3A_403] : memref<160x128xi32, #tpu.memory_space<vmem>> -> memref<1x128xi32, #tpu.memory_space<vmem>>
        %dma_wait3A_405 = tpu.memref_squeeze %dma_wait3A_404 : memref<1x128xi32, #tpu.memory_space<vmem>> -> memref<128xi32, #tpu.memory_space<vmem>>
        %dma_wait3A_406 = arith.constant 0 : i32
        %dma_wait3A_407 = arith.constant 0 : i32
        %dma_wait3A_408 = tpu.memref_slice %arg9[%dma_wait3A_406, %dma_wait3A_407] : memref<80512x16xf32, #tpu.memory_space<vmem_shared>> -> memref<80512x16xf32, #tpu.memory_space<vmem_shared>>
        tpu.wait_indirect_dma semaphore(%arg12 : memref<!tpu.dma_semaphore, #tpu.memory_space<semaphore_mem>>) src(%dma_wait3A_402 : memref<128x16xf32, #tpu.memory_space<vmem>>) dst(%dma_wait3A_408 : memref<80512x16xf32, #tpu.memory_space<vmem_shared>>)
        %lt3A = arith.constant 15 : i32
        %lt3A_409 = arith.cmpi slt, %scan3A_203, %lt3A : i32
        %convert_element_type3A_410 = arith.extui %lt3A_409 : i1 to i32
        %cond3A_411 = arith.constant 0 : i32
        %cond3A_412 = arith.cmpi ne, %convert_element_type3A_410, %cond3A_411 : i32
        scf.if %cond3A_412 {
          %add3A_491 = arith.constant 2 : i32
          %add3A_492 = arith.addi %mul3A_206, %add3A_491 : i32
          %mul3A_493 = arith.constant 5 : i32
          %mul3A_494 = arith.muli %add3A_492, %mul3A_493 : i32
          %add3A_495 = arith.addi %mul3A_2, %mul3A_494 : i32
          %mul3A_496 = arith.constant 128 : i32
          %mul3A_497 = arith.muli %add3A_495, %mul3A_496 : i32
          %mul3A_498 = arith.constant 16 : i32
          %mul3A_499 = arith.muli %scan3A_106, %mul3A_498 : i32
          %dma_start3A_500 = arith.constant 0 : i32
          %dma_start3A_501 = arith.constant 0 : i32
          %dma_start3A_502 = arith.constant 0 : i32
          %dma_start3A_503 = tpu.memref_slice %arg7[%dma_start3A_500, %dma_start3A_501, %dma_start3A_502] : memref<2x640x16xf32, #tpu.memory_space<vmem>> -> memref<1x640x16xf32, #tpu.memory_space<vmem>>
          %dma_start3A_504 = tpu.memref_squeeze %dma_start3A_503 : memref<1x640x16xf32, #tpu.memory_space<vmem>> -> memref<640x16xf32, #tpu.memory_space<vmem>>
          %dma_start3A_505 = tpu.memref_slice %arg2[%mul3A_497, %mul3A_499] : memref<327680x128xf32, #tpu.memory_space<hbm>> -> memref<640x16xf32, #tpu.memory_space<hbm>>
          %dma_start3A_506 = arith.constant 0 : i32
          %dma_start3A_507 = arith.constant 0 : i32
          %dma_start3A_508 = tpu.memref_slice %arg7[%dma_start3A_500, %dma_start3A_506, %dma_start3A_507] : memref<2x640x16xf32, #tpu.memory_space<vmem>> -> memref<1x640x16xf32, #tpu.memory_space<vmem>>
          %dma_start3A_509 = tpu.memref_squeeze %dma_start3A_508 : memref<1x640x16xf32, #tpu.memory_space<vmem>> -> memref<640x16xf32, #tpu.memory_space<vmem>>
          %dma_start3A_510 = tpu.memref_slice %arg2[%mul3A_497, %mul3A_499] : memref<327680x128xf32, #tpu.memory_space<hbm>> -> memref<640x16xf32, #tpu.memory_space<hbm>>
          tpu.enqueue_dma source(%dma_start3A_510 : memref<640x16xf32, #tpu.memory_space<hbm>>) target(%dma_start3A_509 : memref<640x16xf32, #tpu.memory_space<vmem>>) target_semaphore(%arg10 : memref<!tpu.dma_semaphore, #tpu.memory_space<semaphore_mem>>)
        } else {
        }
        %add3A_413 = arith.constant 1 : i32
        %add3A_414 = arith.addi %mul3A_206, %add3A_413 : i32
        %mul3A_415 = arith.constant 5 : i32
        %mul3A_416 = arith.muli %add3A_414, %mul3A_415 : i32
        %add3A_417 = arith.constant 0 : i32
        %add3A_418 = arith.addi %mul3A_416, %add3A_417 : i32
        %dma_start3A_419 = arith.constant 1 : i32
        %dma_start3A_420 = arith.constant 0 : i32
        %dma_start3A_421 = arith.constant 0 : i32
        %dma_start3A_422 = tpu.memref_slice %arg7[%dma_start3A_419, %dma_start3A_420, %dma_start3A_421] : memref<2x640x16xf32, #tpu.memory_space<vmem>> -> memref<1x128x16xf32, #tpu.memory_space<vmem>>
        %dma_start3A_423 = tpu.memref_squeeze %dma_start3A_422 : memref<1x128x16xf32, #tpu.memory_space<vmem>> -> memref<128x16xf32, #tpu.memory_space<vmem>>
        %dma_start3A_424 = arith.constant 0 : i32
        %dma_start3A_425 = tpu.memref_slice %arg8[%add3A_418, %dma_start3A_424] : memref<160x128xi32, #tpu.memory_space<vmem>> -> memref<1x128xi32, #tpu.memory_space<vmem>>
        %dma_start3A_426 = tpu.memref_squeeze %dma_start3A_425 : memref<1x128xi32, #tpu.memory_space<vmem>> -> memref<128xi32, #tpu.memory_space<vmem>>
        %dma_start3A_427 = arith.constant 0 : i32
        %dma_start3A_428 = arith.constant 0 : i32
        %dma_start3A_429 = tpu.memref_slice %arg9[%dma_start3A_427, %dma_start3A_428] : memref<80512x16xf32, #tpu.memory_space<vmem_shared>> -> memref<80512x16xf32, #tpu.memory_space<vmem_shared>>
        tpu.enqueue_indirect_dma source(%dma_start3A_423 : memref<128x16xf32, #tpu.memory_space<vmem>>) target(%dma_start3A_429 : memref<80512x16xf32, #tpu.memory_space<vmem_shared>>) offsets(%dma_start3A_426 : memref<128xi32, #tpu.memory_space<vmem>>) semaphore(%arg13 : memref<!tpu.dma_semaphore, #tpu.memory_space<semaphore_mem>>) {add = true}
        %mul3A_430 = arith.constant 5 : i32
        %mul3A_431 = arith.muli %add3A_414, %mul3A_430 : i32
        %add3A_432 = arith.constant 1 : i32
        %add3A_433 = arith.addi %mul3A_431, %add3A_432 : i32
        %dma_start3A_434 = arith.constant 1 : i32
        %dma_start3A_435 = arith.constant 128 : i32
        %dma_start3A_436 = arith.constant 0 : i32
        %dma_start3A_437 = tpu.memref_slice %arg7[%dma_start3A_434, %dma_start3A_435, %dma_start3A_436] : memref<2x640x16xf32, #tpu.memory_space<vmem>> -> memref<1x128x16xf32, #tpu.memory_space<vmem>>
        %dma_start3A_438 = tpu.memref_squeeze %dma_start3A_437 : memref<1x128x16xf32, #tpu.memory_space<vmem>> -> memref<128x16xf32, #tpu.memory_space<vmem>>
        %dma_start3A_439 = arith.constant 0 : i32
        %dma_start3A_440 = tpu.memref_slice %arg8[%add3A_433, %dma_start3A_439] : memref<160x128xi32, #tpu.memory_space<vmem>> -> memref<1x128xi32, #tpu.memory_space<vmem>>
        %dma_start3A_441 = tpu.memref_squeeze %dma_start3A_440 : memref<1x128xi32, #tpu.memory_space<vmem>> -> memref<128xi32, #tpu.memory_space<vmem>>
        %dma_start3A_442 = arith.constant 0 : i32
        %dma_start3A_443 = arith.constant 0 : i32
        %dma_start3A_444 = tpu.memref_slice %arg9[%dma_start3A_442, %dma_start3A_443] : memref<80512x16xf32, #tpu.memory_space<vmem_shared>> -> memref<80512x16xf32, #tpu.memory_space<vmem_shared>>
        tpu.enqueue_indirect_dma source(%dma_start3A_438 : memref<128x16xf32, #tpu.memory_space<vmem>>) target(%dma_start3A_444 : memref<80512x16xf32, #tpu.memory_space<vmem_shared>>) offsets(%dma_start3A_441 : memref<128xi32, #tpu.memory_space<vmem>>) semaphore(%arg13 : memref<!tpu.dma_semaphore, #tpu.memory_space<semaphore_mem>>) {add = true}
        %mul3A_445 = arith.constant 5 : i32
        %mul3A_446 = arith.muli %add3A_414, %mul3A_445 : i32
        %add3A_447 = arith.constant 2 : i32
        %add3A_448 = arith.addi %mul3A_446, %add3A_447 : i32
        %dma_start3A_449 = arith.constant 1 : i32
        %dma_start3A_450 = arith.constant 256 : i32
        %dma_start3A_451 = arith.constant 0 : i32
        %dma_start3A_452 = tpu.memref_slice %arg7[%dma_start3A_449, %dma_start3A_450, %dma_start3A_451] : memref<2x640x16xf32, #tpu.memory_space<vmem>> -> memref<1x128x16xf32, #tpu.memory_space<vmem>>
        %dma_start3A_453 = tpu.memref_squeeze %dma_start3A_452 : memref<1x128x16xf32, #tpu.memory_space<vmem>> -> memref<128x16xf32, #tpu.memory_space<vmem>>
        %dma_start3A_454 = arith.constant 0 : i32
        %dma_start3A_455 = tpu.memref_slice %arg8[%add3A_448, %dma_start3A_454] : memref<160x128xi32, #tpu.memory_space<vmem>> -> memref<1x128xi32, #tpu.memory_space<vmem>>
        %dma_start3A_456 = tpu.memref_squeeze %dma_start3A_455 : memref<1x128xi32, #tpu.memory_space<vmem>> -> memref<128xi32, #tpu.memory_space<vmem>>
        %dma_start3A_457 = arith.constant 0 : i32
        %dma_start3A_458 = arith.constant 0 : i32
        %dma_start3A_459 = tpu.memref_slice %arg9[%dma_start3A_457, %dma_start3A_458] : memref<80512x16xf32, #tpu.memory_space<vmem_shared>> -> memref<80512x16xf32, #tpu.memory_space<vmem_shared>>
        tpu.enqueue_indirect_dma source(%dma_start3A_453 : memref<128x16xf32, #tpu.memory_space<vmem>>) target(%dma_start3A_459 : memref<80512x16xf32, #tpu.memory_space<vmem_shared>>) offsets(%dma_start3A_456 : memref<128xi32, #tpu.memory_space<vmem>>) semaphore(%arg13 : memref<!tpu.dma_semaphore, #tpu.memory_space<semaphore_mem>>) {add = true}
        %mul3A_460 = arith.constant 5 : i32
        %mul3A_461 = arith.muli %add3A_414, %mul3A_460 : i32
        %add3A_462 = arith.constant 3 : i32
        %add3A_463 = arith.addi %mul3A_461, %add3A_462 : i32
        %dma_start3A_464 = arith.constant 1 : i32
        %dma_start3A_465 = arith.constant 384 : i32
        %dma_start3A_466 = arith.constant 0 : i32
        %dma_start3A_467 = tpu.memref_slice %arg7[%dma_start3A_464, %dma_start3A_465, %dma_start3A_466] : memref<2x640x16xf32, #tpu.memory_space<vmem>> -> memref<1x128x16xf32, #tpu.memory_space<vmem>>
        %dma_start3A_468 = tpu.memref_squeeze %dma_start3A_467 : memref<1x128x16xf32, #tpu.memory_space<vmem>> -> memref<128x16xf32, #tpu.memory_space<vmem>>
        %dma_start3A_469 = arith.constant 0 : i32
        %dma_start3A_470 = tpu.memref_slice %arg8[%add3A_463, %dma_start3A_469] : memref<160x128xi32, #tpu.memory_space<vmem>> -> memref<1x128xi32, #tpu.memory_space<vmem>>
        %dma_start3A_471 = tpu.memref_squeeze %dma_start3A_470 : memref<1x128xi32, #tpu.memory_space<vmem>> -> memref<128xi32, #tpu.memory_space<vmem>>
        %dma_start3A_472 = arith.constant 0 : i32
        %dma_start3A_473 = arith.constant 0 : i32
        %dma_start3A_474 = tpu.memref_slice %arg9[%dma_start3A_472, %dma_start3A_473] : memref<80512x16xf32, #tpu.memory_space<vmem_shared>> -> memref<80512x16xf32, #tpu.memory_space<vmem_shared>>
        tpu.enqueue_indirect_dma source(%dma_start3A_468 : memref<128x16xf32, #tpu.memory_space<vmem>>) target(%dma_start3A_474 : memref<80512x16xf32, #tpu.memory_space<vmem_shared>>) offsets(%dma_start3A_471 : memref<128xi32, #tpu.memory_space<vmem>>) semaphore(%arg13 : memref<!tpu.dma_semaphore, #tpu.memory_space<semaphore_mem>>) {add = true}
        %mul3A_475 = arith.constant 5 : i32
        %mul3A_476 = arith.muli %add3A_414, %mul3A_475 : i32
        %add3A_477 = arith.constant 4 : i32
        %add3A_478 = arith.addi %mul3A_476, %add3A_477 : i32
        %dma_start3A_479 = arith.constant 1 : i32
        %dma_start3A_480 = arith.constant 512 : i32
        %dma_start3A_481 = arith.constant 0 : i32
        %dma_start3A_482 = tpu.memref_slice %arg7[%dma_start3A_479, %dma_start3A_480, %dma_start3A_481] : memref<2x640x16xf32, #tpu.memory_space<vmem>> -> memref<1x128x16xf32, #tpu.memory_space<vmem>>
        %dma_start3A_483 = tpu.memref_squeeze %dma_start3A_482 : memref<1x128x16xf32, #tpu.memory_space<vmem>> -> memref<128x16xf32, #tpu.memory_space<vmem>>
        %dma_start3A_484 = arith.constant 0 : i32
        %dma_start3A_485 = tpu.memref_slice %arg8[%add3A_478, %dma_start3A_484] : memref<160x128xi32, #tpu.memory_space<vmem>> -> memref<1x128xi32, #tpu.memory_space<vmem>>
        %dma_start3A_486 = tpu.memref_squeeze %dma_start3A_485 : memref<1x128xi32, #tpu.memory_space<vmem>> -> memref<128xi32, #tpu.memory_space<vmem>>
        %dma_start3A_487 = arith.constant 0 : i32
        %dma_start3A_488 = arith.constant 0 : i32
        %dma_start3A_489 = tpu.memref_slice %arg9[%dma_start3A_487, %dma_start3A_488] : memref<80512x16xf32, #tpu.memory_space<vmem_shared>> -> memref<80512x16xf32, #tpu.memory_space<vmem_shared>>
        tpu.enqueue_indirect_dma source(%dma_start3A_483 : memref<128x16xf32, #tpu.memory_space<vmem>>) target(%dma_start3A_489 : memref<80512x16xf32, #tpu.memory_space<vmem_shared>>) offsets(%dma_start3A_486 : memref<128xi32, #tpu.memory_space<vmem>>) semaphore(%arg13 : memref<!tpu.dma_semaphore, #tpu.memory_space<semaphore_mem>>) {add = true}
        %scan3A_490 = arith.constant 0 : i32
        scf.yield %scan3A_490 : i32
      }
      %scan3A_134 = arith.constant 16 : i32
      %dma_wait3A_135 = arith.constant 1 : i32
      %dma_wait3A_136 = arith.constant 155 : i32
      %dma_wait3A_137 = arith.constant 0 : i32
      %dma_wait3A_138 = arith.constant 0 : i32
      %dma_wait3A_139 = tpu.memref_slice %arg7[%dma_wait3A_135, %dma_wait3A_137, %dma_wait3A_138] : memref<2x640x16xf32, #tpu.memory_space<vmem>> -> memref<1x128x16xf32, #tpu.memory_space<vmem>>
      %dma_wait3A_140 = tpu.memref_squeeze %dma_wait3A_139 : memref<1x128x16xf32, #tpu.memory_space<vmem>> -> memref<128x16xf32, #tpu.memory_space<vmem>>
      %dma_wait3A_141 = arith.constant 0 : i32
      %dma_wait3A_142 = tpu.memref_slice %arg8[%dma_wait3A_136, %dma_wait3A_141] : memref<160x128xi32, #tpu.memory_space<vmem>> -> memref<1x128xi32, #tpu.memory_space<vmem>>
      %dma_wait3A_143 = tpu.memref_squeeze %dma_wait3A_142 : memref<1x128xi32, #tpu.memory_space<vmem>> -> memref<128xi32, #tpu.memory_space<vmem>>
      %dma_wait3A_144 = arith.constant 0 : i32
      %dma_wait3A_145 = arith.constant 0 : i32
      %dma_wait3A_146 = tpu.memref_slice %arg9[%dma_wait3A_144, %dma_wait3A_145] : memref<80512x16xf32, #tpu.memory_space<vmem_shared>> -> memref<80512x16xf32, #tpu.memory_space<vmem_shared>>
      tpu.wait_indirect_dma semaphore(%arg13 : memref<!tpu.dma_semaphore, #tpu.memory_space<semaphore_mem>>) src(%dma_wait3A_140 : memref<128x16xf32, #tpu.memory_space<vmem>>) dst(%dma_wait3A_146 : memref<80512x16xf32, #tpu.memory_space<vmem_shared>>)
      %dma_wait3A_147 = arith.constant 1 : i32
      %dma_wait3A_148 = arith.constant 156 : i32
      %dma_wait3A_149 = arith.constant 128 : i32
      %dma_wait3A_150 = arith.constant 0 : i32
      %dma_wait3A_151 = tpu.memref_slice %arg7[%dma_wait3A_147, %dma_wait3A_149, %dma_wait3A_150] : memref<2x640x16xf32, #tpu.memory_space<vmem>> -> memref<1x128x16xf32, #tpu.memory_space<vmem>>
      %dma_wait3A_152 = tpu.memref_squeeze %dma_wait3A_151 : memref<1x128x16xf32, #tpu.memory_space<vmem>> -> memref<128x16xf32, #tpu.memory_space<vmem>>
      %dma_wait3A_153 = arith.constant 0 : i32
      %dma_wait3A_154 = tpu.memref_slice %arg8[%dma_wait3A_148, %dma_wait3A_153] : memref<160x128xi32, #tpu.memory_space<vmem>> -> memref<1x128xi32, #tpu.memory_space<vmem>>
      %dma_wait3A_155 = tpu.memref_squeeze %dma_wait3A_154 : memref<1x128xi32, #tpu.memory_space<vmem>> -> memref<128xi32, #tpu.memory_space<vmem>>
      %dma_wait3A_156 = arith.constant 0 : i32
      %dma_wait3A_157 = arith.constant 0 : i32
      %dma_wait3A_158 = tpu.memref_slice %arg9[%dma_wait3A_156, %dma_wait3A_157] : memref<80512x16xf32, #tpu.memory_space<vmem_shared>> -> memref<80512x16xf32, #tpu.memory_space<vmem_shared>>
      tpu.wait_indirect_dma semaphore(%arg13 : memref<!tpu.dma_semaphore, #tpu.memory_space<semaphore_mem>>) src(%dma_wait3A_152 : memref<128x16xf32, #tpu.memory_space<vmem>>) dst(%dma_wait3A_158 : memref<80512x16xf32, #tpu.memory_space<vmem_shared>>)
      %dma_wait3A_159 = arith.constant 1 : i32
      %dma_wait3A_160 = arith.constant 157 : i32
      %dma_wait3A_161 = arith.constant 256 : i32
      %dma_wait3A_162 = arith.constant 0 : i32
      %dma_wait3A_163 = tpu.memref_slice %arg7[%dma_wait3A_159, %dma_wait3A_161, %dma_wait3A_162] : memref<2x640x16xf32, #tpu.memory_space<vmem>> -> memref<1x128x16xf32, #tpu.memory_space<vmem>>
      %dma_wait3A_164 = tpu.memref_squeeze %dma_wait3A_163 : memref<1x128x16xf32, #tpu.memory_space<vmem>> -> memref<128x16xf32, #tpu.memory_space<vmem>>
      %dma_wait3A_165 = arith.constant 0 : i32
      %dma_wait3A_166 = tpu.memref_slice %arg8[%dma_wait3A_160, %dma_wait3A_165] : memref<160x128xi32, #tpu.memory_space<vmem>> -> memref<1x128xi32, #tpu.memory_space<vmem>>
      %dma_wait3A_167 = tpu.memref_squeeze %dma_wait3A_166 : memref<1x128xi32, #tpu.memory_space<vmem>> -> memref<128xi32, #tpu.memory_space<vmem>>
      %dma_wait3A_168 = arith.constant 0 : i32
      %dma_wait3A_169 = arith.constant 0 : i32
      %dma_wait3A_170 = tpu.memref_slice %arg9[%dma_wait3A_168, %dma_wait3A_169] : memref<80512x16xf32, #tpu.memory_space<vmem_shared>> -> memref<80512x16xf32, #tpu.memory_space<vmem_shared>>
      tpu.wait_indirect_dma semaphore(%arg13 : memref<!tpu.dma_semaphore, #tpu.memory_space<semaphore_mem>>) src(%dma_wait3A_164 : memref<128x16xf32, #tpu.memory_space<vmem>>) dst(%dma_wait3A_170 : memref<80512x16xf32, #tpu.memory_space<vmem_shared>>)
      %dma_wait3A_171 = arith.constant 1 : i32
      %dma_wait3A_172 = arith.constant 158 : i32
      %dma_wait3A_173 = arith.constant 384 : i32
      %dma_wait3A_174 = arith.constant 0 : i32
      %dma_wait3A_175 = tpu.memref_slice %arg7[%dma_wait3A_171, %dma_wait3A_173, %dma_wait3A_174] : memref<2x640x16xf32, #tpu.memory_space<vmem>> -> memref<1x128x16xf32, #tpu.memory_space<vmem>>
      %dma_wait3A_176 = tpu.memref_squeeze %dma_wait3A_175 : memref<1x128x16xf32, #tpu.memory_space<vmem>> -> memref<128x16xf32, #tpu.memory_space<vmem>>
      %dma_wait3A_177 = arith.constant 0 : i32
      %dma_wait3A_178 = tpu.memref_slice %arg8[%dma_wait3A_172, %dma_wait3A_177] : memref<160x128xi32, #tpu.memory_space<vmem>> -> memref<1x128xi32, #tpu.memory_space<vmem>>
      %dma_wait3A_179 = tpu.memref_squeeze %dma_wait3A_178 : memref<1x128xi32, #tpu.memory_space<vmem>> -> memref<128xi32, #tpu.memory_space<vmem>>
      %dma_wait3A_180 = arith.constant 0 : i32
      %dma_wait3A_181 = arith.constant 0 : i32
      %dma_wait3A_182 = tpu.memref_slice %arg9[%dma_wait3A_180, %dma_wait3A_181] : memref<80512x16xf32, #tpu.memory_space<vmem_shared>> -> memref<80512x16xf32, #tpu.memory_space<vmem_shared>>
      tpu.wait_indirect_dma semaphore(%arg13 : memref<!tpu.dma_semaphore, #tpu.memory_space<semaphore_mem>>) src(%dma_wait3A_176 : memref<128x16xf32, #tpu.memory_space<vmem>>) dst(%dma_wait3A_182 : memref<80512x16xf32, #tpu.memory_space<vmem_shared>>)
      %dma_wait3A_183 = arith.constant 1 : i32
      %dma_wait3A_184 = arith.constant 159 : i32
      %dma_wait3A_185 = arith.constant 512 : i32
      %dma_wait3A_186 = arith.constant 0 : i32
      %dma_wait3A_187 = tpu.memref_slice %arg7[%dma_wait3A_183, %dma_wait3A_185, %dma_wait3A_186] : memref<2x640x16xf32, #tpu.memory_space<vmem>> -> memref<1x128x16xf32, #tpu.memory_space<vmem>>
      %dma_wait3A_188 = tpu.memref_squeeze %dma_wait3A_187 : memref<1x128x16xf32, #tpu.memory_space<vmem>> -> memref<128x16xf32, #tpu.memory_space<vmem>>
      %dma_wait3A_189 = arith.constant 0 : i32
      %dma_wait3A_190 = tpu.memref_slice %arg8[%dma_wait3A_184, %dma_wait3A_189] : memref<160x128xi32, #tpu.memory_space<vmem>> -> memref<1x128xi32, #tpu.memory_space<vmem>>
      %dma_wait3A_191 = tpu.memref_squeeze %dma_wait3A_190 : memref<1x128xi32, #tpu.memory_space<vmem>> -> memref<128xi32, #tpu.memory_space<vmem>>
      %dma_wait3A_192 = arith.constant 0 : i32
      %dma_wait3A_193 = arith.constant 0 : i32
      %dma_wait3A_194 = tpu.memref_slice %arg9[%dma_wait3A_192, %dma_wait3A_193] : memref<80512x16xf32, #tpu.memory_space<vmem_shared>> -> memref<80512x16xf32, #tpu.memory_space<vmem_shared>>
      tpu.wait_indirect_dma semaphore(%arg13 : memref<!tpu.dma_semaphore, #tpu.memory_space<semaphore_mem>>) src(%dma_wait3A_188 : memref<128x16xf32, #tpu.memory_space<vmem>>) dst(%dma_wait3A_194 : memref<80512x16xf32, #tpu.memory_space<vmem_shared>>)
      %barrier3A_195 = arith.constant 0 : index
      tpu.barrier barrier_id(%barrier3A_195)
      %mul3A_196 = arith.constant 5000 : i32
      %mul3A_197 = arith.muli %arg1, %mul3A_196 : i32
      %add3A_198 = arith.addi %mul3A_0, %mul3A_197 : i32
      %mul3A_199 = arith.constant 16 : i32
      %mul3A_200 = arith.muli %scan3A_106, %mul3A_199 : i32
      "tpu.region"() ({
        %run_scoped3A = tpu.sem_alloc : memref<!tpu.dma_semaphore, #tpu.memory_space<semaphore_mem>>
        %dma_start3A_203 = tpu.memref_slice %arg5[%add3A_198, %mul3A_200] : memref<160000x128xf32, #tpu.memory_space<hbm>> -> memref<5000x16xf32, #tpu.memory_space<hbm>>
        %dma_start3A_204 = arith.constant 0 : i32
        %dma_start3A_205 = tpu.memref_slice %arg9[%mul3A_197, %dma_start3A_204] : memref<80512x16xf32, #tpu.memory_space<vmem_shared>> -> memref<5000x16xf32, #tpu.memory_space<vmem_shared>>
        tpu.enqueue_dma source(%dma_start3A_205 : memref<5000x16xf32, #tpu.memory_space<vmem_shared>>) target(%dma_start3A_203 : memref<5000x16xf32, #tpu.memory_space<hbm>>) target_semaphore(%run_scoped3A : memref<!tpu.dma_semaphore, #tpu.memory_space<semaphore_mem>>)
        %dma_wait3A_206 = tpu.memref_slice %arg5[%add3A_198, %mul3A_200] : memref<160000x128xf32, #tpu.memory_space<hbm>> -> memref<5000x16xf32, #tpu.memory_space<hbm>>
        %dma_wait3A_207 = arith.constant 0 : i32
        %dma_wait3A_208 = tpu.memref_slice %arg9[%mul3A_197, %dma_wait3A_207] : memref<80512x16xf32, #tpu.memory_space<vmem_shared>> -> memref<5000x16xf32, #tpu.memory_space<vmem_shared>>
        tpu.wait_dma2 semaphore(%run_scoped3A : memref<!tpu.dma_semaphore, #tpu.memory_space<semaphore_mem>>) src(%dma_wait3A_208 : memref<5000x16xf32, #tpu.memory_space<vmem_shared>>) dst(%dma_wait3A_206 : memref<5000x16xf32, #tpu.memory_space<hbm>>)
        tpu.yield
      }) : () -> ()
      %barrier3A_201 = arith.constant 0 : index
      tpu.barrier barrier_id(%barrier3A_201)
      %scan3A_202 = arith.constant 0 : i32
      scf.yield %scan3A_202 : i32
    }
    %scan3A_105 = arith.constant 7 : i32
    return
  }
}

#map = affine_map<(d0, d1) -> (0, 0)>
#map1 = affine_map<(d0, d1) -> (0)>
module attributes {stable_mosaic.version = 14 : i64} {
  func.func @_sc_gather_body(%arg0: i32, %arg1: i32, %arg2: memref<160000x128xf32, #tpu.memory_space<hbm>>, %arg3: memref<320000xi32, #tpu.memory_space<hbm>>, %arg4: memref<320000x128xf32, #tpu.memory_space<hbm>>, %arg5: memref<2x400xi32, #tpu.memory_space<vmem>>, %arg6: memref<2x400x128xf32, #tpu.memory_space<vmem>>, %arg7: memref<!tpu.dma_semaphore, #tpu.memory_space<semaphore_mem>>, %arg8: memref<!tpu.dma_semaphore, #tpu.memory_space<semaphore_mem>>, %arg9: memref<!tpu.dma_semaphore, #tpu.memory_space<semaphore_mem>>, %arg10: memref<!tpu.dma_semaphore, #tpu.memory_space<semaphore_mem>>) attributes {dimension_semantics = [#tpu.dimension_semantics<core_parallel>, #tpu.dimension_semantics<subcore_parallel>], iteration_bounds = array<i64: 2, 16>, scalar_prefetch = 0 : i64, scratch_operands = 6 : i64, tpu.core_type = #tpu.core_type<sc_vector_subcore>, window_params = [{transform_indices = #map}, {transform_indices = #map1}, {transform_indices = #map}]} {
    %mul3A = arith.constant 2 : i32
    %mul3A_0 = arith.muli %arg1, %mul3A : i32
    %add3A = arith.addi %mul3A_0, %arg0 : i32
    %mul3A_1 = arith.constant 10000 : i32
    %mul3A_2 = arith.muli %add3A, %mul3A_1 : i32
    %add3A_3 = arith.constant 0 : i32
    %add3A_4 = arith.addi %mul3A_2, %add3A_3 : i32
    %run_scoped3A = arith.constant 0 : i32
    "tpu.region"() ({
      %run_scoped3A_78 = tpu.sem_alloc : memref<!tpu.dma_semaphore, #tpu.memory_space<semaphore_mem>>
      %dma_start3A_79 = arith.constant 0 : i32
      %dma_start3A_80 = tpu.memref_slice %arg5[%run_scoped3A, %dma_start3A_79] : memref<2x400xi32, #tpu.memory_space<vmem>> -> memref<1x400xi32, #tpu.memory_space<vmem>>
      %dma_start3A_81 = tpu.memref_squeeze %dma_start3A_80 : memref<1x400xi32, #tpu.memory_space<vmem>> -> memref<400xi32, #tpu.memory_space<vmem>>
      %dma_start3A_82 = tpu.memref_slice %arg3[%add3A_4] : memref<320000xi32, #tpu.memory_space<hbm>> -> memref<400xi32, #tpu.memory_space<hbm>>
      %dma_start3A_83 = arith.constant 0 : i32
      %dma_start3A_84 = tpu.memref_slice %arg5[%run_scoped3A, %dma_start3A_83] : memref<2x400xi32, #tpu.memory_space<vmem>> -> memref<1x400xi32, #tpu.memory_space<vmem>>
      %dma_start3A_85 = tpu.memref_squeeze %dma_start3A_84 : memref<1x400xi32, #tpu.memory_space<vmem>> -> memref<400xi32, #tpu.memory_space<vmem>>
      %dma_start3A_86 = tpu.memref_slice %arg3[%add3A_4] : memref<320000xi32, #tpu.memory_space<hbm>> -> memref<400xi32, #tpu.memory_space<hbm>>
      tpu.enqueue_dma source(%dma_start3A_86 : memref<400xi32, #tpu.memory_space<hbm>>) target(%dma_start3A_85 : memref<400xi32, #tpu.memory_space<vmem>>) target_semaphore(%run_scoped3A_78 : memref<!tpu.dma_semaphore, #tpu.memory_space<semaphore_mem>>)
      %dma_wait3A_87 = arith.constant 0 : i32
      %dma_wait3A_88 = tpu.memref_slice %arg5[%run_scoped3A, %dma_wait3A_87] : memref<2x400xi32, #tpu.memory_space<vmem>> -> memref<1x400xi32, #tpu.memory_space<vmem>>
      %dma_wait3A_89 = tpu.memref_squeeze %dma_wait3A_88 : memref<1x400xi32, #tpu.memory_space<vmem>> -> memref<400xi32, #tpu.memory_space<vmem>>
      %dma_wait3A_90 = tpu.memref_slice %arg3[%add3A_4] : memref<320000xi32, #tpu.memory_space<hbm>> -> memref<400xi32, #tpu.memory_space<hbm>>
      %dma_wait3A_91 = arith.constant 0 : i32
      %dma_wait3A_92 = tpu.memref_slice %arg5[%run_scoped3A, %dma_wait3A_91] : memref<2x400xi32, #tpu.memory_space<vmem>> -> memref<1x400xi32, #tpu.memory_space<vmem>>
      %dma_wait3A_93 = tpu.memref_squeeze %dma_wait3A_92 : memref<1x400xi32, #tpu.memory_space<vmem>> -> memref<400xi32, #tpu.memory_space<vmem>>
      %dma_wait3A_94 = tpu.memref_slice %arg3[%add3A_4] : memref<320000xi32, #tpu.memory_space<hbm>> -> memref<400xi32, #tpu.memory_space<hbm>>
      tpu.wait_dma2 semaphore(%run_scoped3A_78 : memref<!tpu.dma_semaphore, #tpu.memory_space<semaphore_mem>>) src(%dma_wait3A_94 : memref<400xi32, #tpu.memory_space<hbm>>) dst(%dma_wait3A_93 : memref<400xi32, #tpu.memory_space<vmem>>)
      tpu.yield
    }) : () -> ()
    %dma_start3A = arith.constant 0 : i32
    %dma_start3A_5 = arith.constant 0 : i32
    %dma_start3A_6 = arith.constant 0 : i32
    %dma_start3A_7 = arith.constant 0 : i32
    %dma_start3A_8 = tpu.memref_slice %arg6[%dma_start3A_5, %dma_start3A_6, %dma_start3A_7] : memref<2x400x128xf32, #tpu.memory_space<vmem>> -> memref<1x400x128xf32, #tpu.memory_space<vmem>>
    %dma_start3A_9 = tpu.memref_squeeze %dma_start3A_8 : memref<1x400x128xf32, #tpu.memory_space<vmem>> -> memref<400x128xf32, #tpu.memory_space<vmem>>
    %dma_start3A_10 = arith.constant 0 : i32
    %dma_start3A_11 = tpu.memref_slice %arg5[%dma_start3A, %dma_start3A_10] : memref<2x400xi32, #tpu.memory_space<vmem>> -> memref<1x400xi32, #tpu.memory_space<vmem>>
    %dma_start3A_12 = tpu.memref_squeeze %dma_start3A_11 : memref<1x400xi32, #tpu.memory_space<vmem>> -> memref<400xi32, #tpu.memory_space<vmem>>
    %dma_start3A_13 = arith.constant 0 : i32
    %dma_start3A_14 = arith.constant 0 : i32
    %dma_start3A_15 = tpu.memref_slice %arg2[%dma_start3A_13, %dma_start3A_14] : memref<160000x128xf32, #tpu.memory_space<hbm>> -> memref<160000x128xf32, #tpu.memory_space<hbm>>
    tpu.enqueue_indirect_dma source(%dma_start3A_15 : memref<160000x128xf32, #tpu.memory_space<hbm>>) target(%dma_start3A_9 : memref<400x128xf32, #tpu.memory_space<vmem>>) offsets(%dma_start3A_12 : memref<400xi32, #tpu.memory_space<vmem>>) semaphore(%arg7 : memref<!tpu.dma_semaphore, #tpu.memory_space<semaphore_mem>>)
    %scan3A = arith.constant 0 : i32
    %scan3A_16 = arith.constant 0 : i32
    %scan3A_17 = arith.constant 12 : i32
    %scan3A_18 = arith.addi %scan3A_16, %scan3A_17 : i32
    %scan3A_19 = arith.constant 1 : i32
    %scan3A_20 = scf.for %scan3A_78 = %scan3A_16 to %scan3A_18 step %scan3A_19 iter_args(%scan3A_79 = %scan3A) -> (i32)  : i32 {
      %mul3A_80 = arith.constant 2 : i32
      %mul3A_81 = arith.muli %scan3A_78, %mul3A_80 : i32
      %add3A_82 = arith.constant 1 : i32
      %add3A_83 = arith.addi %mul3A_81, %add3A_82 : i32
      %mul3A_84 = arith.constant 400 : i32
      %mul3A_85 = arith.muli %add3A_83, %mul3A_84 : i32
      %add3A_86 = arith.addi %mul3A_2, %mul3A_85 : i32
      %run_scoped3A_87 = arith.constant 1 : i32
      "tpu.region"() ({
        %run_scoped3A_165 = tpu.sem_alloc : memref<!tpu.dma_semaphore, #tpu.memory_space<semaphore_mem>>
        %dma_start3A_166 = arith.constant 0 : i32
        %dma_start3A_167 = tpu.memref_slice %arg5[%run_scoped3A_87, %dma_start3A_166] : memref<2x400xi32, #tpu.memory_space<vmem>> -> memref<1x400xi32, #tpu.memory_space<vmem>>
        %dma_start3A_168 = tpu.memref_squeeze %dma_start3A_167 : memref<1x400xi32, #tpu.memory_space<vmem>> -> memref<400xi32, #tpu.memory_space<vmem>>
        %dma_start3A_169 = tpu.memref_slice %arg3[%add3A_86] : memref<320000xi32, #tpu.memory_space<hbm>> -> memref<400xi32, #tpu.memory_space<hbm>>
        %dma_start3A_170 = arith.constant 0 : i32
        %dma_start3A_171 = tpu.memref_slice %arg5[%run_scoped3A_87, %dma_start3A_170] : memref<2x400xi32, #tpu.memory_space<vmem>> -> memref<1x400xi32, #tpu.memory_space<vmem>>
        %dma_start3A_172 = tpu.memref_squeeze %dma_start3A_171 : memref<1x400xi32, #tpu.memory_space<vmem>> -> memref<400xi32, #tpu.memory_space<vmem>>
        %dma_start3A_173 = tpu.memref_slice %arg3[%add3A_86] : memref<320000xi32, #tpu.memory_space<hbm>> -> memref<400xi32, #tpu.memory_space<hbm>>
        tpu.enqueue_dma source(%dma_start3A_173 : memref<400xi32, #tpu.memory_space<hbm>>) target(%dma_start3A_172 : memref<400xi32, #tpu.memory_space<vmem>>) target_semaphore(%run_scoped3A_165 : memref<!tpu.dma_semaphore, #tpu.memory_space<semaphore_mem>>)
        %dma_wait3A_174 = arith.constant 0 : i32
        %dma_wait3A_175 = tpu.memref_slice %arg5[%run_scoped3A_87, %dma_wait3A_174] : memref<2x400xi32, #tpu.memory_space<vmem>> -> memref<1x400xi32, #tpu.memory_space<vmem>>
        %dma_wait3A_176 = tpu.memref_squeeze %dma_wait3A_175 : memref<1x400xi32, #tpu.memory_space<vmem>> -> memref<400xi32, #tpu.memory_space<vmem>>
        %dma_wait3A_177 = tpu.memref_slice %arg3[%add3A_86] : memref<320000xi32, #tpu.memory_space<hbm>> -> memref<400xi32, #tpu.memory_space<hbm>>
        %dma_wait3A_178 = arith.constant 0 : i32
        %dma_wait3A_179 = tpu.memref_slice %arg5[%run_scoped3A_87, %dma_wait3A_178] : memref<2x400xi32, #tpu.memory_space<vmem>> -> memref<1x400xi32, #tpu.memory_space<vmem>>
        %dma_wait3A_180 = tpu.memref_squeeze %dma_wait3A_179 : memref<1x400xi32, #tpu.memory_space<vmem>> -> memref<400xi32, #tpu.memory_space<vmem>>
        %dma_wait3A_181 = tpu.memref_slice %arg3[%add3A_86] : memref<320000xi32, #tpu.memory_space<hbm>> -> memref<400xi32, #tpu.memory_space<hbm>>
        tpu.wait_dma2 semaphore(%run_scoped3A_165 : memref<!tpu.dma_semaphore, #tpu.memory_space<semaphore_mem>>) src(%dma_wait3A_181 : memref<400xi32, #tpu.memory_space<hbm>>) dst(%dma_wait3A_180 : memref<400xi32, #tpu.memory_space<vmem>>)
        tpu.yield
      }) : () -> ()
      %gt3A = arith.constant 0 : i32
      %gt3A_88 = arith.cmpi sgt, %scan3A_78, %gt3A : i32
      %convert_element_type3A = arith.extui %gt3A_88 : i1 to i32
      %cond3A = arith.constant 0 : i32
      %cond3A_89 = arith.cmpi ne, %convert_element_type3A, %cond3A : i32
      scf.if %cond3A_89 {
        %dma_wait3A_165 = arith.constant 1 : i32
        %dma_wait3A_166 = arith.constant 0 : i32
        %dma_wait3A_167 = arith.constant 0 : i32
        %dma_wait3A_168 = tpu.memref_slice %arg6[%dma_wait3A_165, %dma_wait3A_166, %dma_wait3A_167] : memref<2x400x128xf32, #tpu.memory_space<vmem>> -> memref<1x400x128xf32, #tpu.memory_space<vmem>>
        %dma_wait3A_169 = tpu.memref_squeeze %dma_wait3A_168 : memref<1x400x128xf32, #tpu.memory_space<vmem>> -> memref<400x128xf32, #tpu.memory_space<vmem>>
        %dma_wait3A_170 = arith.constant 0 : i32
        %dma_wait3A_171 = arith.constant 0 : i32
        %dma_wait3A_172 = tpu.memref_slice %arg4[%dma_wait3A_170, %dma_wait3A_171] : memref<320000x128xf32, #tpu.memory_space<hbm>> -> memref<400x128xf32, #tpu.memory_space<hbm>>
        %dma_wait3A_173 = arith.constant 0 : i32
        %dma_wait3A_174 = arith.constant 0 : i32
        %dma_wait3A_175 = tpu.memref_slice %arg4[%dma_wait3A_173, %dma_wait3A_174] : memref<320000x128xf32, #tpu.memory_space<hbm>> -> memref<400x128xf32, #tpu.memory_space<hbm>>
        %dma_wait3A_176 = arith.constant 0 : i32
        %dma_wait3A_177 = arith.constant 0 : i32
        %dma_wait3A_178 = tpu.memref_slice %arg6[%dma_wait3A_165, %dma_wait3A_176, %dma_wait3A_177] : memref<2x400x128xf32, #tpu.memory_space<vmem>> -> memref<1x400x128xf32, #tpu.memory_space<vmem>>
        %dma_wait3A_179 = tpu.memref_squeeze %dma_wait3A_178 : memref<1x400x128xf32, #tpu.memory_space<vmem>> -> memref<400x128xf32, #tpu.memory_space<vmem>>
        tpu.wait_dma2 semaphore(%arg10 : memref<!tpu.dma_semaphore, #tpu.memory_space<semaphore_mem>>) src(%dma_wait3A_179 : memref<400x128xf32, #tpu.memory_space<vmem>>) dst(%dma_wait3A_175 : memref<400x128xf32, #tpu.memory_space<hbm>>)
      } else {
      }
      %dma_start3A_90 = arith.constant 1 : i32
      %dma_start3A_91 = arith.constant 1 : i32
      %dma_start3A_92 = arith.constant 0 : i32
      %dma_start3A_93 = arith.constant 0 : i32
      %dma_start3A_94 = tpu.memref_slice %arg6[%dma_start3A_91, %dma_start3A_92, %dma_start3A_93] : memref<2x400x128xf32, #tpu.memory_space<vmem>> -> memref<1x400x128xf32, #tpu.memory_space<vmem>>
      %dma_start3A_95 = tpu.memref_squeeze %dma_start3A_94 : memref<1x400x128xf32, #tpu.memory_space<vmem>> -> memref<400x128xf32, #tpu.memory_space<vmem>>
      %dma_start3A_96 = arith.constant 0 : i32
      %dma_start3A_97 = tpu.memref_slice %arg5[%dma_start3A_90, %dma_start3A_96] : memref<2x400xi32, #tpu.memory_space<vmem>> -> memref<1x400xi32, #tpu.memory_space<vmem>>
      %dma_start3A_98 = tpu.memref_squeeze %dma_start3A_97 : memref<1x400xi32, #tpu.memory_space<vmem>> -> memref<400xi32, #tpu.memory_space<vmem>>
      %dma_start3A_99 = arith.constant 0 : i32
      %dma_start3A_100 = arith.constant 0 : i32
      %dma_start3A_101 = tpu.memref_slice %arg2[%dma_start3A_99, %dma_start3A_100] : memref<160000x128xf32, #tpu.memory_space<hbm>> -> memref<160000x128xf32, #tpu.memory_space<hbm>>
      tpu.enqueue_indirect_dma source(%dma_start3A_101 : memref<160000x128xf32, #tpu.memory_space<hbm>>) target(%dma_start3A_95 : memref<400x128xf32, #tpu.memory_space<vmem>>) offsets(%dma_start3A_98 : memref<400xi32, #tpu.memory_space<vmem>>) semaphore(%arg8 : memref<!tpu.dma_semaphore, #tpu.memory_space<semaphore_mem>>)
      %dma_wait3A_102 = arith.constant 0 : i32
      %dma_wait3A_103 = arith.constant 0 : i32
      %dma_wait3A_104 = arith.constant 0 : i32
      %dma_wait3A_105 = arith.constant 0 : i32
      %dma_wait3A_106 = tpu.memref_slice %arg6[%dma_wait3A_103, %dma_wait3A_104, %dma_wait3A_105] : memref<2x400x128xf32, #tpu.memory_space<vmem>> -> memref<1x400x128xf32, #tpu.memory_space<vmem>>
      %dma_wait3A_107 = tpu.memref_squeeze %dma_wait3A_106 : memref<1x400x128xf32, #tpu.memory_space<vmem>> -> memref<400x128xf32, #tpu.memory_space<vmem>>
      %dma_wait3A_108 = arith.constant 0 : i32
      %dma_wait3A_109 = tpu.memref_slice %arg5[%dma_wait3A_102, %dma_wait3A_108] : memref<2x400xi32, #tpu.memory_space<vmem>> -> memref<1x400xi32, #tpu.memory_space<vmem>>
      %dma_wait3A_110 = tpu.memref_squeeze %dma_wait3A_109 : memref<1x400xi32, #tpu.memory_space<vmem>> -> memref<400xi32, #tpu.memory_space<vmem>>
      %dma_wait3A_111 = arith.constant 0 : i32
      %dma_wait3A_112 = arith.constant 0 : i32
      %dma_wait3A_113 = tpu.memref_slice %arg2[%dma_wait3A_111, %dma_wait3A_112] : memref<160000x128xf32, #tpu.memory_space<hbm>> -> memref<160000x128xf32, #tpu.memory_space<hbm>>
      tpu.wait_indirect_dma semaphore(%arg7 : memref<!tpu.dma_semaphore, #tpu.memory_space<semaphore_mem>>) src(%dma_wait3A_113 : memref<160000x128xf32, #tpu.memory_space<hbm>>) dst(%dma_wait3A_107 : memref<400x128xf32, #tpu.memory_space<vmem>>)
      %mul3A_114 = arith.constant 400 : i32
      %mul3A_115 = arith.muli %mul3A_81, %mul3A_114 : i32
      %add3A_116 = arith.addi %mul3A_2, %mul3A_115 : i32
      %dma_start3A_117 = arith.constant 0 : i32
      %dma_start3A_118 = arith.constant 0 : i32
      %dma_start3A_119 = arith.constant 0 : i32
      %dma_start3A_120 = tpu.memref_slice %arg6[%dma_start3A_117, %dma_start3A_118, %dma_start3A_119] : memref<2x400x128xf32, #tpu.memory_space<vmem>> -> memref<1x400x128xf32, #tpu.memory_space<vmem>>
      %dma_start3A_121 = tpu.memref_squeeze %dma_start3A_120 : memref<1x400x128xf32, #tpu.memory_space<vmem>> -> memref<400x128xf32, #tpu.memory_space<vmem>>
      %dma_start3A_122 = arith.constant 0 : i32
      %dma_start3A_123 = tpu.memref_slice %arg4[%add3A_116, %dma_start3A_122] : memref<320000x128xf32, #tpu.memory_space<hbm>> -> memref<400x128xf32, #tpu.memory_space<hbm>>
      %dma_start3A_124 = arith.constant 0 : i32
      %dma_start3A_125 = tpu.memref_slice %arg4[%add3A_116, %dma_start3A_124] : memref<320000x128xf32, #tpu.memory_space<hbm>> -> memref<400x128xf32, #tpu.memory_space<hbm>>
      %dma_start3A_126 = arith.constant 0 : i32
      %dma_start3A_127 = arith.constant 0 : i32
      %dma_start3A_128 = tpu.memref_slice %arg6[%dma_start3A_117, %dma_start3A_126, %dma_start3A_127] : memref<2x400x128xf32, #tpu.memory_space<vmem>> -> memref<1x400x128xf32, #tpu.memory_space<vmem>>
      %dma_start3A_129 = tpu.memref_squeeze %dma_start3A_128 : memref<1x400x128xf32, #tpu.memory_space<vmem>> -> memref<400x128xf32, #tpu.memory_space<vmem>>
      tpu.enqueue_dma source(%dma_start3A_129 : memref<400x128xf32, #tpu.memory_space<vmem>>) target(%dma_start3A_125 : memref<400x128xf32, #tpu.memory_space<hbm>>) target_semaphore(%arg9 : memref<!tpu.dma_semaphore, #tpu.memory_space<semaphore_mem>>)
      %lt3A = arith.constant 12 : i32
      %lt3A_130 = arith.cmpi slt, %scan3A_78, %lt3A : i32
      %convert_element_type3A_131 = arith.extui %lt3A_130 : i1 to i32
      %cond3A_132 = arith.constant 0 : i32
      %cond3A_133 = arith.cmpi ne, %convert_element_type3A_131, %cond3A_132 : i32
      scf.if %cond3A_133 {
        %add3A_165 = arith.constant 2 : i32
        %add3A_166 = arith.addi %mul3A_81, %add3A_165 : i32
        %mul3A_167 = arith.constant 400 : i32
        %mul3A_168 = arith.muli %add3A_166, %mul3A_167 : i32
        %add3A_169 = arith.addi %mul3A_2, %mul3A_168 : i32
        %run_scoped3A_170 = arith.constant 0 : i32
        "tpu.region"() ({
          %run_scoped3A_198 = tpu.sem_alloc : memref<!tpu.dma_semaphore, #tpu.memory_space<semaphore_mem>>
          %dma_start3A_199 = arith.constant 0 : i32
          %dma_start3A_200 = tpu.memref_slice %arg5[%run_scoped3A_170, %dma_start3A_199] : memref<2x400xi32, #tpu.memory_space<vmem>> -> memref<1x400xi32, #tpu.memory_space<vmem>>
          %dma_start3A_201 = tpu.memref_squeeze %dma_start3A_200 : memref<1x400xi32, #tpu.memory_space<vmem>> -> memref<400xi32, #tpu.memory_space<vmem>>
          %dma_start3A_202 = tpu.memref_slice %arg3[%add3A_169] : memref<320000xi32, #tpu.memory_space<hbm>> -> memref<400xi32, #tpu.memory_space<hbm>>
          %dma_start3A_203 = arith.constant 0 : i32
          %dma_start3A_204 = tpu.memref_slice %arg5[%run_scoped3A_170, %dma_start3A_203] : memref<2x400xi32, #tpu.memory_space<vmem>> -> memref<1x400xi32, #tpu.memory_space<vmem>>
          %dma_start3A_205 = tpu.memref_squeeze %dma_start3A_204 : memref<1x400xi32, #tpu.memory_space<vmem>> -> memref<400xi32, #tpu.memory_space<vmem>>
          %dma_start3A_206 = tpu.memref_slice %arg3[%add3A_169] : memref<320000xi32, #tpu.memory_space<hbm>> -> memref<400xi32, #tpu.memory_space<hbm>>
          tpu.enqueue_dma source(%dma_start3A_206 : memref<400xi32, #tpu.memory_space<hbm>>) target(%dma_start3A_205 : memref<400xi32, #tpu.memory_space<vmem>>) target_semaphore(%run_scoped3A_198 : memref<!tpu.dma_semaphore, #tpu.memory_space<semaphore_mem>>)
          %dma_wait3A_207 = arith.constant 0 : i32
          %dma_wait3A_208 = tpu.memref_slice %arg5[%run_scoped3A_170, %dma_wait3A_207] : memref<2x400xi32, #tpu.memory_space<vmem>> -> memref<1x400xi32, #tpu.memory_space<vmem>>
          %dma_wait3A_209 = tpu.memref_squeeze %dma_wait3A_208 : memref<1x400xi32, #tpu.memory_space<vmem>> -> memref<400xi32, #tpu.memory_space<vmem>>
          %dma_wait3A_210 = tpu.memref_slice %arg3[%add3A_169] : memref<320000xi32, #tpu.memory_space<hbm>> -> memref<400xi32, #tpu.memory_space<hbm>>
          %dma_wait3A_211 = arith.constant 0 : i32
          %dma_wait3A_212 = tpu.memref_slice %arg5[%run_scoped3A_170, %dma_wait3A_211] : memref<2x400xi32, #tpu.memory_space<vmem>> -> memref<1x400xi32, #tpu.memory_space<vmem>>
          %dma_wait3A_213 = tpu.memref_squeeze %dma_wait3A_212 : memref<1x400xi32, #tpu.memory_space<vmem>> -> memref<400xi32, #tpu.memory_space<vmem>>
          %dma_wait3A_214 = tpu.memref_slice %arg3[%add3A_169] : memref<320000xi32, #tpu.memory_space<hbm>> -> memref<400xi32, #tpu.memory_space<hbm>>
          tpu.wait_dma2 semaphore(%run_scoped3A_198 : memref<!tpu.dma_semaphore, #tpu.memory_space<semaphore_mem>>) src(%dma_wait3A_214 : memref<400xi32, #tpu.memory_space<hbm>>) dst(%dma_wait3A_213 : memref<400xi32, #tpu.memory_space<vmem>>)
          tpu.yield
        }) : () -> ()
        %dma_wait3A_171 = arith.constant 0 : i32
        %dma_wait3A_172 = arith.constant 0 : i32
        %dma_wait3A_173 = arith.constant 0 : i32
        %dma_wait3A_174 = tpu.memref_slice %arg6[%dma_wait3A_171, %dma_wait3A_172, %dma_wait3A_173] : memref<2x400x128xf32, #tpu.memory_space<vmem>> -> memref<1x400x128xf32, #tpu.memory_space<vmem>>
        %dma_wait3A_175 = tpu.memref_squeeze %dma_wait3A_174 : memref<1x400x128xf32, #tpu.memory_space<vmem>> -> memref<400x128xf32, #tpu.memory_space<vmem>>
        %dma_wait3A_176 = arith.constant 0 : i32
        %dma_wait3A_177 = arith.constant 0 : i32
        %dma_wait3A_178 = tpu.memref_slice %arg4[%dma_wait3A_176, %dma_wait3A_177] : memref<320000x128xf32, #tpu.memory_space<hbm>> -> memref<400x128xf32, #tpu.memory_space<hbm>>
        %dma_wait3A_179 = arith.constant 0 : i32
        %dma_wait3A_180 = arith.constant 0 : i32
        %dma_wait3A_181 = tpu.memref_slice %arg4[%dma_wait3A_179, %dma_wait3A_180] : memref<320000x128xf32, #tpu.memory_space<hbm>> -> memref<400x128xf32, #tpu.memory_space<hbm>>
        %dma_wait3A_182 = arith.constant 0 : i32
        %dma_wait3A_183 = arith.constant 0 : i32
        %dma_wait3A_184 = tpu.memref_slice %arg6[%dma_wait3A_171, %dma_wait3A_182, %dma_wait3A_183] : memref<2x400x128xf32, #tpu.memory_space<vmem>> -> memref<1x400x128xf32, #tpu.memory_space<vmem>>
        %dma_wait3A_185 = tpu.memref_squeeze %dma_wait3A_184 : memref<1x400x128xf32, #tpu.memory_space<vmem>> -> memref<400x128xf32, #tpu.memory_space<vmem>>
        tpu.wait_dma2 semaphore(%arg9 : memref<!tpu.dma_semaphore, #tpu.memory_space<semaphore_mem>>) src(%dma_wait3A_185 : memref<400x128xf32, #tpu.memory_space<vmem>>) dst(%dma_wait3A_181 : memref<400x128xf32, #tpu.memory_space<hbm>>)
        %dma_start3A_186 = arith.constant 0 : i32
        %dma_start3A_187 = arith.constant 0 : i32
        %dma_start3A_188 = arith.constant 0 : i32
        %dma_start3A_189 = arith.constant 0 : i32
        %dma_start3A_190 = tpu.memref_slice %arg6[%dma_start3A_187, %dma_start3A_188, %dma_start3A_189] : memref<2x400x128xf32, #tpu.memory_space<vmem>> -> memref<1x400x128xf32, #tpu.memory_space<vmem>>
        %dma_start3A_191 = tpu.memref_squeeze %dma_start3A_190 : memref<1x400x128xf32, #tpu.memory_space<vmem>> -> memref<400x128xf32, #tpu.memory_space<vmem>>
        %dma_start3A_192 = arith.constant 0 : i32
        %dma_start3A_193 = tpu.memref_slice %arg5[%dma_start3A_186, %dma_start3A_192] : memref<2x400xi32, #tpu.memory_space<vmem>> -> memref<1x400xi32, #tpu.memory_space<vmem>>
        %dma_start3A_194 = tpu.memref_squeeze %dma_start3A_193 : memref<1x400xi32, #tpu.memory_space<vmem>> -> memref<400xi32, #tpu.memory_space<vmem>>
        %dma_start3A_195 = arith.constant 0 : i32
        %dma_start3A_196 = arith.constant 0 : i32
        %dma_start3A_197 = tpu.memref_slice %arg2[%dma_start3A_195, %dma_start3A_196] : memref<160000x128xf32, #tpu.memory_space<hbm>> -> memref<160000x128xf32, #tpu.memory_space<hbm>>
        tpu.enqueue_indirect_dma source(%dma_start3A_197 : memref<160000x128xf32, #tpu.memory_space<hbm>>) target(%dma_start3A_191 : memref<400x128xf32, #tpu.memory_space<vmem>>) offsets(%dma_start3A_194 : memref<400xi32, #tpu.memory_space<vmem>>) semaphore(%arg7 : memref<!tpu.dma_semaphore, #tpu.memory_space<semaphore_mem>>)
      } else {
      }
      %dma_wait3A_134 = arith.constant 1 : i32
      %dma_wait3A_135 = arith.constant 1 : i32
      %dma_wait3A_136 = arith.constant 0 : i32
      %dma_wait3A_137 = arith.constant 0 : i32
      %dma_wait3A_138 = tpu.memref_slice %arg6[%dma_wait3A_135, %dma_wait3A_136, %dma_wait3A_137] : memref<2x400x128xf32, #tpu.memory_space<vmem>> -> memref<1x400x128xf32, #tpu.memory_space<vmem>>
      %dma_wait3A_139 = tpu.memref_squeeze %dma_wait3A_138 : memref<1x400x128xf32, #tpu.memory_space<vmem>> -> memref<400x128xf32, #tpu.memory_space<vmem>>
      %dma_wait3A_140 = arith.constant 0 : i32
      %dma_wait3A_141 = tpu.memref_slice %arg5[%dma_wait3A_134, %dma_wait3A_140] : memref<2x400xi32, #tpu.memory_space<vmem>> -> memref<1x400xi32, #tpu.memory_space<vmem>>
      %dma_wait3A_142 = tpu.memref_squeeze %dma_wait3A_141 : memref<1x400xi32, #tpu.memory_space<vmem>> -> memref<400xi32, #tpu.memory_space<vmem>>
      %dma_wait3A_143 = arith.constant 0 : i32
      %dma_wait3A_144 = arith.constant 0 : i32
      %dma_wait3A_145 = tpu.memref_slice %arg2[%dma_wait3A_143, %dma_wait3A_144] : memref<160000x128xf32, #tpu.memory_space<hbm>> -> memref<160000x128xf32, #tpu.memory_space<hbm>>
      tpu.wait_indirect_dma semaphore(%arg8 : memref<!tpu.dma_semaphore, #tpu.memory_space<semaphore_mem>>) src(%dma_wait3A_145 : memref<160000x128xf32, #tpu.memory_space<hbm>>) dst(%dma_wait3A_139 : memref<400x128xf32, #tpu.memory_space<vmem>>)
      %add3A_146 = arith.constant 1 : i32
      %add3A_147 = arith.addi %mul3A_81, %add3A_146 : i32
      %mul3A_148 = arith.constant 400 : i32
      %mul3A_149 = arith.muli %add3A_147, %mul3A_148 : i32
      %add3A_150 = arith.addi %mul3A_2, %mul3A_149 : i32
      %dma_start3A_151 = arith.constant 1 : i32
      %dma_start3A_152 = arith.constant 0 : i32
      %dma_start3A_153 = arith.constant 0 : i32
      %dma_start3A_154 = tpu.memref_slice %arg6[%dma_start3A_151, %dma_start3A_152, %dma_start3A_153] : memref<2x400x128xf32, #tpu.memory_space<vmem>> -> memref<1x400x128xf32, #tpu.memory_space<vmem>>
      %dma_start3A_155 = tpu.memref_squeeze %dma_start3A_154 : memref<1x400x128xf32, #tpu.memory_space<vmem>> -> memref<400x128xf32, #tpu.memory_space<vmem>>
      %dma_start3A_156 = arith.constant 0 : i32
      %dma_start3A_157 = tpu.memref_slice %arg4[%add3A_150, %dma_start3A_156] : memref<320000x128xf32, #tpu.memory_space<hbm>> -> memref<400x128xf32, #tpu.memory_space<hbm>>
      %dma_start3A_158 = arith.constant 0 : i32
      %dma_start3A_159 = tpu.memref_slice %arg4[%add3A_150, %dma_start3A_158] : memref<320000x128xf32, #tpu.memory_space<hbm>> -> memref<400x128xf32, #tpu.memory_space<hbm>>
      %dma_start3A_160 = arith.constant 0 : i32
      %dma_start3A_161 = arith.constant 0 : i32
      %dma_start3A_162 = tpu.memref_slice %arg6[%dma_start3A_151, %dma_start3A_160, %dma_start3A_161] : memref<2x400x128xf32, #tpu.memory_space<vmem>> -> memref<1x400x128xf32, #tpu.memory_space<vmem>>
      %dma_start3A_163 = tpu.memref_squeeze %dma_start3A_162 : memref<1x400x128xf32, #tpu.memory_space<vmem>> -> memref<400x128xf32, #tpu.memory_space<vmem>>
      tpu.enqueue_dma source(%dma_start3A_163 : memref<400x128xf32, #tpu.memory_space<vmem>>) target(%dma_start3A_159 : memref<400x128xf32, #tpu.memory_space<hbm>>) target_semaphore(%arg10 : memref<!tpu.dma_semaphore, #tpu.memory_space<semaphore_mem>>)
      %scan3A_164 = arith.constant 0 : i32
      scf.yield %scan3A_164 : i32
    }
    %scan3A_21 = arith.constant 12 : i32
    %dma_wait3A = arith.constant 0 : i32
    %dma_wait3A_22 = arith.constant 0 : i32
    %dma_wait3A_23 = arith.constant 0 : i32
    %dma_wait3A_24 = arith.constant 0 : i32
    %dma_wait3A_25 = tpu.memref_slice %arg6[%dma_wait3A_22, %dma_wait3A_23, %dma_wait3A_24] : memref<2x400x128xf32, #tpu.memory_space<vmem>> -> memref<1x400x128xf32, #tpu.memory_space<vmem>>
    %dma_wait3A_26 = tpu.memref_squeeze %dma_wait3A_25 : memref<1x400x128xf32, #tpu.memory_space<vmem>> -> memref<400x128xf32, #tpu.memory_space<vmem>>
    %dma_wait3A_27 = arith.constant 0 : i32
    %dma_wait3A_28 = tpu.memref_slice %arg5[%dma_wait3A, %dma_wait3A_27] : memref<2x400xi32, #tpu.memory_space<vmem>> -> memref<1x400xi32, #tpu.memory_space<vmem>>
    %dma_wait3A_29 = tpu.memref_squeeze %dma_wait3A_28 : memref<1x400xi32, #tpu.memory_space<vmem>> -> memref<400xi32, #tpu.memory_space<vmem>>
    %dma_wait3A_30 = arith.constant 0 : i32
    %dma_wait3A_31 = arith.constant 0 : i32
    %dma_wait3A_32 = tpu.memref_slice %arg2[%dma_wait3A_30, %dma_wait3A_31] : memref<160000x128xf32, #tpu.memory_space<hbm>> -> memref<160000x128xf32, #tpu.memory_space<hbm>>
    tpu.wait_indirect_dma semaphore(%arg7 : memref<!tpu.dma_semaphore, #tpu.memory_space<semaphore_mem>>) src(%dma_wait3A_32 : memref<160000x128xf32, #tpu.memory_space<hbm>>) dst(%dma_wait3A_26 : memref<400x128xf32, #tpu.memory_space<vmem>>)
    %dma_wait3A_33 = arith.constant 1 : i32
    %dma_wait3A_34 = arith.constant 0 : i32
    %dma_wait3A_35 = arith.constant 0 : i32
    %dma_wait3A_36 = tpu.memref_slice %arg6[%dma_wait3A_33, %dma_wait3A_34, %dma_wait3A_35] : memref<2x400x128xf32, #tpu.memory_space<vmem>> -> memref<1x400x128xf32, #tpu.memory_space<vmem>>
    %dma_wait3A_37 = tpu.memref_squeeze %dma_wait3A_36 : memref<1x400x128xf32, #tpu.memory_space<vmem>> -> memref<400x128xf32, #tpu.memory_space<vmem>>
    %dma_wait3A_38 = arith.constant 0 : i32
    %dma_wait3A_39 = arith.constant 0 : i32
    %dma_wait3A_40 = tpu.memref_slice %arg4[%dma_wait3A_38, %dma_wait3A_39] : memref<320000x128xf32, #tpu.memory_space<hbm>> -> memref<400x128xf32, #tpu.memory_space<hbm>>
    %dma_wait3A_41 = arith.constant 0 : i32
    %dma_wait3A_42 = arith.constant 0 : i32
    %dma_wait3A_43 = tpu.memref_slice %arg4[%dma_wait3A_41, %dma_wait3A_42] : memref<320000x128xf32, #tpu.memory_space<hbm>> -> memref<400x128xf32, #tpu.memory_space<hbm>>
    %dma_wait3A_44 = arith.constant 0 : i32
    %dma_wait3A_45 = arith.constant 0 : i32
    %dma_wait3A_46 = tpu.memref_slice %arg6[%dma_wait3A_33, %dma_wait3A_44, %dma_wait3A_45] : memref<2x400x128xf32, #tpu.memory_space<vmem>> -> memref<1x400x128xf32, #tpu.memory_space<vmem>>
    %dma_wait3A_47 = tpu.memref_squeeze %dma_wait3A_46 : memref<1x400x128xf32, #tpu.memory_space<vmem>> -> memref<400x128xf32, #tpu.memory_space<vmem>>
    tpu.wait_dma2 semaphore(%arg10 : memref<!tpu.dma_semaphore, #tpu.memory_space<semaphore_mem>>) src(%dma_wait3A_47 : memref<400x128xf32, #tpu.memory_space<vmem>>) dst(%dma_wait3A_43 : memref<400x128xf32, #tpu.memory_space<hbm>>)
    %add3A_48 = arith.constant 9600 : i32
    %add3A_49 = arith.addi %mul3A_2, %add3A_48 : i32
    %dma_start3A_50 = arith.constant 0 : i32
    %dma_start3A_51 = arith.constant 0 : i32
    %dma_start3A_52 = arith.constant 0 : i32
    %dma_start3A_53 = tpu.memref_slice %arg6[%dma_start3A_50, %dma_start3A_51, %dma_start3A_52] : memref<2x400x128xf32, #tpu.memory_space<vmem>> -> memref<1x400x128xf32, #tpu.memory_space<vmem>>
    %dma_start3A_54 = tpu.memref_squeeze %dma_start3A_53 : memref<1x400x128xf32, #tpu.memory_space<vmem>> -> memref<400x128xf32, #tpu.memory_space<vmem>>
    %dma_start3A_55 = arith.constant 0 : i32
    %dma_start3A_56 = tpu.memref_slice %arg4[%add3A_49, %dma_start3A_55] : memref<320000x128xf32, #tpu.memory_space<hbm>> -> memref<400x128xf32, #tpu.memory_space<hbm>>
    %dma_start3A_57 = arith.constant 0 : i32
    %dma_start3A_58 = tpu.memref_slice %arg4[%add3A_49, %dma_start3A_57] : memref<320000x128xf32, #tpu.memory_space<hbm>> -> memref<400x128xf32, #tpu.memory_space<hbm>>
    %dma_start3A_59 = arith.constant 0 : i32
    %dma_start3A_60 = arith.constant 0 : i32
    %dma_start3A_61 = tpu.memref_slice %arg6[%dma_start3A_50, %dma_start3A_59, %dma_start3A_60] : memref<2x400x128xf32, #tpu.memory_space<vmem>> -> memref<1x400x128xf32, #tpu.memory_space<vmem>>
    %dma_start3A_62 = tpu.memref_squeeze %dma_start3A_61 : memref<1x400x128xf32, #tpu.memory_space<vmem>> -> memref<400x128xf32, #tpu.memory_space<vmem>>
    tpu.enqueue_dma source(%dma_start3A_62 : memref<400x128xf32, #tpu.memory_space<vmem>>) target(%dma_start3A_58 : memref<400x128xf32, #tpu.memory_space<hbm>>) target_semaphore(%arg9 : memref<!tpu.dma_semaphore, #tpu.memory_space<semaphore_mem>>)
    %dma_wait3A_63 = arith.constant 0 : i32
    %dma_wait3A_64 = arith.constant 0 : i32
    %dma_wait3A_65 = arith.constant 0 : i32
    %dma_wait3A_66 = tpu.memref_slice %arg6[%dma_wait3A_63, %dma_wait3A_64, %dma_wait3A_65] : memref<2x400x128xf32, #tpu.memory_space<vmem>> -> memref<1x400x128xf32, #tpu.memory_space<vmem>>
    %dma_wait3A_67 = tpu.memref_squeeze %dma_wait3A_66 : memref<1x400x128xf32, #tpu.memory_space<vmem>> -> memref<400x128xf32, #tpu.memory_space<vmem>>
    %dma_wait3A_68 = arith.constant 0 : i32
    %dma_wait3A_69 = arith.constant 0 : i32
    %dma_wait3A_70 = tpu.memref_slice %arg4[%dma_wait3A_68, %dma_wait3A_69] : memref<320000x128xf32, #tpu.memory_space<hbm>> -> memref<400x128xf32, #tpu.memory_space<hbm>>
    %dma_wait3A_71 = arith.constant 0 : i32
    %dma_wait3A_72 = arith.constant 0 : i32
    %dma_wait3A_73 = tpu.memref_slice %arg4[%dma_wait3A_71, %dma_wait3A_72] : memref<320000x128xf32, #tpu.memory_space<hbm>> -> memref<400x128xf32, #tpu.memory_space<hbm>>
    %dma_wait3A_74 = arith.constant 0 : i32
    %dma_wait3A_75 = arith.constant 0 : i32
    %dma_wait3A_76 = tpu.memref_slice %arg6[%dma_wait3A_63, %dma_wait3A_74, %dma_wait3A_75] : memref<2x400x128xf32, #tpu.memory_space<vmem>> -> memref<1x400x128xf32, #tpu.memory_space<vmem>>
    %dma_wait3A_77 = tpu.memref_squeeze %dma_wait3A_76 : memref<1x400x128xf32, #tpu.memory_space<vmem>> -> memref<400x128xf32, #tpu.memory_space<vmem>>
    tpu.wait_dma2 semaphore(%arg9 : memref<!tpu.dma_semaphore, #tpu.memory_space<semaphore_mem>>) src(%dma_wait3A_77 : memref<400x128xf32, #tpu.memory_space<vmem>>) dst(%dma_wait3A_73 : memref<400x128xf32, #tpu.memory_space<hbm>>)
    return
  }
}

module attributes {stable_mosaic.version = 14 : i64} {
  func.func @_k1_body(%arg0: i32, %arg1: memref<1600x128xf32, #tpu.memory_space<vmem>>, %arg2: memref<1600x8xf32, #tpu.memory_space<vmem>>, %arg3: memref<128x128xf32, #tpu.memory_space<vmem>>, %arg4: memref<1x128xf32, #tpu.memory_space<vmem>>, %arg5: memref<8x128xf32, #tpu.memory_space<vmem>>, %arg6: memref<1600x128xf32, #tpu.memory_space<vmem>>) attributes {dimension_semantics = [#tpu.dimension_semantics<arbitrary>], iteration_bounds = array<i64: 100>, scalar_prefetch = 0 : i64, scratch_operands = 0 : i64, tpu.core_type = #tpu.core_type<tc>, window_params = [{transform_indices = @transform_0, window_bounds = array<i64: 1600, 128>}, {transform_indices = @transform_1, window_bounds = array<i64: 1600, 8>}, {pipeline_mode = #tpu.pipeline_mode<synchronous>, transform_indices = @transform_2, window_bounds = array<i64: 128, 128>}, {pipeline_mode = #tpu.pipeline_mode<synchronous>, transform_indices = @transform_3, window_bounds = array<i64: 1, 128>}, {pipeline_mode = #tpu.pipeline_mode<synchronous>, transform_indices = @transform_4, window_bounds = array<i64: 8, 128>}, {transform_indices = @transform_5, window_bounds = array<i64: 1600, 128>}]} {
    %get3A = arith.constant 0 : index
    %get3A_0 = arith.constant 0 : index
    %get3A_1 = vector.load %arg1[%get3A, %get3A_0] : memref<1600x128xf32, #tpu.memory_space<vmem>>, vector<1600x128xf32>
    %get3A_2 = arith.constant 0 : index
    %get3A_3 = arith.constant 0 : index
    %get3A_4 = vector.load %arg3[%get3A_2, %get3A_3] : memref<128x128xf32, #tpu.memory_space<vmem>>, vector<128x128xf32>
    %dot_general3A = arith.constant dense<0.000000e+00> : vector<1600x128xf32>
    %dot_general3A_5 = tpu.matmul %get3A_1, %get3A_4, %dot_general3A {dimension_numbers = #tpu.dot_dimension_numbers<[1], [0], [0], [1], [0, 0, 1, 1], [], []>, transpose_lhs_hint = false} : vector<1600x128xf32>, vector<128x128xf32>, vector<1600x128xf32> -> vector<1600x128xf32>
    %get3A_6 = arith.constant 0 : index
    %get3A_7 = arith.constant 0 : index
    %get3A_8 = vector.load %arg4[%get3A_6, %get3A_7] : memref<1x128xf32, #tpu.memory_space<vmem>>, vector<1x128xf32>
    %add3A = vector.broadcast %get3A_8 : vector<1x128xf32> to vector<1600x128xf32>
    %add3A_9 = arith.addf %dot_general3A_5, %add3A : vector<1600x128xf32>
    %logistic3A = arith.negf %add3A_9 : vector<1600x128xf32>
    %logistic3A_10 = math.exp %logistic3A : vector<1600x128xf32>
    %logistic3A_11 = arith.constant 1.000000e+00 : f32
    %logistic3A_12 = vector.broadcast %logistic3A_11 : f32 to vector<1600x128xf32>
    %logistic3A_13 = arith.addf %logistic3A_12, %logistic3A_10 : vector<1600x128xf32>
    %logistic3A_14 = arith.divf %logistic3A_12, %logistic3A_13 : vector<1600x128xf32>
    %mul3A = arith.mulf %add3A_9, %logistic3A_14 : vector<1600x128xf32>
    %get3A_15 = arith.constant 0 : index
    %get3A_16 = arith.constant 0 : index
    %get3A_17 = vector.load %arg2[%get3A_15, %get3A_16] : memref<1600x8xf32, #tpu.memory_space<vmem>>, vector<1600x8xf32>
    %get3A_18 = arith.constant 0 : index
    %get3A_19 = arith.constant 0 : index
    %get3A_20 = vector.load %arg5[%get3A_18, %get3A_19] : memref<8x128xf32, #tpu.memory_space<vmem>>, vector<8x128xf32>
    %dot_general3A_21 = arith.constant dense<0.000000e+00> : vector<1600x128xf32>
    %dot_general3A_22 = tpu.matmul %get3A_17, %get3A_20, %dot_general3A_21 {dimension_numbers = #tpu.dot_dimension_numbers<[1], [0], [0], [1], [0, 0, 1, 1], [], []>, transpose_lhs_hint = false} : vector<1600x8xf32>, vector<8x128xf32>, vector<1600x128xf32> -> vector<1600x128xf32>
    %mul3A_23 = arith.mulf %mul3A, %dot_general3A_22 : vector<1600x128xf32>
    %swap3A = arith.constant 0 : index
    %swap3A_24 = arith.constant 0 : index
    %swap3A_25 = vector.load %arg6[%swap3A, %swap3A_24] : memref<1600x128xf32, #tpu.memory_space<vmem>>, vector<1600x128xf32>
    tpu.vector_store %arg6[%swap3A, %swap3A_24], %mul3A_23 {strides = array<i32>} : memref<1600x128xf32, #tpu.memory_space<vmem>>, vector<1600x128xf32>,
    return
  }
  func.func @transform_0(%arg0: i32) -> (i32, i32) {
    %c0_i32 = arith.constant 0 : i32
    %c0_i32_0 = arith.constant 0 : i32
    return %arg0, %c0_i32 : i32, i32
  }
  func.func @transform_1(%arg0: i32) -> (i32, i32) {
    %c0_i32 = arith.constant 0 : i32
    %c0_i32_0 = arith.constant 0 : i32
    return %arg0, %c0_i32 : i32, i32
  }
  func.func @transform_2(%arg0: i32) -> (i32, i32) {
    %c0_i32 = arith.constant 0 : i32
    %c0_i32_0 = arith.constant 0 : i32
    %c0_i32_1 = arith.constant 0 : i32
    return %c0_i32, %c0_i32_0 : i32, i32
  }
  func.func @transform_3(%arg0: i32) -> (i32, i32) {
    %c0_i32 = arith.constant 0 : i32
    %c0_i32_0 = arith.constant 0 : i32
    %c0_i32_1 = arith.constant 0 : i32
    return %c0_i32, %c0_i32_0 : i32, i32
  }
  func.func @transform_4(%arg0: i32) -> (i32, i32) {
    %c0_i32 = arith.constant 0 : i32
    %c0_i32_0 = arith.constant 0 : i32
    %c0_i32_1 = arith.constant 0 : i32
    return %c0_i32, %c0_i32_0 : i32, i32
  }
  func.func @transform_5(%arg0: i32) -> (i32, i32) {
    %c0_i32 = arith.constant 0 : i32
    %c0_i32_0 = arith.constant 0 : i32
    return %arg0, %c0_i32 : i32, i32
  }
}

module attributes {stable_mosaic.version = 14 : i64} {
  func.func @_k2_body(%arg0: i32, %arg1: memref<1280x42xf32, #tpu.memory_space<vmem>>, %arg2: memref<1280x128xf32, #tpu.memory_space<vmem>>, %arg3: memref<42x8xf32, #tpu.memory_space<vmem>>, %arg4: memref<8x128x128xf32, #tpu.memory_space<vmem>>, %arg5: memref<1280x128xf32, #tpu.memory_space<vmem>>) attributes {dimension_semantics = [#tpu.dimension_semantics<arbitrary>], iteration_bounds = array<i64: 256>, scalar_prefetch = 0 : i64, scratch_operands = 0 : i64, tpu.core_type = #tpu.core_type<tc>, window_params = [{transform_indices = @transform_0, window_bounds = array<i64: 1280, 42>}, {transform_indices = @transform_1, window_bounds = array<i64: 1280, 128>}, {pipeline_mode = #tpu.pipeline_mode<synchronous>, transform_indices = @transform_2, window_bounds = array<i64: 42, 8>}, {pipeline_mode = #tpu.pipeline_mode<synchronous>, transform_indices = @transform_3, window_bounds = array<i64: 8, 128, 128>}, {transform_indices = @transform_4, window_bounds = array<i64: 1280, 128>}]} {
    %get3A = arith.constant 0 : index
    %get3A_0 = arith.constant 0 : index
    %get3A_1 = vector.load %arg1[%get3A, %get3A_0] : memref<1280x42xf32, #tpu.memory_space<vmem>>, vector<1280x42xf32>
    %get3A_2 = arith.constant 0 : index
    %get3A_3 = arith.constant 0 : index
    %get3A_4 = vector.load %arg3[%get3A_2, %get3A_3] : memref<42x8xf32, #tpu.memory_space<vmem>>, vector<42x8xf32>
    %dot_general3A = arith.constant dense<0.000000e+00> : vector<1280x8xf32>
    %dot_general3A_5 = tpu.matmul %get3A_1, %get3A_4, %dot_general3A {dimension_numbers = #tpu.dot_dimension_numbers<[1], [0], [0], [1], [0, 0, 1, 1], [], []>, transpose_lhs_hint = false} : vector<1280x42xf32>, vector<42x8xf32>, vector<1280x8xf32> -> vector<1280x8xf32>
    %get3A_6 = arith.constant 0 : index
    %get3A_7 = arith.constant 0 : index
    %get3A_8 = vector.load %arg2[%get3A_6, %get3A_7] : memref<1280x128xf32, #tpu.memory_space<vmem>>, vector<1280x128xf32>
    %slice3A = vector.extract_strided_slice %dot_general3A_5 {offsets = [0, 0], sizes = [1280, 1], strides = [1, 1]} : vector<1280x8xf32> to vector<1280x1xf32>
    %mul3A = vector.broadcast %slice3A : vector<1280x1xf32> to vector<1280x128xf32>
    %mul3A_9 = arith.mulf %get3A_8, %mul3A : vector<1280x128xf32>
    %get3A_10 = arith.constant 0 : index
    %get3A_11 = arith.constant 0 : index
    %get3A_12 = arith.constant 0 : index
    %get3A_13 = vector.load %arg4[%get3A_10, %get3A_11, %get3A_12] : memref<8x128x128xf32, #tpu.memory_space<vmem>>, vector<1x128x128xf32>
    %get3A_14 = vector.shape_cast %get3A_13 : vector<1x128x128xf32> to vector<128x128xf32>
    %dot_general3A_15 = arith.constant dense<0.000000e+00> : vector<1280x128xf32>
    %dot_general3A_16 = tpu.matmul %mul3A_9, %get3A_14, %dot_general3A_15 {dimension_numbers = #tpu.dot_dimension_numbers<[1], [0], [0], [1], [0, 0, 1, 1], [], []>, transpose_lhs_hint = false} : vector<1280x128xf32>, vector<128x128xf32>, vector<1280x128xf32> -> vector<1280x128xf32>
    %slice3A_17 = vector.extract_strided_slice %dot_general3A_5 {offsets = [0, 1], sizes = [1280, 1], strides = [1, 1]} : vector<1280x8xf32> to vector<1280x1xf32>
    %mul3A_18 = vector.broadcast %slice3A_17 : vector<1280x1xf32> to vector<1280x128xf32>
    %mul3A_19 = arith.mulf %get3A_8, %mul3A_18 : vector<1280x128xf32>
    %get3A_20 = arith.constant 1 : index
    %get3A_21 = arith.constant 0 : index
    %get3A_22 = arith.constant 0 : index
    %get3A_23 = vector.load %arg4[%get3A_20, %get3A_21, %get3A_22] : memref<8x128x128xf32, #tpu.memory_space<vmem>>, vector<1x128x128xf32>
    %get3A_24 = vector.shape_cast %get3A_23 : vector<1x128x128xf32> to vector<128x128xf32>
    %dot_general3A_25 = arith.constant dense<0.000000e+00> : vector<1280x128xf32>
    %dot_general3A_26 = tpu.matmul %mul3A_19, %get3A_24, %dot_general3A_25 {dimension_numbers = #tpu.dot_dimension_numbers<[1], [0], [0], [1], [0, 0, 1, 1], [], []>, transpose_lhs_hint = false} : vector<1280x128xf32>, vector<128x128xf32>, vector<1280x128xf32> -> vector<1280x128xf32>
    %add3A = arith.addf %dot_general3A_16, %dot_general3A_26 : vector<1280x128xf32>
    %slice3A_27 = vector.extract_strided_slice %dot_general3A_5 {offsets = [0, 2], sizes = [1280, 1], strides = [1, 1]} : vector<1280x8xf32> to vector<1280x1xf32>
    %mul3A_28 = vector.broadcast %slice3A_27 : vector<1280x1xf32> to vector<1280x128xf32>
    %mul3A_29 = arith.mulf %get3A_8, %mul3A_28 : vector<1280x128xf32>
    %get3A_30 = arith.constant 2 : index
    %get3A_31 = arith.constant 0 : index
    %get3A_32 = arith.constant 0 : index
    %get3A_33 = vector.load %arg4[%get3A_30, %get3A_31, %get3A_32] : memref<8x128x128xf32, #tpu.memory_space<vmem>>, vector<1x128x128xf32>
    %get3A_34 = vector.shape_cast %get3A_33 : vector<1x128x128xf32> to vector<128x128xf32>
    %dot_general3A_35 = arith.constant dense<0.000000e+00> : vector<1280x128xf32>
    %dot_general3A_36 = tpu.matmul %mul3A_29, %get3A_34, %dot_general3A_35 {dimension_numbers = #tpu.dot_dimension_numbers<[1], [0], [0], [1], [0, 0, 1, 1], [], []>, transpose_lhs_hint = false} : vector<1280x128xf32>, vector<128x128xf32>, vector<1280x128xf32> -> vector<1280x128xf32>
    %add3A_37 = arith.addf %add3A, %dot_general3A_36 : vector<1280x128xf32>
    %slice3A_38 = vector.extract_strided_slice %dot_general3A_5 {offsets = [0, 3], sizes = [1280, 1], strides = [1, 1]} : vector<1280x8xf32> to vector<1280x1xf32>
    %mul3A_39 = vector.broadcast %slice3A_38 : vector<1280x1xf32> to vector<1280x128xf32>
    %mul3A_40 = arith.mulf %get3A_8, %mul3A_39 : vector<1280x128xf32>
    %get3A_41 = arith.constant 3 : index
    %get3A_42 = arith.constant 0 : index
    %get3A_43 = arith.constant 0 : index
    %get3A_44 = vector.load %arg4[%get3A_41, %get3A_42, %get3A_43] : memref<8x128x128xf32, #tpu.memory_space<vmem>>, vector<1x128x128xf32>
    %get3A_45 = vector.shape_cast %get3A_44 : vector<1x128x128xf32> to vector<128x128xf32>
    %dot_general3A_46 = arith.constant dense<0.000000e+00> : vector<1280x128xf32>
    %dot_general3A_47 = tpu.matmul %mul3A_40, %get3A_45, %dot_general3A_46 {dimension_numbers = #tpu.dot_dimension_numbers<[1], [0], [0], [1], [0, 0, 1, 1], [], []>, transpose_lhs_hint = false} : vector<1280x128xf32>, vector<128x128xf32>, vector<1280x128xf32> -> vector<1280x128xf32>
    %add3A_48 = arith.addf %add3A_37, %dot_general3A_47 : vector<1280x128xf32>
    %slice3A_49 = vector.extract_strided_slice %dot_general3A_5 {offsets = [0, 4], sizes = [1280, 1], strides = [1, 1]} : vector<1280x8xf32> to vector<1280x1xf32>
    %mul3A_50 = vector.broadcast %slice3A_49 : vector<1280x1xf32> to vector<1280x128xf32>
    %mul3A_51 = arith.mulf %get3A_8, %mul3A_50 : vector<1280x128xf32>
    %get3A_52 = arith.constant 4 : index
    %get3A_53 = arith.constant 0 : index
    %get3A_54 = arith.constant 0 : index
    %get3A_55 = vector.load %arg4[%get3A_52, %get3A_53, %get3A_54] : memref<8x128x128xf32, #tpu.memory_space<vmem>>, vector<1x128x128xf32>
    %get3A_56 = vector.shape_cast %get3A_55 : vector<1x128x128xf32> to vector<128x128xf32>
    %dot_general3A_57 = arith.constant dense<0.000000e+00> : vector<1280x128xf32>
    %dot_general3A_58 = tpu.matmul %mul3A_51, %get3A_56, %dot_general3A_57 {dimension_numbers = #tpu.dot_dimension_numbers<[1], [0], [0], [1], [0, 0, 1, 1], [], []>, transpose_lhs_hint = false} : vector<1280x128xf32>, vector<128x128xf32>, vector<1280x128xf32> -> vector<1280x128xf32>
    %add3A_59 = arith.addf %add3A_48, %dot_general3A_58 : vector<1280x128xf32>
    %slice3A_60 = vector.extract_strided_slice %dot_general3A_5 {offsets = [0, 5], sizes = [1280, 1], strides = [1, 1]} : vector<1280x8xf32> to vector<1280x1xf32>
    %mul3A_61 = vector.broadcast %slice3A_60 : vector<1280x1xf32> to vector<1280x128xf32>
    %mul3A_62 = arith.mulf %get3A_8, %mul3A_61 : vector<1280x128xf32>
    %get3A_63 = arith.constant 5 : index
    %get3A_64 = arith.constant 0 : index
    %get3A_65 = arith.constant 0 : index
    %get3A_66 = vector.load %arg4[%get3A_63, %get3A_64, %get3A_65] : memref<8x128x128xf32, #tpu.memory_space<vmem>>, vector<1x128x128xf32>
    %get3A_67 = vector.shape_cast %get3A_66 : vector<1x128x128xf32> to vector<128x128xf32>
    %dot_general3A_68 = arith.constant dense<0.000000e+00> : vector<1280x128xf32>
    %dot_general3A_69 = tpu.matmul %mul3A_62, %get3A_67, %dot_general3A_68 {dimension_numbers = #tpu.dot_dimension_numbers<[1], [0], [0], [1], [0, 0, 1, 1], [], []>, transpose_lhs_hint = false} : vector<1280x128xf32>, vector<128x128xf32>, vector<1280x128xf32> -> vector<1280x128xf32>
    %add3A_70 = arith.addf %add3A_59, %dot_general3A_69 : vector<1280x128xf32>
    %slice3A_71 = vector.extract_strided_slice %dot_general3A_5 {offsets = [0, 6], sizes = [1280, 1], strides = [1, 1]} : vector<1280x8xf32> to vector<1280x1xf32>
    %mul3A_72 = vector.broadcast %slice3A_71 : vector<1280x1xf32> to vector<1280x128xf32>
    %mul3A_73 = arith.mulf %get3A_8, %mul3A_72 : vector<1280x128xf32>
    %get3A_74 = arith.constant 6 : index
    %get3A_75 = arith.constant 0 : index
    %get3A_76 = arith.constant 0 : index
    %get3A_77 = vector.load %arg4[%get3A_74, %get3A_75, %get3A_76] : memref<8x128x128xf32, #tpu.memory_space<vmem>>, vector<1x128x128xf32>
    %get3A_78 = vector.shape_cast %get3A_77 : vector<1x128x128xf32> to vector<128x128xf32>
    %dot_general3A_79 = arith.constant dense<0.000000e+00> : vector<1280x128xf32>
    %dot_general3A_80 = tpu.matmul %mul3A_73, %get3A_78, %dot_general3A_79 {dimension_numbers = #tpu.dot_dimension_numbers<[1], [0], [0], [1], [0, 0, 1, 1], [], []>, transpose_lhs_hint = false} : vector<1280x128xf32>, vector<128x128xf32>, vector<1280x128xf32> -> vector<1280x128xf32>
    %add3A_81 = arith.addf %add3A_70, %dot_general3A_80 : vector<1280x128xf32>
    %slice3A_82 = vector.extract_strided_slice %dot_general3A_5 {offsets = [0, 7], sizes = [1280, 1], strides = [1, 1]} : vector<1280x8xf32> to vector<1280x1xf32>
    %mul3A_83 = vector.broadcast %slice3A_82 : vector<1280x1xf32> to vector<1280x128xf32>
    %mul3A_84 = arith.mulf %get3A_8, %mul3A_83 : vector<1280x128xf32>
    %get3A_85 = arith.constant 7 : index
    %get3A_86 = arith.constant 0 : index
    %get3A_87 = arith.constant 0 : index
    %get3A_88 = vector.load %arg4[%get3A_85, %get3A_86, %get3A_87] : memref<8x128x128xf32, #tpu.memory_space<vmem>>, vector<1x128x128xf32>
    %get3A_89 = vector.shape_cast %get3A_88 : vector<1x128x128xf32> to vector<128x128xf32>
    %dot_general3A_90 = arith.constant dense<0.000000e+00> : vector<1280x128xf32>
    %dot_general3A_91 = tpu.matmul %mul3A_84, %get3A_89, %dot_general3A_90 {dimension_numbers = #tpu.dot_dimension_numbers<[1], [0], [0], [1], [0, 0, 1, 1], [], []>, transpose_lhs_hint = false} : vector<1280x128xf32>, vector<128x128xf32>, vector<1280x128xf32> -> vector<1280x128xf32>
    %add3A_92 = arith.addf %add3A_81, %dot_general3A_91 : vector<1280x128xf32>
    %swap3A = arith.constant 0 : index
    %swap3A_93 = arith.constant 0 : index
    %swap3A_94 = vector.load %arg5[%swap3A, %swap3A_93] : memref<1280x128xf32, #tpu.memory_space<vmem>>, vector<1280x128xf32>
    tpu.vector_store %arg5[%swap3A, %swap3A_93], %add3A_92 {strides = array<i32>} : memref<1280x128xf32, #tpu.memory_space<vmem>>, vector<1280x128xf32>,
    return
  }
  func.func @transform_0(%arg0: i32) -> (i32, i32) {
    %min3A = arith.constant 249 : i32
    %min3A_0 = arith.minsi %arg0, %min3A : i32
    %c0_i32 = arith.constant 0 : i32
    %c0_i32_1 = arith.constant 0 : i32
    return %min3A_0, %c0_i32 : i32, i32
  }
  func.func @transform_1(%arg0: i32) -> (i32, i32) {
    %min3A = arith.constant 249 : i32
    %min3A_0 = arith.minsi %arg0, %min3A : i32
    %c0_i32 = arith.constant 0 : i32
    %c0_i32_1 = arith.constant 0 : i32
    return %min3A_0, %c0_i32 : i32, i32
  }
  func.func @transform_2(%arg0: i32) -> (i32, i32) {
    %c0_i32 = arith.constant 0 : i32
    %c0_i32_0 = arith.constant 0 : i32
    %c0_i32_1 = arith.constant 0 : i32
    return %c0_i32, %c0_i32_0 : i32, i32
  }
  func.func @transform_3(%arg0: i32) -> (i32, i32, i32) {
    %c0_i32 = arith.constant 0 : i32
    %c0_i32_0 = arith.constant 0 : i32
    %c0_i32_1 = arith.constant 0 : i32
    %c0_i32_2 = arith.constant 0 : i32
    return %c0_i32, %c0_i32_0, %c0_i32_1 : i32, i32, i32
  }
  func.func @transform_4(%arg0: i32) -> (i32, i32) {
    %c0_i32 = arith.constant 0 : i32
    %c0_i32_0 = arith.constant 0 : i32
    return %arg0, %c0_i32 : i32, i32
  }
}

module attributes {stable_mosaic.version = 14 : i64} {
  func.func @_k3_body(%arg0: i32, %arg1: memref<1600x128xf32, #tpu.memory_space<vmem>>, %arg2: memref<1600x128xf32, #tpu.memory_space<vmem>>, %arg3: memref<8x128x128xf32, #tpu.memory_space<vmem>>, %arg4: memref<1x8x128xf32, #tpu.memory_space<vmem>>, %arg5: memref<1600x128xf32, #tpu.memory_space<vmem>>) attributes {dimension_semantics = [#tpu.dimension_semantics<arbitrary>], iteration_bounds = array<i64: 100>, scalar_prefetch = 0 : i64, scratch_operands = 0 : i64, tpu.core_type = #tpu.core_type<tc>, window_params = [{transform_indices = @transform_0, window_bounds = array<i64: 1600, 128>}, {transform_indices = @transform_1, window_bounds = array<i64: 1600, 128>}, {pipeline_mode = #tpu.pipeline_mode<synchronous>, transform_indices = @transform_2, window_bounds = array<i64: 8, 128, 128>}, {pipeline_mode = #tpu.pipeline_mode<synchronous>, transform_indices = @transform_3, window_bounds = array<i64: 1, 8, 128>}, {transform_indices = @transform_4, window_bounds = array<i64: 1600, 128>}]} {
    %get3A = arith.constant 0 : index
    %get3A_0 = arith.constant 0 : index
    %get3A_1 = vector.load %arg1[%get3A, %get3A_0] : memref<1600x128xf32, #tpu.memory_space<vmem>>, vector<1600x128xf32>
    %get3A_2 = arith.constant 0 : index
    %get3A_3 = arith.constant 0 : index
    %get3A_4 = vector.load %arg2[%get3A_2, %get3A_3] : memref<1600x128xf32, #tpu.memory_space<vmem>>, vector<1600x128xf32>
    %get3A_5 = arith.constant 0 : index
    %get3A_6 = arith.constant 0 : index
    %get3A_7 = arith.constant 0 : index
    %get3A_8 = vector.load %arg3[%get3A_5, %get3A_6, %get3A_7] : memref<8x128x128xf32, #tpu.memory_space<vmem>>, vector<1x128x128xf32>
    %get3A_9 = vector.shape_cast %get3A_8 : vector<1x128x128xf32> to vector<128x128xf32>
    %dot_general3A = arith.constant dense<0.000000e+00> : vector<1600x128xf32>
    %dot_general3A_10 = tpu.matmul %get3A_1, %get3A_9, %dot_general3A {dimension_numbers = #tpu.dot_dimension_numbers<[1], [0], [0], [1], [0, 0, 1, 1], [], []>, transpose_lhs_hint = false} : vector<1600x128xf32>, vector<128x128xf32>, vector<1600x128xf32> -> vector<1600x128xf32>
    %get3A_11 = arith.constant 0 : index
    %get3A_12 = arith.constant 0 : index
    %get3A_13 = arith.constant 0 : index
    %get3A_14 = vector.load %arg4[%get3A_11, %get3A_12, %get3A_13] : memref<1x8x128xf32, #tpu.memory_space<vmem>>, vector<1x1x128xf32>
    %get3A_15 = vector.shape_cast %get3A_14 : vector<1x1x128xf32> to vector<128xf32>
    %broadcast_in_dim3A = vector.shape_cast %get3A_15 : vector<128xf32> to vector<1x128xf32>
    %add3A = vector.broadcast %broadcast_in_dim3A : vector<1x128xf32> to vector<1600x128xf32>
    %add3A_16 = arith.addf %dot_general3A_10, %add3A : vector<1600x128xf32>
    %logistic3A = arith.negf %add3A_16 : vector<1600x128xf32>
    %logistic3A_17 = math.exp %logistic3A : vector<1600x128xf32>
    %logistic3A_18 = arith.constant 1.000000e+00 : f32
    %logistic3A_19 = vector.broadcast %logistic3A_18 : f32 to vector<1600x128xf32>
    %logistic3A_20 = arith.addf %logistic3A_19, %logistic3A_17 : vector<1600x128xf32>
    %logistic3A_21 = arith.divf %logistic3A_19, %logistic3A_20 : vector<1600x128xf32>
    %mul3A = arith.mulf %add3A_16, %logistic3A_21 : vector<1600x128xf32>
    %add3A_22 = arith.addf %get3A_4, %mul3A : vector<1600x128xf32>
    %get3A_23 = arith.constant 1 : index
    %get3A_24 = arith.constant 0 : index
    %get3A_25 = arith.constant 0 : index
    %get3A_26 = vector.load %arg3[%get3A_23, %get3A_24, %get3A_25] : memref<8x128x128xf32, #tpu.memory_space<vmem>>, vector<1x128x128xf32>
    %get3A_27 = vector.shape_cast %get3A_26 : vector<1x128x128xf32> to vector<128x128xf32>
    %dot_general3A_28 = arith.constant dense<0.000000e+00> : vector<1600x128xf32>
    %dot_general3A_29 = tpu.matmul %add3A_22, %get3A_27, %dot_general3A_28 {dimension_numbers = #tpu.dot_dimension_numbers<[1], [0], [0], [1], [0, 0, 1, 1], [], []>, transpose_lhs_hint = false} : vector<1600x128xf32>, vector<128x128xf32>, vector<1600x128xf32> -> vector<1600x128xf32>
    %get3A_30 = arith.constant 0 : index
    %get3A_31 = arith.constant 1 : index
    %get3A_32 = arith.constant 0 : index
    %get3A_33 = vector.load %arg4[%get3A_30, %get3A_31, %get3A_32] : memref<1x8x128xf32, #tpu.memory_space<vmem>>, vector<1x1x128xf32>
    %get3A_34 = vector.shape_cast %get3A_33 : vector<1x1x128xf32> to vector<128xf32>
    %broadcast_in_dim3A_35 = vector.shape_cast %get3A_34 : vector<128xf32> to vector<1x128xf32>
    %add3A_36 = vector.broadcast %broadcast_in_dim3A_35 : vector<1x128xf32> to vector<1600x128xf32>
    %add3A_37 = arith.addf %dot_general3A_29, %add3A_36 : vector<1600x128xf32>
    %logistic3A_38 = arith.negf %add3A_37 : vector<1600x128xf32>
    %logistic3A_39 = math.exp %logistic3A_38 : vector<1600x128xf32>
    %logistic3A_40 = arith.constant 1.000000e+00 : f32
    %logistic3A_41 = vector.broadcast %logistic3A_40 : f32 to vector<1600x128xf32>
    %logistic3A_42 = arith.addf %logistic3A_41, %logistic3A_39 : vector<1600x128xf32>
    %logistic3A_43 = arith.divf %logistic3A_41, %logistic3A_42 : vector<1600x128xf32>
    %mul3A_44 = arith.mulf %add3A_37, %logistic3A_43 : vector<1600x128xf32>
    %get3A_45 = arith.constant 2 : index
    %get3A_46 = arith.constant 0 : index
    %get3A_47 = arith.constant 0 : index
    %get3A_48 = vector.load %arg3[%get3A_45, %get3A_46, %get3A_47] : memref<8x128x128xf32, #tpu.memory_space<vmem>>, vector<1x128x128xf32>
    %get3A_49 = vector.shape_cast %get3A_48 : vector<1x128x128xf32> to vector<128x128xf32>
    %dot_general3A_50 = arith.constant dense<0.000000e+00> : vector<1600x128xf32>
    %dot_general3A_51 = tpu.matmul %mul3A_44, %get3A_49, %dot_general3A_50 {dimension_numbers = #tpu.dot_dimension_numbers<[1], [0], [0], [1], [0, 0, 1, 1], [], []>, transpose_lhs_hint = false} : vector<1600x128xf32>, vector<128x128xf32>, vector<1600x128xf32> -> vector<1600x128xf32>
    %get3A_52 = arith.constant 0 : index
    %get3A_53 = arith.constant 2 : index
    %get3A_54 = arith.constant 0 : index
    %get3A_55 = vector.load %arg4[%get3A_52, %get3A_53, %get3A_54] : memref<1x8x128xf32, #tpu.memory_space<vmem>>, vector<1x1x128xf32>
    %get3A_56 = vector.shape_cast %get3A_55 : vector<1x1x128xf32> to vector<128xf32>
    %broadcast_in_dim3A_57 = vector.shape_cast %get3A_56 : vector<128xf32> to vector<1x128xf32>
    %add3A_58 = vector.broadcast %broadcast_in_dim3A_57 : vector<1x128xf32> to vector<1600x128xf32>
    %add3A_59 = arith.addf %dot_general3A_51, %add3A_58 : vector<1600x128xf32>
    %logistic3A_60 = arith.negf %add3A_59 : vector<1600x128xf32>
    %logistic3A_61 = math.exp %logistic3A_60 : vector<1600x128xf32>
    %logistic3A_62 = arith.constant 1.000000e+00 : f32
    %logistic3A_63 = vector.broadcast %logistic3A_62 : f32 to vector<1600x128xf32>
    %logistic3A_64 = arith.addf %logistic3A_63, %logistic3A_61 : vector<1600x128xf32>
    %logistic3A_65 = arith.divf %logistic3A_63, %logistic3A_64 : vector<1600x128xf32>
    %mul3A_66 = arith.mulf %add3A_59, %logistic3A_65 : vector<1600x128xf32>
    %add3A_67 = arith.addf %mul3A_66, %add3A_22 : vector<1600x128xf32>
    %get3A_68 = arith.constant 3 : index
    %get3A_69 = arith.constant 0 : index
    %get3A_70 = arith.constant 0 : index
    %get3A_71 = vector.load %arg3[%get3A_68, %get3A_69, %get3A_70] : memref<8x128x128xf32, #tpu.memory_space<vmem>>, vector<1x128x128xf32>
    %get3A_72 = vector.shape_cast %get3A_71 : vector<1x128x128xf32> to vector<128x128xf32>
    %dot_general3A_73 = arith.constant dense<0.000000e+00> : vector<1600x128xf32>
    %dot_general3A_74 = tpu.matmul %add3A_67, %get3A_72, %dot_general3A_73 {dimension_numbers = #tpu.dot_dimension_numbers<[1], [0], [0], [1], [0, 0, 1, 1], [], []>, transpose_lhs_hint = false} : vector<1600x128xf32>, vector<128x128xf32>, vector<1600x128xf32> -> vector<1600x128xf32>
    %get3A_75 = arith.constant 0 : index
    %get3A_76 = arith.constant 3 : index
    %get3A_77 = arith.constant 0 : index
    %get3A_78 = vector.load %arg4[%get3A_75, %get3A_76, %get3A_77] : memref<1x8x128xf32, #tpu.memory_space<vmem>>, vector<1x1x128xf32>
    %get3A_79 = vector.shape_cast %get3A_78 : vector<1x1x128xf32> to vector<128xf32>
    %broadcast_in_dim3A_80 = vector.shape_cast %get3A_79 : vector<128xf32> to vector<1x128xf32>
    %add3A_81 = vector.broadcast %broadcast_in_dim3A_80 : vector<1x128xf32> to vector<1600x128xf32>
    %add3A_82 = arith.addf %dot_general3A_74, %add3A_81 : vector<1600x128xf32>
    %logistic3A_83 = arith.negf %add3A_82 : vector<1600x128xf32>
    %logistic3A_84 = math.exp %logistic3A_83 : vector<1600x128xf32>
    %logistic3A_85 = arith.constant 1.000000e+00 : f32
    %logistic3A_86 = vector.broadcast %logistic3A_85 : f32 to vector<1600x128xf32>
    %logistic3A_87 = arith.addf %logistic3A_86, %logistic3A_84 : vector<1600x128xf32>
    %logistic3A_88 = arith.divf %logistic3A_86, %logistic3A_87 : vector<1600x128xf32>
    %mul3A_89 = arith.mulf %add3A_82, %logistic3A_88 : vector<1600x128xf32>
    %add3A_90 = arith.addf %mul3A_89, %get3A_1 : vector<1600x128xf32>
    %get3A_91 = arith.constant 4 : index
    %get3A_92 = arith.constant 0 : index
    %get3A_93 = arith.constant 0 : index
    %get3A_94 = vector.load %arg3[%get3A_91, %get3A_92, %get3A_93] : memref<8x128x128xf32, #tpu.memory_space<vmem>>, vector<1x128x128xf32>
    %get3A_95 = vector.shape_cast %get3A_94 : vector<1x128x128xf32> to vector<128x128xf32>
    %dot_general3A_96 = arith.constant dense<0.000000e+00> : vector<1600x128xf32>
    %dot_general3A_97 = tpu.matmul %add3A_90, %get3A_95, %dot_general3A_96 {dimension_numbers = #tpu.dot_dimension_numbers<[1], [0], [0], [1], [0, 0, 1, 1], [], []>, transpose_lhs_hint = false} : vector<1600x128xf32>, vector<128x128xf32>, vector<1600x128xf32> -> vector<1600x128xf32>
    %get3A_98 = arith.constant 0 : index
    %get3A_99 = arith.constant 4 : index
    %get3A_100 = arith.constant 0 : index
    %get3A_101 = vector.load %arg4[%get3A_98, %get3A_99, %get3A_100] : memref<1x8x128xf32, #tpu.memory_space<vmem>>, vector<1x1x128xf32>
    %get3A_102 = vector.shape_cast %get3A_101 : vector<1x1x128xf32> to vector<128xf32>
    %broadcast_in_dim3A_103 = vector.shape_cast %get3A_102 : vector<128xf32> to vector<1x128xf32>
    %add3A_104 = vector.broadcast %broadcast_in_dim3A_103 : vector<1x128xf32> to vector<1600x128xf32>
    %add3A_105 = arith.addf %dot_general3A_97, %add3A_104 : vector<1600x128xf32>
    %logistic3A_106 = arith.negf %add3A_105 : vector<1600x128xf32>
    %logistic3A_107 = math.exp %logistic3A_106 : vector<1600x128xf32>
    %logistic3A_108 = arith.constant 1.000000e+00 : f32
    %logistic3A_109 = vector.broadcast %logistic3A_108 : f32 to vector<1600x128xf32>
    %logistic3A_110 = arith.addf %logistic3A_109, %logistic3A_107 : vector<1600x128xf32>
    %logistic3A_111 = arith.divf %logistic3A_109, %logistic3A_110 : vector<1600x128xf32>
    %mul3A_112 = arith.mulf %add3A_105, %logistic3A_111 : vector<1600x128xf32>
    %get3A_113 = arith.constant 5 : index
    %get3A_114 = arith.constant 0 : index
    %get3A_115 = arith.constant 0 : index
    %get3A_116 = vector.load %arg3[%get3A_113, %get3A_114, %get3A_115] : memref<8x128x128xf32, #tpu.memory_space<vmem>>, vector<1x128x128xf32>
    %get3A_117 = vector.shape_cast %get3A_116 : vector<1x128x128xf32> to vector<128x128xf32>
    %dot_general3A_118 = arith.constant dense<0.000000e+00> : vector<1600x128xf32>
    %dot_general3A_119 = tpu.matmul %mul3A_112, %get3A_117, %dot_general3A_118 {dimension_numbers = #tpu.dot_dimension_numbers<[1], [0], [0], [1], [0, 0, 1, 1], [], []>, transpose_lhs_hint = false} : vector<1600x128xf32>, vector<128x128xf32>, vector<1600x128xf32> -> vector<1600x128xf32>
    %get3A_120 = arith.constant 0 : index
    %get3A_121 = arith.constant 5 : index
    %get3A_122 = arith.constant 0 : index
    %get3A_123 = vector.load %arg4[%get3A_120, %get3A_121, %get3A_122] : memref<1x8x128xf32, #tpu.memory_space<vmem>>, vector<1x1x128xf32>
    %get3A_124 = vector.shape_cast %get3A_123 : vector<1x1x128xf32> to vector<128xf32>
    %broadcast_in_dim3A_125 = vector.shape_cast %get3A_124 : vector<128xf32> to vector<1x128xf32>
    %add3A_126 = vector.broadcast %broadcast_in_dim3A_125 : vector<1x128xf32> to vector<1600x128xf32>
    %add3A_127 = arith.addf %dot_general3A_119, %add3A_126 : vector<1600x128xf32>
    %logistic3A_128 = arith.negf %add3A_127 : vector<1600x128xf32>
    %logistic3A_129 = math.exp %logistic3A_128 : vector<1600x128xf32>
    %logistic3A_130 = arith.constant 1.000000e+00 : f32
    %logistic3A_131 = vector.broadcast %logistic3A_130 : f32 to vector<1600x128xf32>
    %logistic3A_132 = arith.addf %logistic3A_131, %logistic3A_129 : vector<1600x128xf32>
    %logistic3A_133 = arith.divf %logistic3A_131, %logistic3A_132 : vector<1600x128xf32>
    %mul3A_134 = arith.mulf %add3A_127, %logistic3A_133 : vector<1600x128xf32>
    %add3A_135 = arith.addf %mul3A_134, %add3A_90 : vector<1600x128xf32>
    %get3A_136 = arith.constant 6 : index
    %get3A_137 = arith.constant 0 : index
    %get3A_138 = arith.constant 0 : index
    %get3A_139 = vector.load %arg3[%get3A_136, %get3A_137, %get3A_138] : memref<8x128x128xf32, #tpu.memory_space<vmem>>, vector<1x128x128xf32>
    %get3A_140 = vector.shape_cast %get3A_139 : vector<1x128x128xf32> to vector<128x128xf32>
    %dot_general3A_141 = arith.constant dense<0.000000e+00> : vector<1600x128xf32>
    %dot_general3A_142 = tpu.matmul %add3A_135, %get3A_140, %dot_general3A_141 {dimension_numbers = #tpu.dot_dimension_numbers<[1], [0], [0], [1], [0, 0, 1, 1], [], []>, transpose_lhs_hint = false} : vector<1600x128xf32>, vector<128x128xf32>, vector<1600x128xf32> -> vector<1600x128xf32>
    %get3A_143 = arith.constant 0 : index
    %get3A_144 = arith.constant 6 : index
    %get3A_145 = arith.constant 0 : index
    %get3A_146 = vector.load %arg4[%get3A_143, %get3A_144, %get3A_145] : memref<1x8x128xf32, #tpu.memory_space<vmem>>, vector<1x1x128xf32>
    %get3A_147 = vector.shape_cast %get3A_146 : vector<1x1x128xf32> to vector<128xf32>
    %broadcast_in_dim3A_148 = vector.shape_cast %get3A_147 : vector<128xf32> to vector<1x128xf32>
    %add3A_149 = vector.broadcast %broadcast_in_dim3A_148 : vector<1x128xf32> to vector<1600x128xf32>
    %add3A_150 = arith.addf %dot_general3A_142, %add3A_149 : vector<1600x128xf32>
    %logistic3A_151 = arith.negf %add3A_150 : vector<1600x128xf32>
    %logistic3A_152 = math.exp %logistic3A_151 : vector<1600x128xf32>
    %logistic3A_153 = arith.constant 1.000000e+00 : f32
    %logistic3A_154 = vector.broadcast %logistic3A_153 : f32 to vector<1600x128xf32>
    %logistic3A_155 = arith.addf %logistic3A_154, %logistic3A_152 : vector<1600x128xf32>
    %logistic3A_156 = arith.divf %logistic3A_154, %logistic3A_155 : vector<1600x128xf32>
    %mul3A_157 = arith.mulf %add3A_150, %logistic3A_156 : vector<1600x128xf32>
    %get3A_158 = arith.constant 7 : index
    %get3A_159 = arith.constant 0 : index
    %get3A_160 = arith.constant 0 : index
    %get3A_161 = vector.load %arg3[%get3A_158, %get3A_159, %get3A_160] : memref<8x128x128xf32, #tpu.memory_space<vmem>>, vector<1x128x128xf32>
    %get3A_162 = vector.shape_cast %get3A_161 : vector<1x128x128xf32> to vector<128x128xf32>
    %dot_general3A_163 = arith.constant dense<0.000000e+00> : vector<1600x128xf32>
    %dot_general3A_164 = tpu.matmul %mul3A_157, %get3A_162, %dot_general3A_163 {dimension_numbers = #tpu.dot_dimension_numbers<[1], [0], [0], [1], [0, 0, 1, 1], [], []>, transpose_lhs_hint = false} : vector<1600x128xf32>, vector<128x128xf32>, vector<1600x128xf32> -> vector<1600x128xf32>
    %get3A_165 = arith.constant 0 : index
    %get3A_166 = arith.constant 7 : index
    %get3A_167 = arith.constant 0 : index
    %get3A_168 = vector.load %arg4[%get3A_165, %get3A_166, %get3A_167] : memref<1x8x128xf32, #tpu.memory_space<vmem>>, vector<1x1x128xf32>
    %get3A_169 = vector.shape_cast %get3A_168 : vector<1x1x128xf32> to vector<128xf32>
    %broadcast_in_dim3A_170 = vector.shape_cast %get3A_169 : vector<128xf32> to vector<1x128xf32>
    %add3A_171 = vector.broadcast %broadcast_in_dim3A_170 : vector<1x128xf32> to vector<1600x128xf32>
    %add3A_172 = arith.addf %dot_general3A_164, %add3A_171 : vector<1600x128xf32>
    %logistic3A_173 = arith.negf %add3A_172 : vector<1600x128xf32>
    %logistic3A_174 = math.exp %logistic3A_173 : vector<1600x128xf32>
    %logistic3A_175 = arith.constant 1.000000e+00 : f32
    %logistic3A_176 = vector.broadcast %logistic3A_175 : f32 to vector<1600x128xf32>
    %logistic3A_177 = arith.addf %logistic3A_176, %logistic3A_174 : vector<1600x128xf32>
    %logistic3A_178 = arith.divf %logistic3A_176, %logistic3A_177 : vector<1600x128xf32>
    %mul3A_179 = arith.mulf %add3A_172, %logistic3A_178 : vector<1600x128xf32>
    %add3A_180 = arith.addf %mul3A_179, %add3A_135 : vector<1600x128xf32>
    %swap3A = arith.constant 0 : index
    %swap3A_181 = arith.constant 0 : index
    %swap3A_182 = vector.load %arg5[%swap3A, %swap3A_181] : memref<1600x128xf32, #tpu.memory_space<vmem>>, vector<1600x128xf32>
    tpu.vector_store %arg5[%swap3A, %swap3A_181], %add3A_180 {strides = array<i32>} : memref<1600x128xf32, #tpu.memory_space<vmem>>, vector<1600x128xf32>,
    return
  }
  func.func @transform_0(%arg0: i32) -> (i32, i32) {
    %c0_i32 = arith.constant 0 : i32
    %c0_i32_0 = arith.constant 0 : i32
    return %arg0, %c0_i32 : i32, i32
  }
  func.func @transform_1(%arg0: i32) -> (i32, i32) {
    %c0_i32 = arith.constant 0 : i32
    %c0_i32_0 = arith.constant 0 : i32
    return %arg0, %c0_i32 : i32, i32
  }
  func.func @transform_2(%arg0: i32) -> (i32, i32, i32) {
    %c0_i32 = arith.constant 0 : i32
    %c0_i32_0 = arith.constant 0 : i32
    %c0_i32_1 = arith.constant 0 : i32
    %c0_i32_2 = arith.constant 0 : i32
    return %c0_i32, %c0_i32_0, %c0_i32_1 : i32, i32, i32
  }
  func.func @transform_3(%arg0: i32) -> (i32, i32, i32) {
    %c0_i32 = arith.constant 0 : i32
    %c0_i32_0 = arith.constant 0 : i32
    %c0_i32_1 = arith.constant 0 : i32
    %c0_i32_2 = arith.constant 0 : i32
    return %c0_i32, %c0_i32_0, %c0_i32_1 : i32, i32, i32
  }
  func.func @transform_4(%arg0: i32) -> (i32, i32) {
    %c0_i32 = arith.constant 0 : i32
    %c0_i32_0 = arith.constant 0 : i32
    return %arg0, %c0_i32 : i32, i32
  }
}

</mosaic_0001>

<sc_bundles>
// kernel: kernel.10.cloned.1.call-start
scs
__scs_entry_jumppad:
0x0: {  	(pc) =	sbr.rel $0x88, $3  }
0x1: {  	(tag) =	ssettag $0x0;
	lr =	simm.s32 $0x1  }
0x2: {  	[smem:$0x3F87] =	sst lr;
	_ =	strace $0xD0000000  }
0x3: {  	_ = 	snop  }
0x4: {  	_ = 	snop  }
0x5: {  	_ = 	snop  }
0x6: {  	_ = 	snop  }
0x7: {  	_ = 	snop  }
__scs_overlays_trampoline_lowered:
0x8: {  	[smem:$0x3F96] =	sst s0  }
0x9: {  	[smem:$0x3F97] =	sst s1  }
0xa: {  	[smem:$0x3F98] =	sst s2  }
0xb: {  	[smem:$0x3F99] =	sst s3  }
0xc: {  	[smem:$0x3F9A] =	sst s4  }
0xd: {  	[smem:$0x3F9B] =	sst s5  }
0xe: {  	[smem:$0x3F9C] =	sst s6  }
0xf: {  	[smem:$0x3F9D] =	sst s7  }
0x10: {  	[smem:$0x3F9E] =	sst s8  }
0x11: {  	[smem:$0x3F9F] =	sst s9;
	s0 =	simm.s32 @!p0 $0x0  }
0x12: {  	s1 =	sld [smem:$0x3F85];
	s0 =	simm.s32 @p0 $0x1  }
0x13: {  	[smem:$0x3FA0] =	sst s0;
	s0 =	simm.s32 @!p1 $0x0  }
0x14: {  	s2 =	sld [smem:$0x3F84];
	s0 =	simm.s32 @p1 $0x1  }
0x15: {  	[smem:$0x3FA1] =	sst s0;
	s0 =	simm.s32 @!p2 $0x0  }
0x16: {  	s3 =	sld [smem:$0x3FDB];
	s0 =	simm.s32 @p2 $0x1  }
0x17: {  	s4 =	simm.s32 $0x1BF5;
	[smem:$0x3FA3] =	sst s0  }
0x18: {  	s0 =	sld [smem:$0x3F86];
	_ =	swait.ge [sflag:s4], $0x0  }
0x19: {  	s7 =	sld [smem:$0x3F87]  }
0x1a: {  	s8 =	sadd.s32 $0xFFFFE003, lr  }
0x1b: {  	s9 =	sadd.s32 $0xFFFFFEF7, lr;
	s5 =	simm.s32 $0xFFFFFFFF;
	p2 =	slt.u32 s8, $0xFFFFF086  }
0x1c: {  	p1 =	slt.u32 s9, $0xF7A;
	s5 =	simm.s32 @!p2 $0x0  }
0x1d: {  	s5 =	simm.s32 @p1 $0x1;
	p0 =	seq.s32 s7, s2  }
0x1e: {  	s7 =	smul.u32 @!p0 $0xF7A, s2;
	p2 =	seq.s32 @!p0 s5, $0x0  }
0x1f: {  	s9 =	smul.u32 $0xF7A, s1;
	s8 =	simm.s32 @!p0 $0x1BF5;
	p2 =	por !p2, p0  }
0x20: {  	[sflag:s8] =	ssyncset.s32 @!p0 $0xFFFFF086;
	s6 =	sadd.s32 @!p0 s3, s7;
	s7 =	simm.s32 @!p0 $0x108  }
0x21: {  	s3 =	sadd.s32 s3, s9;
	s6 =	sadd.s32 @!p0 $0x88, s6;
	s7 =	simm.s32 @p2 $0x1082  }
0x22: {  	[simem:s7], [sflag:s8] =	dma.local @!p0 [hbm:s6], $0xF7A  }
0x23: {  	s9 =	sor.u32 $0xD0000000, s2;
	s6 =	simm.s32 $0x108;
	_ =	swait.ge @!p0 [sflag:s8], $0x0  }
0x24: {  	s3 =	sadd.s32 $0x88, s3;
	s6 =	simm.s32 @!p1 $0x1082;
	[sflag:s4] =	ssyncset.s32 $0xFFFFF086  }
0x25: {  	[simem:s6], [sflag:s4] =	dma.local [hbm:s3], $0xF7A  }
0x26: {  	[smem:$0x3F87] =	sst s1;
	(tag) =	ssettag s2;
	_ =	strace s9  }
0x27: {  	s1 =	sld [smem:$0x3F97]  }
0x28: {  	s2 =	sld [smem:$0x3F98]  }
0x29: {  	s4 =	sld [smem:$0x3F9A]  }
0x2a: {  	p0 =	seq.s32 s5, $0x0;
	s5 =	sld [smem:$0x3F9B]  }
0x2b: {  	s6 =	sld [smem:$0x3F9C]  }
0x2c: {  	s7 =	sld [smem:$0x3F9D]  }
0x2d: {  	s3 =	simm.s32 $0x108;
	s8 =	sld [smem:$0x3F9E]  }
0x2e: {  	s3 =	simm.s32 @!p0 $0x1082;
	s9 =	sld [smem:$0x3F9F]  }
0x2f: {  	lr =	sadd.s32 s0, s3;
	s0 =	sld [smem:$0x3F96]  }
0x30: {  	s3 =	sld [smem:$0x3F99]  }
0x31: {  	[smem:$0x3FA2] =	sst s10  }
0x32: {  	s10 =	sld [smem:$0x3FA0];
	_ =	sdelay $0x3  }
0x33: {  	p0 =	seq.s32 s10, $0x1;
	s10 =	sld [smem:$0x3FA2];
	_ =	sdelay $0x3  }
0x34: {  	[smem:$0x3FA2] =	sst s10  }
0x35: {  	s10 =	sld [smem:$0x3FA1];
	_ =	sdelay $0x3  }
0x36: {  	p1 =	seq.s32 s10, $0x1;
	s10 =	sld [smem:$0x3FA2];
	_ =	sdelay $0x3  }
0x37: {  	[smem:$0x3FA2] =	sst s10  }
0x38: {  	s10 =	sld [smem:$0x3FA3]  }
0x39: {  	_ = 	snop;
	(pc) =	sbr.ind lr, $3  }
0x3a: {  	_ = 	snop  }
0x3b: {  	_ = 	snop  }
0x3c: {  	p2 =	seq.s32 s10, $0x1;
	s10 =	sld [smem:$0x3FA2]  }
0x3d: {  	_ =	shalt  }
0x3e: {  	_ =	shalt  }
0x3f: {  	_ =	shalt  }
0x40: {  	_ =	shalt  }
0x41: {  	_ =	shalt  }
0x42: {  	_ =	shalt  }
0x43: {  	_ =	shalt  }
0x44: {  	_ =	shalt  }
0x45: {  	_ =	shalt  }
0x46: {  	_ =	shalt  }
0x47: {  	_ =	shalt  }
0x48: {  	_ =	shalt  }
0x49: {  	_ =	shalt  }
0x4a: {  	_ =	shalt  }
0x4b: {  	_ =	shalt  }
0x4c: {  	_ =	shalt  }
0x4d: {  	_ =	shalt  }
0x4e: {  	_ =	shalt  }
0x4f: {  	_ =	shalt  }
0x50: {  	_ =	shalt  }
0x51: {  	_ =	shalt  }
0x52: {  	_ =	shalt  }
0x53: {  	_ =	shalt  }
0x54: {  	_ =	shalt  }
0x55: {  	_ =	shalt  }
0x56: {  	_ =	shalt  }
0x57: {  	_ =	shalt  }
0x58: {  	_ =	shalt  }
0x59: {  	_ =	shalt  }
0x5a: {  	_ =	shalt  }
0x5b: {  	_ =	shalt  }
0x5c: {  	_ =	shalt  }
0x5d: {  	_ =	shalt  }
0x5e: {  	_ =	shalt  }
0x5f: {  	_ =	shalt  }
0x60: {  	_ =	shalt  }
0x61: {  	_ =	shalt  }
0x62: {  	_ =	shalt  }
0x63: {  	_ =	shalt  }
0x64: {  	_ =	shalt  }
0x65: {  	_ =	shalt  }
0x66: {  	_ =	shalt  }
0x67: {  	_ =	shalt  }
0x68: {  	_ =	shalt  }
0x69: {  	_ =	shalt  }
0x6a: {  	_ =	shalt  }
0x6b: {  	_ =	shalt  }
0x6c: {  	_ =	shalt  }
0x6d: {  	_ =	shalt  }
0x6e: {  	_ =	shalt  }
0x6f: {  	_ =	shalt  }
0x70: {  	_ =	shalt  }
0x71: {  	_ =	shalt  }
0x72: {  	_ =	shalt  }
0x73: {  	_ =	shalt  }
0x74: {  	_ =	shalt  }
0x75: {  	_ =	shalt  }
0x76: {  	_ =	shalt  }
0x77: {  	_ =	shalt  }
0x78: {  	_ =	shalt  }
0x79: {  	_ =	shalt  }
0x7a: {  	_ =	shalt  }
0x7b: {  	_ =	shalt  }
0x7c: {  	_ =	shalt  }
0x7d: {  	_ =	shalt  }
0x7e: {  	_ =	shalt  }
0x7f: {  	_ =	shalt  }
0x80: {  	_ =	shalt  }
0x81: {  	_ =	shalt  }
0x82: {  	_ =	shalt  }
0x83: {  	_ =	shalt  }
0x84: {  	_ =	shalt  }
0x85: {  	_ =	shalt  }
0x86: {  	_ =	shalt  }
0x87: {  	_ =	shalt  }
.Lfunc_end0:
.L_simem_size_0:
called_computation.1_lowered:
.L_overlay_start_0:
0x88: {  	s2 =	sld [smem:$0x3FD9]  }
0x89: {  	s3 =	sld [smem:$0x3FFE];
	_ =	sdelay $0x1  }
0x8a: {  	s1 =	srdreg.scid  }
0x8b: {  	s0 =	sand.u32 $0x1, s1  }
0x8c: {  	s17 =	sshll.u32 s0, $0xA;
	s2 =	sadd.s32 s3, s2  }
0x8d: {  	s2 =	sadd.s32 s2, s17  }
0x8e: {  	[smem:$0x3FAE] =	sst s2  }
0x8f: {  	_ = 	snop  }
0x90: {  	s2 =	sld [smem:$0x3FD0];
	(tm) =	ssettm $0x1  }
0x91: {  	s18 =	sld [smem:$0x3FFB];
	_ =	sdelay $0x3  }
0x92: {  	_ =	strace s18  }
0x93: {  	s3 =	sld [smem:$0x3FFC];
	_ =	sdelay $0x3  }
0x94: {  	_ =	strace s3  }
0x95: {  	s3 =	sld [smem:$0x3FFD];
	_ =	sdelay $0x3  }
0x96: {  	_ =	strace s3  }
0x97: {  	_ =	strace $0x8FFFFFFF  }
0x98: {  	s19 =	sld [smem:$0x3FDB];
	_ =	sdelay $0x1  }
0x99: {  	s4 =	simm.s32 $_scs_section_size  }
0x9a: {  	s5 =	simm.s32 $_size__tile_overlayer_lowered;
	s6 =	simm.s32 $_tile_overlayer_lowered  }
0x9b: {  	s22 =	simm.s32 $0x1BFF;
	s21 =	sshll.u32 s6, $0x1;
	s3 =	sadd.s32 s4, s19  }
0x9c: {  	s7 =	simm.s32 $0x0;
	s20 =	sshll.u32 s5, $0x1;
	s5 =	sadd.s32 s21, s3  }
0x9d: {  	[timem:s7], [sflag:s22] =	dma.local [hbm:s5], s20  }
0x9e: {  	_ =	swait.ge [sflag:s22], s20  }
0x9f: {  	s4 =	ssub.s32 $0x0, s20;
	[sflag:s22] =	ssyncset.done $0x0  }
0xa0: {  	[sflag:s22] =	ssyncadd.s32 s4;
	_ =	sdelay $0x1  }
0xa1: {  	s23 =	simm.s32 $0x1B8B  }
0xa2: {  	_ =	swait.ge [sflag:s23], $0x1  }
0xa3: {  	[sflag:s23] =	ssyncset.done $0x0  }
0xa4: {  	s25 =	simm.s32 $0x1B8E;
	s24 =	sld [smem:$0x3FFE];
	[sflag:s23] =	ssyncadd.s32 $0xFFFFFFFF  }
0xa5: {  	s26 =	simm.s32 $execute0_lowered;
	[smem:$0x3FD2] =	sst s25  }
0xa6: {  	s5 =	sshll.u32 s26, $0x1;
	_ =	strace $0x80000049;
	[dreg:$0x1] =	wrdreg $0xFFFFFFFF  }
0xa7: {  	s28 =	simm.s32 $_size_execute0_lowered;
	s3 =	sadd.s32 s3, s5;
	[dreg:$0x0] =	wrdreg $0x0  }
0xa8: {  	s5 =	sshll.u32 s28, $0x1;
	[dreg:$0x2] =	wrdreg s3  }
0xa9: {  	[dreg:$0x3] =	wrdreg s5  }
0xaa: {  	[dreg:$0x4] =	wrdreg $0xC0  }
0xab: {  	_ =	task [dreg:s7], $0x5FFFF  }
0xac: {  	[dreg:$0x1] =	wrdreg $0xFFFFFFFF  }
0xad: {  	[dreg:$0x0] =	wrdreg $0x60  }
0xae: {  	[dreg:$0x2] =	wrdreg s24  }
0xaf: {  	[dreg:$0x3] =	wrdreg s2  }
0xb0: {  	[dreg:$0x4] =	wrdreg $0xA5000  }
0xb1: {  	[dreg:$0x5] =	wrdreg $0x9  }
0xb2: {  	_ =	task.clear_ibuf [dreg:s7], $0x6FFFF;
	_ =	strace $0x90000049  }
0xb3: {  	s29 =	simm.s32 $0x9;
	_ =	strace $0x8000004B  }
0xb4: {  	_ =	swait.ge [sflag:s29], $0x1  }
0xb5: {  	[sflag:s29] =	ssyncadd.s32 $0xFFFFFFFF  }
0xb6: {  	_ =	strace $0x9000004B  }
0xb7: {  	_ =	sfence  }
0xb8: {  	s30 =	sld [smem:$0x0];
	_ =	sdelay $0x2  }
0xb9: {  	s31 =	sshll.u32 s1, $0xD;
	s1 =	sshrl.u32 s1, $0x2  }
0xba: {  	s3 =	sand.u32 $0x4000, s31;
	s1 =	sadd.s32 s1, s30  }
0xbb: {  	s0 =	sor.u32 s3, s0;
	s1 =	sshll.u32 s1, $0x11  }
0xbc: {  	s0 =	sor.u32 s1, s0  }
0xbd: {  	s0 =	sadd.s32 $0x8F2B, s0  }
0xbe: {  	[sflag:s0] =	ssyncadd.remote.s32 $0x1  }
0xbf: {  	_ =	sfence.sel $0xFFFF  }
0xc0: {  	[dreg:$0x0] =	wrdreg $0xFFFFFFFF;
	(pc) =	sbr.abs _section_cstart, $3  }
0xc1: {  	[dreg:$0x1] =	wrdreg $0xFFFFFFFF  }
0xc2: {  	_ =	task.clear_ibuf [dreg:s7], $0x2FFFF;
	_ =	strace $0x9FFFFFFF  }
0xc3: {  	(tm) =	ssettm $0x7FFFFFFF  }
tec
execute0_lowered:
.L_overlay_start_1:
0x0: {  	(tag) =	ssettag $0x1  }
0x1: {  	s0 =	rddreg [dreg:$0x0]  }
0x2: {  	s21 =	rddreg [dreg:$0x1];
	s6 =	stileid.u32  }
0x3: {  	s2 =	rddreg [dreg:$0x2];
	s1 =	simm.s32 $0x0;
	s3 =	smul.u32 $0x4EA00, s6  }
0x4: {  	s7 =	srdreg.scid;
	s28 =	simm.s32 $0x2D00;
	s11 =	smul.u32 $0xA0, s6  }
0x5: {  	s29 =	simm.s32 $0xD00;
	s30 =	simm.s32 $0x1500;
	s4 =	smul.u32 $0xA00, s6  }
0x6: {  	s31 =	simm.s32 $0x1D00;
	[smem:$0x7FF] =	sst s1;
	s15 =	smul.u32 $0x1388, s6  }
0x7: {  	s1 =	sand.u32 $0x1, s7;
	s5 =	sadd.s32 $0x9D1400, s0;
	s19 =	smul.u32 $0x4E200, s6  }
0x8: {  	s9 =	sadd.s32 $0x9C7400, s0;
	s10 =	sadd.s32 $0x3400, s0;
	s20 =	smul.u32 $0x50000, s6  }
0x9: {  	s13 =	sshll.u32 s6, $0x6;
	s23 =	smul.u32 $0x5000, s6;
	_ =	strace $0x8000004A  }
0xa: {  	s7 =	smul.u32 $0x13880, s1;
	s1 =	ssub.s32 $0x2, s1;
	[dreg:$0x4] =	wrdreg s9  }
0xb: {  	s13 =	sor.u32 $0x1C05, s13;
	[dreg:$0x5] =	wrdreg s10;
	s8 =	sshrl.u32 s1, $0x1  }
0xc: {  	s12 =	sshrl.u32 s3, $0x2;
	s4 =	sadd.s32 s9, s4;
	[dreg:$0x6] =	wrdreg s11  }
0xd: {  	s17 =	sor.u32 $0xA, s11;
	s22 =	sshrl.u32 s19, $0x2;
	s24 =	sadd.s32 s20, s5  }
0xe: {  	[dreg:$0xe] =	wrdreg s23;
	s25 =	sor.u32 $0x280, s23;
	s23 =	simm.s32 $0x10  }
0xf: {  	s11 =	simm.s32 $0x3500;
	[dreg:$0x8] =	wrdreg s13;
	s0 =	ssub.s32 s1, s8  }
0x10: {  	s8 =	smul.u32 $0x280000, s6;
	s1 =	sadd.s32 s12, s2;
	[dreg:$0x9] =	wrdreg s4  }
0x11: {  	s16 =	sadd.s32 $0x13880, s7;
	[dreg:$0xb] =	wrdreg s17;
	s18 =	sadd.s32 s15, s7  }
0x12: {  	[dreg:$0x11] =	wrdreg s25;
	s25 =	simm.s32 $0x500;
	s4 =	simm.s32 $0x2  }
0x13: {  	s12 =	simm.s32 $0x3D00;
	s15 =	simm.s32 $0x4500;
	s17 =	simm.s32 $0x4D00  }
0x14: {  	s6 =	simm.s32 $0x0;
	s0 =	smax.u32 s0, $0x1;
	[dreg:$0x7] =	wrdreg s8  }
0x15: {  	s26 =	sshrl.u32 s1, $0x3;
	s14 =	sshrl.u32 s8, $0x3;
	[dreg:$0x10] =	wrdreg s0  }
0x16: {  	s8 =	sshll.u32 s18, $0x7;
	s0 =	sadd.s32 $0x5002, s24;
	[dreg:$0x13] =	wrdreg s26  }
0x17: {  	s24 =	simm.s32 $0x80;
	s3 =	sadd.s32 s5, s14;
	[dreg:$0xc] =	wrdreg s8  }
0x18: {  	s26 =	simm.s32 $0x1;
	[dreg:$0xa] =	wrdreg s3;
	s3 =	sshll.u32 s18, $0x4  }
0x19: {  	[dreg:$0x12] =	wrdreg s0;
	s0 =	simm.s32 $0x2500;
	s3 =	sadd.s32 s10, s3  }
0x1a: {  	s18 =	simm.s32 $0x4;
	[dreg:$0xd] =	wrdreg s3;
	s3 =	sadd.s32 s22, s2  }
0x1b: {  	v2 =	vlaneseq.u32;
	v0 =	vmov s7;
	v1 =	vmov s16;
	s22 =	simm.s32 $0x5;
	[dreg:$0xf] =	wrdreg s3;
	s3 =	simm.s32 $0x3  }
.LBB2_1:
0x1c: {  	[dreg:$0x14] =	wrdreg s6  }
0x1d: {  	s1 =	rddreg [dreg:$0x13]  }
0x1e: {  	[spmem:s1], [sflag:s13] =	dma.local [hbm:s21], $0x2750  }
0x1f: {  	_ =	swait.ge [sflag:s22], $0x2750  }
0x20: {  	[sflag:s22] =	ssyncset.done $0x0  }
0x21: {  	[sflag:s22] =	ssyncadd.s32 $0xFFFFD8B0  }
0x22: {  	[bflag:$0x0] =	sbarrier.arrive $0xFFFF  }
0x23: {  	s20 =	rddreg [dreg:$0x9]  }
0x24: {  	s21 =	rddreg [dreg:$0xa]  }
0x25: {  	s19 =	simm.s32 $0x0;
	s16 =	rddreg [dreg:$0x11]  }
0x26: {  	[tilespmem:s19], [sflag:$0x1] =	stream.linear.gather [hbm4b:s20+s19], $0x280, $0x38;
	[tilespmem:$0x1DF80] =	vst v63  }
0x27: {  	s20 =	rddreg [dreg:$0xe];
	s19 =	simm.s32 $0x0  }
0x28: {  	[tilespmem:s25], [sflag:$0x1] =	stream.strided.gather [hbm4b:s21+s23], $0x2800, s24, s23, $0x38;
	[tilespmem:$0x1DF80] =	vst v63  }
.LBB2_2:
0x29: {  	_ =	swait.ge [sflag:s26], $0x280  }
0x2a: {  	[sflag:s26] =	ssyncset.done $0x0  }
0x2b: {  	[sflag:s26] =	ssyncadd.s32 $0xFFFFFD80  }
0x2c: {  	_ =	swait.ge [sflag:s26], $0x2800  }
0x2d: {  	[sflag:s26] =	ssyncset.done $0x0  }
0x2e: {  	s7 =	simm.s32 $0x0;
	[sflag:s26] =	ssyncadd.s32 $0xFFFFD800  }
0x2f: {  	v3 =	vld [tilespmem:s7+$0x0];
	_ =	sdelay $0x1  }
0x30: {  	s1 =	smul.u32 $0xA, s19  }
0x31: {  	s8 =	sadd.s32 $0x0, s20  }
0x32: {  	v4 =	vor.u32 s8, v2;
	s21 =	sadd.s32 $0x0, s1  }
0x33: {  	v4 =	vand.u32 $0x1FF, v4;
	s8 =	sshll.u32 s21, $0x7;
	vm0 =	vge.s32 v3, v0;
	vm1 =	vlt.s32 v3, v1  }
0x34: {  	s9 =	sand.u32 $0x70, s7;
	v4 =	vadd.s32 $0x13880, v4;
	s8 =	sand.u32 $0x3FFFFF80, s8;
	v3 =	vsub.s32 v3, v0;
	vm0 =	vmand vm0, vm1  }
0x35: {  	s8 =	sor.u32 s9, s8;
	v3 =	vsel vm0, v3, v4  }
0x36: {  	s9 =	simm.s32 $0x10;
	[tilespmem:s8+$0x5500] =	vst v3  }
0x37: {  	s13 =	simm.s32 $0x2;
	s8 =	simm.s32 $0x1;
	v3 =	vld [tilespmem:s9+$0x0]  }
.LBB2_3:
0x38: {  	p0 =	sne.s32 s13, $0x27  }
0x39: {  	s7 =	sadd.s32 $0x10, s7  }
0x3a: {  	s21 =	sshrl.u32 s8, $0x3;
	s8 =	smov.u32 s13;
	s14 =	sadd.s32 s7, s20  }
0x3b: {  	v4 =	vor.u32 s14, v2;
	s14 =	sadd.s32 s1, s21  }
.Ltmp0:
0x3c: {  	v4 =	vand.u32 $0x1FF, v4;
	s14 =	sshll.u32 s14, $0x7;
	vm0 =	vge.s32 v3, v0;
	vm1 =	vlt.s32 v3, v1;
	(pc) =	sbr.rel @p0 .LBB2_3-.Ltmp0, $4  }
0x3d: {  	s21 =	sand.u32 $0x70, s7;
	v3 =	vsub.s32 v3, v0;
	v4 =	vadd.s32 $0x13880, v4;
	s14 =	sand.u32 $0x3FFFFF80, s14;
	vm0 =	vmand vm0, vm1  }
0x3e: {  	s14 =	sor.u32 s21, s14;
	v3 =	vsel vm0, v3, v4  }
0x3f: {  	s9 =	sadd.s32 $0x10, s9;
	[tilespmem:s14+$0x5500] =	vst v3  }
0x40: {  	s13 =	sadd.s32 $0x1, s13;
	v3 =	vld [tilespmem:s9+$0x0]  }
0x41: {  	_ = 	snop  }
0x42: {  	s7 =	sadd.s32 $0x10, s7  }
0x43: {  	s8 =	sshrl.u32 s8, $0x3;
	s9 =	sadd.s32 s7, s20  }
0x44: {  	s8 =	sadd.s32 s1, s8;
	v4 =	vor.u32 s9, v2  }
0x45: {  	s8 =	sshll.u32 s8, $0x7;
	v4 =	vand.u32 $0x1FF, v4;
	vm0 =	vge.s32 v3, v0;
	vm1 =	vlt.s32 v3, v1  }
0x46: {  	s7 =	sand.u32 $0x70, s7;
	s8 =	sand.u32 $0x3FFFFF80, s8;
	v3 =	vsub.s32 v3, v0;
	v4 =	vadd.s32 $0x13880, v4;
	vm0 =	vmand vm0, vm1  }
0x47: {  	p0 =	seq.s32 s19, $0x0;
	s7 =	sor.u32 s7, s8;
	v3 =	vsel vm0, v3, v4  }
0x48: {  	s8 =	simm.s32 @!p0 $0x4;
	[tilespmem:s7+$0x5500] =	vst v3  }
0x49: {  	_ =	swait.ge @!p0 [sflag:s8], $0x800  }
0x4a: {  	[sflag:s8] =	ssyncset.done @!p0 $0x0  }
0x4b: {  	[sflag:s8] =	ssyncadd.s32 @!p0 $0xFFFFF800  }
0x4c: {  	_ =	swait.ge @!p0 [sflag:s8], $0x800  }
0x4d: {  	[sflag:s8] =	ssyncset.done @!p0 $0x0  }
0x4e: {  	[sflag:s8] =	ssyncadd.s32 @!p0 $0xFFFFF800  }
0x4f: {  	_ =	swait.ge @!p0 [sflag:s8], $0x800  }
0x50: {  	[sflag:s8] =	ssyncset.done @!p0 $0x0  }
0x51: {  	[sflag:s8] =	ssyncadd.s32 @!p0 $0xFFFFF800  }
0x52: {  	_ =	swait.ge @!p0 [sflag:s8], $0x800  }
0x53: {  	[sflag:s8] =	ssyncset.done @!p0 $0x0  }
0x54: {  	[sflag:s8] =	ssyncadd.s32 @!p0 $0xFFFFF800  }
0x55: {  	_ =	swait.ge @!p0 [sflag:s8], $0x800  }
0x56: {  	s7 =	sadd.s32 $0x5, s1;
	s6 =	rddreg [dreg:$0x6]  }
0x57: {  	s14 =	simm.s32 $0x280;
	[sflag:s8] =	ssyncset.done @!p0 $0x0;
	s13 =	sadd.s32 s6, s7  }
0x58: {  	s10 =	rddreg [dreg:$0x4];
	[sflag:s8] =	ssyncadd.s32 @!p0 $0xFFFFF800;
	s9 =	sshll.u32 s13, $0x4  }
0x59: {  	s13 =	sshll.u32 s13, $0xB;
	s8 =	sadd.s32 s10, s9;
	s9 =	simm.s32 $0x0  }
0x5a: {  	[tilespmem:s14], [sflag:$0x2] =	stream.linear.gather [hbm4b:s8+s9], $0x280, $0x38;
	[tilespmem:$0x1DF80] =	vst v63  }
0x5b: {  	s21 =	smul.u32 $0x1400, s19;
	s8 =	sadd.s32 s5, s13  }
0x5c: {  	[tilespmem:s28], [sflag:$0x2] =	stream.strided.gather [hbm4b:s8+s23], $0x2800, s24, s23, $0x38;
	[tilespmem:$0x1DF80] =	vst v63  }
0x5d: {  	s8 =	sshra.s32 s21, $0x2  }
0x5e: {  	s13 =	sadd.s32 $0x5500, s8  }
0x5f: {  	[spmem:s2] =	stream.indirect.scatter.add.f32 [tilespmem:s25], [sflag:$0x3], $0x10, s13, s24, $0xb8;
	[tilespmem:$0x1DF80] =	vst v63  }
0x60: {  	s6 =	sadd.s32 $0x5580, s8  }
0x61: {  	[spmem:s2] =	stream.indirect.scatter.add.f32 [tilespmem:s29], [sflag:$0x3], $0x10, s6, s24, $0xb8;
	[tilespmem:$0x1DF80] =	vst v63  }
0x62: {  	s10 =	sadd.s32 $0x5600, s8  }
0x63: {  	[spmem:s2] =	stream.indirect.scatter.add.f32 [tilespmem:s30], [sflag:$0x3], $0x10, s10, s24, $0xb8;
	[tilespmem:$0x1DF80] =	vst v63  }
0x64: {  	s21 =	sadd.s32 $0x5680, s8  }
0x65: {  	[spmem:s2] =	stream.indirect.scatter.add.f32 [tilespmem:s31], [sflag:$0x3], $0x10, s21, s24, $0xb8;
	[tilespmem:$0x1DF80] =	vst v63  }
0x66: {  	s6 =	sadd.s32 $0x5700, s8  }
0x67: {  	[spmem:s2] =	stream.indirect.scatter.add.f32 [tilespmem:s0], [sflag:$0x3], $0x10, s6, s24, $0xb8;
	[tilespmem:$0x1DF80] =	vst v63  }
0x68: {  	_ =	swait.ge [sflag:s4], $0x280  }
0x69: {  	[sflag:s4] =	ssyncset.done $0x0  }
0x6a: {  	[sflag:s4] =	ssyncadd.s32 $0xFFFFFD80  }
0x6b: {  	_ =	swait.ge [sflag:s4], $0x2800  }
0x6c: {  	[sflag:s4] =	ssyncset.done $0x0  }
0x6d: {  	[sflag:s4] =	ssyncadd.s32 $0xFFFFD800  }
0x6e: {  	v3 =	vld [tilespmem:s14+$0x0];
	_ =	sdelay $0x2  }
0x6f: {  	s10 =	sadd.s32 $0x0, s16  }
0x70: {  	v4 =	vor.u32 s10, v2;
	s14 =	sadd.s32 $0x0, s7  }
0x71: {  	v4 =	vand.u32 $0x1FF, v4;
	s13 =	sshll.u32 s14, $0x7;
	vm14 =	vge.s32 v3, v0;
	vm15 =	vlt.s32 v3, v1  }
0x72: {  	s21 =	sand.u32 $0x70, s9;
	v4 =	vadd.s32 $0x13880, v4;
	s13 =	sand.u32 $0x3FFFFF80, s13;
	v3 =	vsub.s32 v3, v0;
	vm0 =	vmand vm14, vm15  }
0x73: {  	s13 =	sor.u32 s21, s13;
	v3 =	vsel vm0, v3, v4  }
0x74: {  	s14 =	simm.s32 $0x290;
	[tilespmem:s13+$0x5500] =	vst v3  }
0x75: {  	s21 =	simm.s32 $0x2;
	s13 =	simm.s32 $0x1;
	v3 =	vld [tilespmem:s14+$0x0]  }
.LBB2_5:
0x76: {  	p0 =	sne.s32 s21, $0x27  }
0x77: {  	s9 =	sadd.s32 $0x10, s9  }
0x78: {  	s10 =	sshrl.u32 s13, $0x3;
	s13 =	smov.u32 s21;
	s6 =	sadd.s32 s9, s16  }
0x79: {  	v4 =	vor.u32 s6, v2;
	s6 =	sadd.s32 s7, s10  }
.Ltmp1:
0x7a: {  	v4 =	vand.u32 $0x1FF, v4;
	s6 =	sshll.u32 s6, $0x7;
	vm0 =	vge.s32 v3, v0;
	vm1 =	vlt.s32 v3, v1;
	(pc) =	sbr.rel @p0 .LBB2_5-.Ltmp1, $4  }
0x7b: {  	s10 =	sand.u32 $0x70, s9;
	v3 =	vsub.s32 v3, v0;
	v4 =	vadd.s32 $0x13880, v4;
	s6 =	sand.u32 $0x3FFFFF80, s6;
	vm0 =	vmand vm0, vm1  }
0x7c: {  	s6 =	sor.u32 s10, s6;
	v3 =	vsel vm0, v3, v4  }
0x7d: {  	s14 =	sadd.s32 $0x10, s14;
	[tilespmem:s6+$0x5500] =	vst v3  }
0x7e: {  	s21 =	sadd.s32 $0x1, s21;
	v3 =	vld [tilespmem:s14+$0x0]  }
0x7f: {  	_ = 	snop  }
0x80: {  	s6 =	sadd.s32 $0x10, s9  }
0x81: {  	s10 =	sshrl.u32 s13, $0x3;
	s9 =	sadd.s32 s6, s16  }
0x82: {  	s21 =	sadd.s32 s7, s10;
	v4 =	vor.u32 s9, v2  }
0x83: {  	s9 =	sshll.u32 s21, $0x7;
	v4 =	vand.u32 $0x1FF, v4;
	vm0 =	vge.s32 v3, v0;
	vm1 =	vlt.s32 v3, v1  }
0x84: {  	s6 =	sand.u32 $0x70, s6;
	s9 =	sand.u32 $0x3FFFFF80, s9;
	v3 =	vsub.s32 v3, v0;
	v4 =	vadd.s32 $0x13880, v4;
	vm0 =	vmand vm0, vm1  }
0x85: {  	s6 =	sor.u32 s6, s9;
	v3 =	vsel vm0, v3, v4  }
0x86: {  	[tilespmem:s6+$0x5500] =	vst v3  }
0x87: {  	_ =	swait.ge [sflag:s3], $0x800  }
0x88: {  	[sflag:s3] =	ssyncset.done $0x0  }
0x89: {  	[sflag:s3] =	ssyncadd.s32 $0xFFFFF800  }
0x8a: {  	_ =	swait.ge [sflag:s3], $0x800  }
0x8b: {  	[sflag:s3] =	ssyncset.done $0x0  }
0x8c: {  	[sflag:s3] =	ssyncadd.s32 $0xFFFFF800  }
0x8d: {  	_ =	swait.ge [sflag:s3], $0x800  }
0x8e: {  	[sflag:s3] =	ssyncset.done $0x0  }
0x8f: {  	[sflag:s3] =	ssyncadd.s32 $0xFFFFF800  }
0x90: {  	_ =	swait.ge [sflag:s3], $0x800  }
0x91: {  	[sflag:s3] =	ssyncset.done $0x0  }
0x92: {  	[sflag:s3] =	ssyncadd.s32 $0xFFFFF800  }
0x93: {  	_ =	swait.ge [sflag:s3], $0x800  }
0x94: {  	p0 =	seq.s32 s19, $0xF;
	s6 =	rddreg [dreg:$0xb]  }
0x95: {  	s10 =	simm.s32 @!p0 $0x500;
	[sflag:s3] =	ssyncset.done $0x0;
	s1 =	sadd.s32 @!p0 s1, s6  }
0x96: {  	s9 =	rddreg [dreg:$0x4];
	[sflag:s3] =	ssyncadd.s32 $0xFFFFF800;
	s6 =	sshll.u32 @!p0 s1, $0x4  }
0x97: {  	s1 =	sshll.u32 @!p0 s1, $0xB;
	s6 =	sadd.s32 @!p0 s9, s6;
	s9 =	simm.s32 @!p0 $0x0  }
0x98: {  	[tilespmem:s9], [sflag:$0x1] =	stream.linear.gather @!p0 [hbm4b:s6+s9], $0x280, $0x38;
	[tilespmem:$0x1DF80] =	vst v63  }
0x99: {  	s1 =	sadd.s32 @!p0 s5, s1;
	s6 =	simm.s32 @!p0 $0x10;
	s9 =	simm.s32 @!p0 $0x80  }
0x9a: {  	[tilespmem:s10], [sflag:$0x1] =	stream.strided.gather @!p0 [hbm4b:s1+s6], $0x2800, s9, s6, $0x38;
	[tilespmem:$0x1DF80] =	vst v63  }
0x9b: {  	s9 =	sshll.u32 s7, $0x7  }
0x9c: {  	s1 =	sand.u32 $0x3FFFFF80, s9  }
0x9d: {  	s1 =	sadd.s32 $0x5500, s1  }
0x9e: {  	[spmem:s2] =	stream.indirect.scatter.add.f32 [tilespmem:s28], [sflag:$0x4], $0x10, s1, s24, $0xb8;
	[tilespmem:$0x1DF80] =	vst v63  }
0x9f: {  	s19 =	sadd.s32 $0x1, s19;
	s10 =	sadd.s32 $0x5800, s8  }
0xa0: {  	[spmem:s2] =	stream.indirect.scatter.add.f32 [tilespmem:s11], [sflag:$0x4], $0x10, s10, s24, $0xb8;
	[tilespmem:$0x1DF80] =	vst v63  }
0xa1: {  	s13 =	sadd.s32 $0x5880, s8;
	p0 =	sne.s32 s19, $0x10  }
0xa2: {  	[spmem:s2] =	stream.indirect.scatter.add.f32 [tilespmem:s12], [sflag:$0x4], $0x10, s13, s24, $0xb8;
	[tilespmem:$0x1DF80] =	vst v63  }
.Ltmp2:
0xa3: {  	_ = 	snop;
	(pc) =	sbr.rel @p0 .LBB2_2-.Ltmp2, $4  }
0xa4: {  	s14 =	sadd.s32 $0x5900, s8  }
0xa5: {  	[spmem:s2] =	stream.indirect.scatter.add.f32 [tilespmem:s15], [sflag:$0x4], $0x10, s14, s24, $0xb8;
	[tilespmem:$0x1DF80] =	vst v63  }
0xa6: {  	s20 =	sadd.s32 $0x500, s20;
	s16 =	sadd.s32 $0x500, s16;
	s21 =	sadd.s32 $0x5980, s8  }
0xa7: {  	[spmem:s2] =	stream.indirect.scatter.add.f32 [tilespmem:s17], [sflag:$0x4], $0x10, s21, s24, $0xb8;
	[tilespmem:$0x1DF80] =	vst v63  }
0xa8: {  	_ =	swait.ge [sflag:s18], $0x800  }
0xa9: {  	[sflag:s18] =	ssyncset.done $0x0  }
0xaa: {  	[sflag:s18] =	ssyncadd.s32 $0xFFFFF800  }
0xab: {  	_ =	swait.ge [sflag:s18], $0x800  }
0xac: {  	[sflag:s18] =	ssyncset.done $0x0  }
0xad: {  	[sflag:s18] =	ssyncadd.s32 $0xFFFFF800  }
0xae: {  	_ =	swait.ge [sflag:s18], $0x800  }
0xaf: {  	[sflag:s18] =	ssyncset.done $0x0  }
0xb0: {  	[sflag:s18] =	ssyncadd.s32 $0xFFFFF800  }
0xb1: {  	_ =	swait.ge [sflag:s18], $0x800  }
0xb2: {  	[sflag:s18] =	ssyncset.done $0x0  }
0xb3: {  	[sflag:s18] =	ssyncadd.s32 $0xFFFFF800  }
0xb4: {  	_ =	swait.ge [sflag:s18], $0x800  }
0xb5: {  	[sflag:s18] =	ssyncset.done $0x0  }
0xb6: {  	[sflag:s18] =	ssyncadd.s32 $0xFFFFF800  }
0xb7: {  	[bflag:$0x0] =	sbarrier.arrive $0xFFFF  }
0xb8: {  	s1 =	rddreg [dreg:$0xf]  }
0xb9: {  	s13 =	rddreg [dreg:$0x8]  }
0xba: {  	s16 =	simm.s32 $0x1;
	s21 =	rddreg [dreg:$0xd];
	s20 =	sshrl.u32 s1, $0x3  }
0xbb: {  	[hbm:s21@s23], [sflag:s13] =	dma.strided [spmem:s20@s4], $0x2710, s16, $0x2   }
0xbc: {  	_ =	swait.ge [sflag:s22], $0x2710  }
0xbd: {  	[sflag:s22] =	ssyncset.done $0x0  }
0xbe: {  	[sflag:s22] =	ssyncadd.s32 $0xFFFFD8F0  }
0xbf: {  	[bflag:$0x0] =	sbarrier.arrive $0xFFFF  }
0xc0: {  	s8 =	rddreg [dreg:$0x12]  }
0xc1: {  	s21 =	rddreg [dreg:$0x1]  }
.LBB2_8:
0xc2: {  	s1 =	rddreg [dreg:$0x13]  }
0xc3: {  	[spmem:s1], [sflag:s13] =	dma.local [hbm:s21], $0x2750  }
0xc4: {  	_ =	swait.ge [sflag:s22], $0x2750  }
0xc5: {  	s1 =	sshll.u32 s16, $0x4;
	s6 =	rddreg [dreg:$0x7]  }
0xc6: {  	[sflag:s22] =	ssyncset.done $0x0;
	s6 =	sor.u32 s6, s1  }
0xc7: {  	[sflag:s22] =	ssyncadd.s32 $0xFFFFD8B0;
	s6 =	sshrl.u32 s6, $0x3  }
0xc8: {  	[bflag:$0x0] =	sbarrier.arrive $0xFFFF;
	s6 =	sadd.s32 s5, s6  }
0xc9: {  	[tilespmem:s25], [sflag:$0x1] =	stream.strided.gather [hbm4b:s6+s23], $0x2800, s24, s23, $0x38;
	[tilespmem:$0x1DF80] =	vst v63  }
0xca: {  	_ =	swait.ge [sflag:s26], $0x2800  }
0xcb: {  	p0 =	por $0x1, $0x1;
	[sflag:s26] =	ssyncset.done $0x0  }
0xcc: {  	s6 =	simm.s32 @!p0 $0x4;
	[sflag:s26] =	ssyncadd.s32 $0xFFFFD800  }
0xcd: {  	_ =	swait.ge @!p0 [sflag:s6], $0x800  }
0xce: {  	[sflag:s6] =	ssyncset.done @!p0 $0x0  }
0xcf: {  	[sflag:s6] =	ssyncadd.s32 @!p0 $0xFFFFF800  }
0xd0: {  	_ =	swait.ge @!p0 [sflag:s6], $0x800  }
0xd1: {  	[sflag:s6] =	ssyncset.done @!p0 $0x0  }
0xd2: {  	[sflag:s6] =	ssyncadd.s32 @!p0 $0xFFFFF800  }
0xd3: {  	_ =	swait.ge @!p0 [sflag:s6], $0x800  }
0xd4: {  	[sflag:s6] =	ssyncset.done @!p0 $0x0  }
0xd5: {  	[sflag:s6] =	ssyncadd.s32 @!p0 $0xFFFFF800  }
0xd6: {  	_ =	swait.ge @!p0 [sflag:s6], $0x800  }
0xd7: {  	[sflag:s6] =	ssyncset.done @!p0 $0x0  }
0xd8: {  	[sflag:s6] =	ssyncadd.s32 @!p0 $0xFFFFF800  }
0xd9: {  	_ =	swait.ge @!p0 [sflag:s6], $0x800  }
0xda: {  	[sflag:s6] =	ssyncset.done @!p0 $0x0  }
0xdb: {  	s10 =	sadd.s32 $0xFFFFD800, s8;
	[sflag:s6] =	ssyncadd.s32 @!p0 $0xFFFFF800  }
0xdc: {  	[tilespmem:s28], [sflag:$0x2] =	stream.strided.gather [hbm4b:s10+s23], $0x2800, s24, s23, $0x38;
	[tilespmem:$0x1DF80] =	vst v63  }
0xdd: {  	s13 =	simm.s32 $0x5500  }
0xde: {  	[spmem:s2] =	stream.indirect.scatter.add.f32 [tilespmem:s25], [sflag:$0x3], $0x10, s13, s24, $0xb8;
	[tilespmem:$0x1DF80] =	vst v63  }
0xdf: {  	s14 =	simm.s32 $0x5580  }
0xe0: {  	[spmem:s2] =	stream.indirect.scatter.add.f32 [tilespmem:s29], [sflag:$0x3], $0x10, s14, s24, $0xb8;
	[tilespmem:$0x1DF80] =	vst v63  }
0xe1: {  	s19 =	simm.s32 $0x5600  }
0xe2: {  	[spmem:s2] =	stream.indirect.scatter.add.f32 [tilespmem:s30], [sflag:$0x3], $0x10, s19, s24, $0xb8;
	[tilespmem:$0x1DF80] =	vst v63  }
0xe3: {  	s7 =	simm.s32 $0x5680  }
0xe4: {  	[spmem:s2] =	stream.indirect.scatter.add.f32 [tilespmem:s31], [sflag:$0x3], $0x10, s7, s24, $0xb8;
	[tilespmem:$0x1DF80] =	vst v63  }
0xe5: {  	s9 =	simm.s32 $0x5700  }
0xe6: {  	[spmem:s2] =	stream.indirect.scatter.add.f32 [tilespmem:s0], [sflag:$0x3], $0x10, s9, s24, $0xb8;
	[tilespmem:$0x1DF80] =	vst v63  }
0xe7: {  	_ =	swait.ge [sflag:s4], $0x2800  }
0xe8: {  	[sflag:s4] =	ssyncset.done $0x0  }
0xe9: {  	[sflag:s4] =	ssyncadd.s32 $0xFFFFD800  }
0xea: {  	_ =	swait.ge [sflag:s3], $0x800  }
0xeb: {  	[sflag:s3] =	ssyncset.done $0x0  }
0xec: {  	[sflag:s3] =	ssyncadd.s32 $0xFFFFF800  }
0xed: {  	_ =	swait.ge [sflag:s3], $0x800  }
0xee: {  	[sflag:s3] =	ssyncset.done $0x0  }
0xef: {  	[sflag:s3] =	ssyncadd.s32 $0xFFFFF800  }
0xf0: {  	_ =	swait.ge [sflag:s3], $0x800  }
0xf1: {  	[sflag:s3] =	ssyncset.done $0x0  }
0xf2: {  	[sflag:s3] =	ssyncadd.s32 $0xFFFFF800  }
0xf3: {  	_ =	swait.ge [sflag:s3], $0x800  }
0xf4: {  	[sflag:s3] =	ssyncset.done $0x0  }
0xf5: {  	[sflag:s3] =	ssyncadd.s32 $0xFFFFF800  }
0xf6: {  	p0 =	por $0x0, $0x0;
	_ =	swait.ge [sflag:s3], $0x800  }
0xf7: {  	s6 =	simm.s32 @!p0 $0x80;
	[sflag:s3] =	ssyncset.done $0x0  }
0xf8: {  	s7 =	simm.s32 @!p0 $0x500;
	s9 =	simm.s32 @!p0 $0x10;
	[sflag:s3] =	ssyncadd.s32 $0xFFFFF800  }
0xf9: {  	[tilespmem:s7], [sflag:$0x1] =	stream.strided.gather @!p0 [hbm4b:s8+s9], $0x2800, s6, s9, $0x38;
	[tilespmem:$0x1DF80] =	vst v63  }
0xfa: {  	s10 =	simm.s32 $0x5780  }
0xfb: {  	[spmem:s2] =	stream.indirect.scatter.add.f32 [tilespmem:s28], [sflag:$0x4], $0x10, s10, s24, $0xb8;
	[tilespmem:$0x1DF80] =	vst v63  }
0xfc: {  	s13 =	simm.s32 $0x5800  }
0xfd: {  	[spmem:s2] =	stream.indirect.scatter.add.f32 [tilespmem:s11], [sflag:$0x4], $0x10, s13, s24, $0xb8;
	[tilespmem:$0x1DF80] =	vst v63  }
0xfe: {  	s14 =	simm.s32 $0x5880  }
0xff: {  	[spmem:s2] =	stream.indirect.scatter.add.f32 [tilespmem:s12], [sflag:$0x4], $0x10, s14, s24, $0xb8;
	[tilespmem:$0x1DF80] =	vst v63  }
0x100: {  	s19 =	simm.s32 $0x5900  }
0x101: {  	[spmem:s2] =	stream.indirect.scatter.add.f32 [tilespmem:s15], [sflag:$0x4], $0x10, s19, s24, $0xb8;
	[tilespmem:$0x1DF80] =	vst v63  }
0x102: {  	s7 =	simm.s32 $0x1400;
	s13 =	simm.s32 $0x5980;
	s19 =	smov.u32 s8  }
.LBB2_9:
0x103: {  	s19 =	sadd.s32 $0x5000, s19;
	s9 =	smov.u32 s7;
	s7 =	sadd.s32 $0x1400, s7  }
0x104: {  	[spmem:s2] =	stream.indirect.scatter.add.f32 [tilespmem:s17], [sflag:$0x4], $0x10, s13, s24, $0xb8;
	[tilespmem:$0x1DF80] =	vst v63  }
0x105: {  	p0 =	sne.s32 s7, $0x14000;
	_ =	swait.ge [sflag:s26], $0x2800  }
0x106: {  	p1 =	seq.s32 s9, $0x0;
	[sflag:s26] =	ssyncset.done $0x0  }
0x107: {  	s6 =	simm.s32 @!p1 $0x4;
	[sflag:s26] =	ssyncadd.s32 $0xFFFFD800  }
0x108: {  	_ =	swait.ge @!p1 [sflag:s6], $0x800  }
0x109: {  	[sflag:s6] =	ssyncset.done @!p1 $0x0  }
0x10a: {  	[sflag:s6] =	ssyncadd.s32 @!p1 $0xFFFFF800  }
0x10b: {  	_ =	swait.ge @!p1 [sflag:s6], $0x800  }
0x10c: {  	[sflag:s6] =	ssyncset.done @!p1 $0x0  }
0x10d: {  	[sflag:s6] =	ssyncadd.s32 @!p1 $0xFFFFF800  }
0x10e: {  	_ =	swait.ge @!p1 [sflag:s6], $0x800  }
0x10f: {  	[sflag:s6] =	ssyncset.done @!p1 $0x0  }
0x110: {  	[sflag:s6] =	ssyncadd.s32 @!p1 $0xFFFFF800  }
0x111: {  	_ =	swait.ge @!p1 [sflag:s6], $0x800  }
0x112: {  	[sflag:s6] =	ssyncset.done @!p1 $0x0  }
0x113: {  	[sflag:s6] =	ssyncadd.s32 @!p1 $0xFFFFF800  }
0x114: {  	_ =	swait.ge @!p1 [sflag:s6], $0x800  }
0x115: {  	[sflag:s6] =	ssyncset.done @!p1 $0x0  }
0x116: {  	s14 =	sshra.s32 s9, $0x2;
	[sflag:s6] =	ssyncadd.s32 @!p1 $0xFFFFF800;
	s6 =	sadd.s32 $0xFFFFD800, s19  }
0x117: {  	[tilespmem:s28], [sflag:$0x2] =	stream.strided.gather [hbm4b:s6+s23], $0x2800, s24, s23, $0x38;
	[tilespmem:$0x1DF80] =	vst v63  }
0x118: {  	s13 =	sadd.s32 $0x5980, s14;
	s6 =	sadd.s32 $0x5500, s14  }
0x119: {  	[spmem:s2] =	stream.indirect.scatter.add.f32 [tilespmem:s25], [sflag:$0x3], $0x10, s6, s24, $0xb8;
	[tilespmem:$0x1DF80] =	vst v63  }
0x11a: {  	s6 =	sadd.s32 $0x5580, s14  }
0x11b: {  	[spmem:s2] =	stream.indirect.scatter.add.f32 [tilespmem:s29], [sflag:$0x3], $0x10, s6, s24, $0xb8;
	[tilespmem:$0x1DF80] =	vst v63  }
0x11c: {  	s6 =	sadd.s32 $0x5600, s14  }
0x11d: {  	[spmem:s2] =	stream.indirect.scatter.add.f32 [tilespmem:s30], [sflag:$0x3], $0x10, s6, s24, $0xb8;
	[tilespmem:$0x1DF80] =	vst v63  }
0x11e: {  	s6 =	sadd.s32 $0x5680, s14  }
0x11f: {  	[spmem:s2] =	stream.indirect.scatter.add.f32 [tilespmem:s31], [sflag:$0x3], $0x10, s6, s24, $0xb8;
	[tilespmem:$0x1DF80] =	vst v63  }
0x120: {  	s6 =	sadd.s32 $0x5700, s14  }
0x121: {  	[spmem:s2] =	stream.indirect.scatter.add.f32 [tilespmem:s0], [sflag:$0x3], $0x10, s6, s24, $0xb8;
	[tilespmem:$0x1DF80] =	vst v63  }
0x122: {  	_ =	swait.ge [sflag:s4], $0x2800  }
0x123: {  	[sflag:s4] =	ssyncset.done $0x0  }
0x124: {  	[sflag:s4] =	ssyncadd.s32 $0xFFFFD800  }
0x125: {  	_ =	swait.ge [sflag:s3], $0x800  }
0x126: {  	[sflag:s3] =	ssyncset.done $0x0  }
0x127: {  	[sflag:s3] =	ssyncadd.s32 $0xFFFFF800  }
0x128: {  	_ =	swait.ge [sflag:s3], $0x800  }
0x129: {  	[sflag:s3] =	ssyncset.done $0x0  }
0x12a: {  	[sflag:s3] =	ssyncadd.s32 $0xFFFFF800  }
0x12b: {  	_ =	swait.ge [sflag:s3], $0x800  }
0x12c: {  	[sflag:s3] =	ssyncset.done $0x0  }
0x12d: {  	[sflag:s3] =	ssyncadd.s32 $0xFFFFF800  }
0x12e: {  	_ =	swait.ge [sflag:s3], $0x800  }
0x12f: {  	[sflag:s3] =	ssyncset.done $0x0  }
0x130: {  	[sflag:s3] =	ssyncadd.s32 $0xFFFFF800  }
0x131: {  	_ =	swait.ge [sflag:s3], $0x800  }
0x132: {  	p1 =	seq.s32 s9, $0x12C00;
	[sflag:s3] =	ssyncset.done $0x0  }
0x133: {  	s9 =	simm.s32 @!p1 $0x500;
	s6 =	simm.s32 @!p1 $0x80;
	[sflag:s3] =	ssyncadd.s32 $0xFFFFF800  }
0x134: {  	s10 =	simm.s32 @!p1 $0x10  }
0x135: {  	[tilespmem:s9], [sflag:$0x1] =	stream.strided.gather @!p1 [hbm4b:s19+s10], $0x2800, s6, s10, $0x38;
	[tilespmem:$0x1DF80] =	vst v63  }
0x136: {  	s6 =	sadd.s32 $0x5780, s14;
	s9 =	sadd.s32 $0x5800, s14  }
0x137: {  	[spmem:s2] =	stream.indirect.scatter.add.f32 [tilespmem:s28], [sflag:$0x4], $0x10, s6, s24, $0xb8;
	[tilespmem:$0x1DF80] =	vst v63  }
0x138: {  	_ = 	snop  }
0x139: {  	[spmem:s2] =	stream.indirect.scatter.add.f32 [tilespmem:s11], [sflag:$0x4], $0x10, s9, s24, $0xb8;
	[tilespmem:$0x1DF80] =	vst v63  }
.Ltmp3:
0x13a: {  	_ = 	snop;
	(pc) =	sbr.rel @p0 .LBB2_9-.Ltmp3, $4  }
0x13b: {  	s6 =	sadd.s32 $0x5880, s14;
	s9 =	sadd.s32 $0x5900, s14  }
0x13c: {  	[spmem:s2] =	stream.indirect.scatter.add.f32 [tilespmem:s12], [sflag:$0x4], $0x10, s6, s24, $0xb8;
	[tilespmem:$0x1DF80] =	vst v63  }
0x13d: {  	_ = 	snop  }
0x13e: {  	[spmem:s2] =	stream.indirect.scatter.add.f32 [tilespmem:s15], [sflag:$0x4], $0x10, s9, s24, $0xb8;
	[tilespmem:$0x1DF80] =	vst v63  }
0x13f: {  	[spmem:s2] =	stream.indirect.scatter.add.f32 [tilespmem:s17], [sflag:$0x4], $0x10, s13, s24, $0xb8;
	[tilespmem:$0x1DF80] =	vst v63  }
0x140: {  	_ =	swait.ge [sflag:s18], $0x800  }
0x141: {  	[sflag:s18] =	ssyncset.done $0x0  }
0x142: {  	[sflag:s18] =	ssyncadd.s32 $0xFFFFF800  }
0x143: {  	_ =	swait.ge [sflag:s18], $0x800  }
0x144: {  	[sflag:s18] =	ssyncset.done $0x0  }
0x145: {  	[sflag:s18] =	ssyncadd.s32 $0xFFFFF800  }
0x146: {  	_ =	swait.ge [sflag:s18], $0x800  }
0x147: {  	[sflag:s18] =	ssyncset.done $0x0  }
0x148: {  	[sflag:s18] =	ssyncadd.s32 $0xFFFFF800  }
0x149: {  	_ =	swait.ge [sflag:s18], $0x800  }
0x14a: {  	[sflag:s18] =	ssyncset.done $0x0  }
0x14b: {  	[sflag:s18] =	ssyncadd.s32 $0xFFFFF800  }
0x14c: {  	_ =	swait.ge [sflag:s18], $0x800  }
0x14d: {  	[sflag:s18] =	ssyncset.done $0x0  }
0x14e: {  	s6 =	rddreg [dreg:$0xc];
	[sflag:s18] =	ssyncadd.s32 $0xFFFFF800  }
0x14f: {  	s1 =	sadd.s32 s6, s1;
	[bflag:$0x0] =	sbarrier.arrive $0xFFFF  }
0x150: {  	s16 =	sadd.s32 $0x1, s16;
	s1 =	sshrl.u32 s1, $0x3;
	s19 =	rddreg [dreg:$0x5]  }
0x151: {  	p0 =	sne.s32 s16, $0x8;
	s13 =	rddreg [dreg:$0x8];
	s1 =	sadd.s32 s19, s1  }
0x152: {  	[hbm:s1@s23], [sflag:s13] =	dma.strided [spmem:s20@s4], $0x2710, s26, $0x2   }
.Ltmp4:
0x153: {  	_ =	swait.ge [sflag:s22], $0x2710;
	(pc) =	sbr.rel @p0 .LBB2_8-.Ltmp4, $4  }
0x154: {  	[sflag:s22] =	ssyncset.done $0x0  }
0x155: {  	[sflag:s22] =	ssyncadd.s32 $0xFFFFD8F0  }
0x156: {  	[bflag:$0x0] =	sbarrier.arrive $0xFFFF  }
0x157: {  	s8 =	sadd.s32 $0x2, s8  }
0x158: {  	s6 =	rddreg [dreg:$0x14]  }
0x159: {  	s1 =	rddreg [dreg:$0x10];
	s6 =	sadd.s32 $0x1, s6  }
0x15a: {  	p0 =	sne.s32 s6, s1  }
.Ltmp5:
0x15b: {  	_ = 	snop;
	(pc) =	sbr.rel @p0 .LBB2_1-.Ltmp5, $1  }
0x15c: {  	_ =	sdelay $0x3  }
0x15d: {  	_ =	sfence.sel $0x180000  }
0x15e: {  	[bflag:$0x0] =	sbarrier.arrive $0xFFFF  }
0x15f: {  	_ =	strace $0x9000004A  }
0x160: {  	s0 =	stileid.u32;
	[bflag:$0x2] =	sbarrier.arrive $0xFFFF  }
0x161: {  	p0 =	sne.s32 s0, $0x0;
	s0 =	rddreg [dreg:$0x3]  }
0x162: {  	s0 =	sadd.s32 @!p0 $0x100000, s0  }
0x163: {  	[sflag:s0] =	ssyncadd.tile.s32 @!p0 $0x1;
	_ =	shalt  }
.Lfunc_end2:
_tile_overlayer_lowered:
.L_overlay_start_2:
0x164: {  	(tag) =	ssettag $0x2  }
0x165: {  	s0 =	rddreg [dreg:$0x0];
	s2 =	stileid.u32  }
0x166: {  	s1 =	rddreg [dreg:$0x1];
	p0 =	sne.s32 s2, $0x0  }
0x167: {  	s3 =	rddreg [dreg:$0x2];
	[bflag:$0x3] =	sbarrier.arrive $0xFFFF;
	s2 =	simm.s32 @!p0 $0x1C05  }
0x168: {  	[timem:s3], [sflag:s2] =	dma.local @!p0 [hbm:s0], s1  }
0x169: {  	s0 =	simm.s32 @!p0 $0x5  }
0x16a: {  	_ =	swait.ge @!p0 [sflag:s0], s1  }
0x16b: {  	s1 =	ssub.s32 @!p0 $0x0, s1;
	[sflag:s0] =	ssyncset.done @!p0 $0x0  }
0x16c: {  	[sflag:s0] =	ssyncadd.s32 @!p0 s1  }
0x16d: {  	[bflag:$0x3] =	sbarrier.arrive $0xFFFF  }
0x16e: {  	_ =	shalt  }

// kernel: kernel.7.cloned.1.call-start
scs
__scs_entry_jumppad:
0x0: {  	(pc) =	sbr.rel $0x88, $3  }
0x1: {  	(tag) =	ssettag $0x0;
	lr =	simm.s32 $0x1  }
0x2: {  	[smem:$0x3F87] =	sst lr;
	_ =	strace $0xD0000000  }
0x3: {  	_ = 	snop  }
0x4: {  	_ = 	snop  }
0x5: {  	_ = 	snop  }
0x6: {  	_ = 	snop  }
0x7: {  	_ = 	snop  }
__scs_overlays_trampoline_lowered:
0x8: {  	[smem:$0x3F96] =	sst s0  }
0x9: {  	[smem:$0x3F97] =	sst s1  }
0xa: {  	[smem:$0x3F98] =	sst s2  }
0xb: {  	[smem:$0x3F99] =	sst s3  }
0xc: {  	[smem:$0x3F9A] =	sst s4  }
0xd: {  	[smem:$0x3F9B] =	sst s5  }
0xe: {  	[smem:$0x3F9C] =	sst s6  }
0xf: {  	[smem:$0x3F9D] =	sst s7  }
0x10: {  	[smem:$0x3F9E] =	sst s8  }
0x11: {  	[smem:$0x3F9F] =	sst s9;
	s0 =	simm.s32 @!p0 $0x0  }
0x12: {  	s1 =	sld [smem:$0x3F85];
	s0 =	simm.s32 @p0 $0x1  }
0x13: {  	[smem:$0x3FA0] =	sst s0;
	s0 =	simm.s32 @!p1 $0x0  }
0x14: {  	s2 =	sld [smem:$0x3F84];
	s0 =	simm.s32 @p1 $0x1  }
0x15: {  	[smem:$0x3FA1] =	sst s0;
	s0 =	simm.s32 @!p2 $0x0  }
0x16: {  	s3 =	sld [smem:$0x3FDB];
	s0 =	simm.s32 @p2 $0x1  }
0x17: {  	s4 =	simm.s32 $0x1BF5;
	[smem:$0x3FA3] =	sst s0  }
0x18: {  	s0 =	sld [smem:$0x3F86];
	_ =	swait.ge [sflag:s4], $0x0  }
0x19: {  	s7 =	sld [smem:$0x3F87]  }
0x1a: {  	s8 =	sadd.s32 $0xFFFFE003, lr  }
0x1b: {  	s9 =	sadd.s32 $0xFFFFFEF7, lr;
	s5 =	simm.s32 $0xFFFFFFFF;
	p2 =	slt.u32 s8, $0xFFFFF086  }
0x1c: {  	p1 =	slt.u32 s9, $0xF7A;
	s5 =	simm.s32 @!p2 $0x0  }
0x1d: {  	s5 =	simm.s32 @p1 $0x1;
	p0 =	seq.s32 s7, s2  }
0x1e: {  	s7 =	smul.u32 @!p0 $0xF7A, s2;
	p2 =	seq.s32 @!p0 s5, $0x0  }
0x1f: {  	s9 =	smul.u32 $0xF7A, s1;
	s8 =	simm.s32 @!p0 $0x1BF5;
	p2 =	por !p2, p0  }
0x20: {  	[sflag:s8] =	ssyncset.s32 @!p0 $0xFFFFF086;
	s6 =	sadd.s32 @!p0 s3, s7;
	s7 =	simm.s32 @!p0 $0x108  }
0x21: {  	s3 =	sadd.s32 s3, s9;
	s6 =	sadd.s32 @!p0 $0x88, s6;
	s7 =	simm.s32 @p2 $0x1082  }
0x22: {  	[simem:s7], [sflag:s8] =	dma.local @!p0 [hbm:s6], $0xF7A  }
0x23: {  	s9 =	sor.u32 $0xD0000000, s2;
	s6 =	simm.s32 $0x108;
	_ =	swait.ge @!p0 [sflag:s8], $0x0  }
0x24: {  	s3 =	sadd.s32 $0x88, s3;
	s6 =	simm.s32 @!p1 $0x1082;
	[sflag:s4] =	ssyncset.s32 $0xFFFFF086  }
0x25: {  	[simem:s6], [sflag:s4] =	dma.local [hbm:s3], $0xF7A  }
0x26: {  	[smem:$0x3F87] =	sst s1;
	(tag) =	ssettag s2;
	_ =	strace s9  }
0x27: {  	s1 =	sld [smem:$0x3F97]  }
0x28: {  	s2 =	sld [smem:$0x3F98]  }
0x29: {  	s4 =	sld [smem:$0x3F9A]  }
0x2a: {  	p0 =	seq.s32 s5, $0x0;
	s5 =	sld [smem:$0x3F9B]  }
0x2b: {  	s6 =	sld [smem:$0x3F9C]  }
0x2c: {  	s7 =	sld [smem:$0x3F9D]  }
0x2d: {  	s3 =	simm.s32 $0x108;
	s8 =	sld [smem:$0x3F9E]  }
0x2e: {  	s3 =	simm.s32 @!p0 $0x1082;
	s9 =	sld [smem:$0x3F9F]  }
0x2f: {  	lr =	sadd.s32 s0, s3;
	s0 =	sld [smem:$0x3F96]  }
0x30: {  	s3 =	sld [smem:$0x3F99]  }
0x31: {  	[smem:$0x3FA2] =	sst s10  }
0x32: {  	s10 =	sld [smem:$0x3FA0];
	_ =	sdelay $0x3  }
0x33: {  	p0 =	seq.s32 s10, $0x1;
	s10 =	sld [smem:$0x3FA2];
	_ =	sdelay $0x3  }
0x34: {  	[smem:$0x3FA2] =	sst s10  }
0x35: {  	s10 =	sld [smem:$0x3FA1];
	_ =	sdelay $0x3  }
0x36: {  	p1 =	seq.s32 s10, $0x1;
	s10 =	sld [smem:$0x3FA2];
	_ =	sdelay $0x3  }
0x37: {  	[smem:$0x3FA2] =	sst s10  }
0x38: {  	s10 =	sld [smem:$0x3FA3]  }
0x39: {  	_ = 	snop;
	(pc) =	sbr.ind lr, $3  }
0x3a: {  	_ = 	snop  }
0x3b: {  	_ = 	snop  }
0x3c: {  	p2 =	seq.s32 s10, $0x1;
	s10 =	sld [smem:$0x3FA2]  }
0x3d: {  	_ =	shalt  }
0x3e: {  	_ =	shalt  }
0x3f: {  	_ =	shalt  }
0x40: {  	_ =	shalt  }
0x41: {  	_ =	shalt  }
0x42: {  	_ =	shalt  }
0x43: {  	_ =	shalt  }
0x44: {  	_ =	shalt  }
0x45: {  	_ =	shalt  }
0x46: {  	_ =	shalt  }
0x47: {  	_ =	shalt  }
0x48: {  	_ =	shalt  }
0x49: {  	_ =	shalt  }
0x4a: {  	_ =	shalt  }
0x4b: {  	_ =	shalt  }
0x4c: {  	_ =	shalt  }
0x4d: {  	_ =	shalt  }
0x4e: {  	_ =	shalt  }
0x4f: {  	_ =	shalt  }
0x50: {  	_ =	shalt  }
0x51: {  	_ =	shalt  }
0x52: {  	_ =	shalt  }
0x53: {  	_ =	shalt  }
0x54: {  	_ =	shalt  }
0x55: {  	_ =	shalt  }
0x56: {  	_ =	shalt  }
0x57: {  	_ =	shalt  }
0x58: {  	_ =	shalt  }
0x59: {  	_ =	shalt  }
0x5a: {  	_ =	shalt  }
0x5b: {  	_ =	shalt  }
0x5c: {  	_ =	shalt  }
0x5d: {  	_ =	shalt  }
0x5e: {  	_ =	shalt  }
0x5f: {  	_ =	shalt  }
0x60: {  	_ =	shalt  }
0x61: {  	_ =	shalt  }
0x62: {  	_ =	shalt  }
0x63: {  	_ =	shalt  }
0x64: {  	_ =	shalt  }
0x65: {  	_ =	shalt  }
0x66: {  	_ =	shalt  }
0x67: {  	_ =	shalt  }
0x68: {  	_ =	shalt  }
0x69: {  	_ =	shalt  }
0x6a: {  	_ =	shalt  }
0x6b: {  	_ =	shalt  }
0x6c: {  	_ =	shalt  }
0x6d: {  	_ =	shalt  }
0x6e: {  	_ =	shalt  }
0x6f: {  	_ =	shalt  }
0x70: {  	_ =	shalt  }
0x71: {  	_ =	shalt  }
0x72: {  	_ =	shalt  }
0x73: {  	_ =	shalt  }
0x74: {  	_ =	shalt  }
0x75: {  	_ =	shalt  }
0x76: {  	_ =	shalt  }
0x77: {  	_ =	shalt  }
0x78: {  	_ =	shalt  }
0x79: {  	_ =	shalt  }
0x7a: {  	_ =	shalt  }
0x7b: {  	_ =	shalt  }
0x7c: {  	_ =	shalt  }
0x7d: {  	_ =	shalt  }
0x7e: {  	_ =	shalt  }
0x7f: {  	_ =	shalt  }
0x80: {  	_ =	shalt  }
0x81: {  	_ =	shalt  }
0x82: {  	_ =	shalt  }
0x83: {  	_ =	shalt  }
0x84: {  	_ =	shalt  }
0x85: {  	_ =	shalt  }
0x86: {  	_ =	shalt  }
0x87: {  	_ =	shalt  }
.Lfunc_end0:
.L_simem_size_0:
called_computation_lowered:
.L_overlay_start_0:
0x88: {  	s2 =	sld [smem:$0x3FD9]  }
0x89: {  	s3 =	sld [smem:$0x3FFE];
	_ =	sdelay $0x1  }
0x8a: {  	s1 =	srdreg.scid  }
0x8b: {  	s0 =	sand.u32 $0x1, s1  }
0x8c: {  	s17 =	sshll.u32 s0, $0xA;
	s2 =	sadd.s32 s3, s2  }
0x8d: {  	s2 =	sadd.s32 s2, s17  }
0x8e: {  	[smem:$0x3FAE] =	sst s2  }
0x8f: {  	_ = 	snop  }
0x90: {  	s2 =	sld [smem:$0x3FC6]  }
0x91: {  	s18 =	sld [smem:$0x3FD0];
	(tm) =	ssettm $0x1  }
0x92: {  	s4 =	sld [smem:$0x3FFB];
	_ =	sdelay $0x3  }
0x93: {  	_ =	strace s4  }
0x94: {  	s4 =	sld [smem:$0x3FFC];
	_ =	sdelay $0x3  }
0x95: {  	_ =	strace s4  }
0x96: {  	s4 =	sld [smem:$0x3FFD];
	_ =	sdelay $0x3  }
0x97: {  	_ =	strace s4  }
0x98: {  	_ =	strace $0x8FFFFFFF  }
0x99: {  	s19 =	sld [smem:$0x3FDB];
	_ =	sdelay $0x1  }
0x9a: {  	s5 =	simm.s32 $_scs_section_size  }
0x9b: {  	s6 =	simm.s32 $_size__tile_overlayer_lowered;
	s7 =	simm.s32 $_tile_overlayer_lowered  }
0x9c: {  	s22 =	simm.s32 $0x1BFF;
	s21 =	sshll.u32 s7, $0x1;
	s4 =	sadd.s32 s5, s19  }
0x9d: {  	s8 =	simm.s32 $0x0;
	s20 =	sshll.u32 s6, $0x1;
	s6 =	sadd.s32 s21, s4  }
0x9e: {  	[timem:s8], [sflag:s22] =	dma.local [hbm:s6], s20  }
0x9f: {  	_ =	swait.ge [sflag:s22], s20  }
0xa0: {  	s5 =	ssub.s32 $0x0, s20;
	[sflag:s22] =	ssyncset.done $0x0  }
0xa1: {  	[sflag:s22] =	ssyncadd.s32 s5;
	_ =	sdelay $0x1  }
0xa2: {  	s23 =	simm.s32 $0x1B8B  }
0xa3: {  	_ =	swait.ge [sflag:s23], $0x1  }
0xa4: {  	[sflag:s23] =	ssyncset.done $0x0  }
0xa5: {  	s25 =	simm.s32 $0x1B8E;
	s24 =	sld [smem:$0x3FFE];
	[sflag:s23] =	ssyncadd.s32 $0xFFFFFFFF  }
0xa6: {  	s26 =	simm.s32 $execute0_lowered;
	[smem:$0x3FD2] =	sst s25  }
0xa7: {  	s6 =	sshll.u32 s26, $0x1;
	_ =	strace $0x80000046;
	[dreg:$0x1] =	wrdreg $0xFFFFFFFF  }
0xa8: {  	s28 =	simm.s32 $_size_execute0_lowered;
	s4 =	sadd.s32 s4, s6;
	[dreg:$0x0] =	wrdreg $0x0  }
0xa9: {  	s6 =	sshll.u32 s28, $0x1;
	[dreg:$0x2] =	wrdreg s4  }
0xaa: {  	[dreg:$0x3] =	wrdreg s6  }
0xab: {  	[dreg:$0x4] =	wrdreg $0xC0  }
0xac: {  	_ =	task [dreg:s8], $0x5FFFF  }
0xad: {  	[dreg:$0x1] =	wrdreg $0xFFFFFFFF  }
0xae: {  	[dreg:$0x0] =	wrdreg $0x60  }
0xaf: {  	[dreg:$0x2] =	wrdreg s18  }
0xb0: {  	[dreg:$0x3] =	wrdreg s2  }
0xb1: {  	[dreg:$0x4] =	wrdreg s24  }
0xb2: {  	[dreg:$0x5] =	wrdreg $0x9  }
0xb3: {  	_ =	task.clear_ibuf [dreg:s8], $0x6FFFF;
	_ =	strace $0x90000046  }
0xb4: {  	s29 =	simm.s32 $0x9;
	_ =	strace $0x80000048  }
0xb5: {  	_ =	swait.ge [sflag:s29], $0x1  }
0xb6: {  	[sflag:s29] =	ssyncadd.s32 $0xFFFFFFFF  }
0xb7: {  	_ =	strace $0x90000048  }
0xb8: {  	_ =	sfence  }
0xb9: {  	s30 =	sld [smem:$0x0];
	_ =	sdelay $0x2  }
0xba: {  	s31 =	sshll.u32 s1, $0xD;
	s1 =	sshrl.u32 s1, $0x2  }
0xbb: {  	s3 =	sand.u32 $0x4000, s31;
	s1 =	sadd.s32 s1, s30  }
0xbc: {  	s0 =	sor.u32 s3, s0;
	s1 =	sshll.u32 s1, $0x11  }
0xbd: {  	s0 =	sor.u32 s1, s0  }
0xbe: {  	s0 =	sadd.s32 $0x8F2B, s0  }
0xbf: {  	[sflag:s0] =	ssyncadd.remote.s32 $0x1  }
0xc0: {  	_ =	sfence.sel $0xFFFF  }
0xc1: {  	[dreg:$0x0] =	wrdreg $0xFFFFFFFF;
	(pc) =	sbr.abs _section_cstart, $3  }
0xc2: {  	[dreg:$0x1] =	wrdreg $0xFFFFFFFF  }
0xc3: {  	_ =	task.clear_ibuf [dreg:s8], $0x2FFFF;
	_ =	strace $0x9FFFFFFF  }
0xc4: {  	(tm) =	ssettm $0x7FFFFFFF  }
0xc5: {  	_ =	shalt  }
tec
execute0_lowered:
.L_overlay_start_1:
0x0: {  	(tag) =	ssettag $0x1  }
0x1: {  	s1 =	rddreg [dreg:$0x0]  }
0x2: {  	s13 =	rddreg [dreg:$0x1];
	s2 =	srdreg.scid  }
0x3: {  	s0 =	stileid.u32;
	s4 =	rddreg [dreg:$0x2];
	s3 =	simm.s32 $0x0  }
0x4: {  	s18 =	simm.s32 $0xCB20;
	s19 =	simm.s32 $0x1;
	s20 =	simm.s32 $0x3  }
0x5: {  	s21 =	simm.s32 $0x2;
	s22 =	simm.s32 $0x4;
	s14 =	smul.u32 $0x4E20, s0  }
0x6: {  	s23 =	simm.s32 $0x0;
	s11 =	sand.u32 $0x1, s2;
	s16 =	smul.u32 $0x4E200, s0  }
0x7: {  	s5 =	sshll.u32 s0, $0x1;
	s2 =	rddreg [dreg:$0x3];
	s15 =	smul.u32 $0x2710, s11  }
0x8: {  	[smem:$0x7FF] =	sst s3;
	s5 =	sor.u32 s11, s5;
	s17 =	smul.u32 $0x27100, s11  }
0x9: {  	s12 =	sadd.s32 $0x3400, s4;
	s25 =	ssub.s32 $0x2, s11;
	s6 =	smul.u32 $0x2710, s5  }
0xa: {  	_ =	strace $0x80000047;
	s7 =	sshrl.u32 s25, $0x1;
	s9 =	smul.u32 $0x138800, s5  }
0xb: {  	s26 =	smul.u32 $0x27100, s5;
	s30 =	sadd.s32 s16, s12;
	s16 =	simm.s32 $0x190  }
0xc: {  	s7 =	ssub.s32 s25, s7;
	s14 =	sadd.s32 s15, s14;
	s8 =	sshrl.u32 s6, $0x3  }
0xd: {  	s10 =	sadd.s32 $0x190, s6;
	s28 =	sshrl.u32 s9, $0x3;
	s6 =	smax.u32 s7, $0x1  }
0xe: {  	s15 =	sadd.s32 $0x640, s14;
	s14 =	sadd.s32 $0x4B0, s14;
	s4 =	sadd.s32 s13, s8  }
0xf: {  	s5 =	sadd.s32 s12, s28;
	s29 =	sshrl.u32 s10, $0x3;
	s8 =	sadd.s32 s12, s26  }
0x10: {  	s10 =	sshll.u32 s10, $0x4;
	s15 =	sshrl.u32 s15, $0x3;
	s31 =	sshll.u32 s14, $0x4  }
0x11: {  	s14 =	sshrl.u32 s14, $0x3;
	s5 =	sadd.s32 $0x25800, s5;
	s7 =	sadd.s32 s13, s29  }
0x12: {  	s9 =	sadd.s32 $0x64, s4;
	s10 =	sadd.s32 s12, s10;
	s11 =	sadd.s32 s15, s13  }
0x13: {  	s15 =	sadd.s32 s17, s30;
	s12 =	sadd.s32 s31, s12;
	s13 =	sadd.s32 s14, s13  }
0x14: {  	s17 =	simm.s32 $0x320;
	s14 =	sadd.s32 $0x3200, s15;
	s15 =	simm.s32 $0x5  }
.LBB2_1:
0x15: {  	[tilespmem:s3], [sflag:$0x5] =	stream.linear.gather [hbm4b:s4+s3], $0x190, $0x38;
	[tilespmem:$0x19320] =	vst v63  }
0x16: {  	_ =	swait.ge [sflag:s15], $0x190  }
0x17: {  	[sflag:s15] =	ssyncset.done $0x0  }
0x18: {  	[sflag:s15] =	ssyncadd.s32 $0xFFFFFE70  }
0x19: {  	[tilespmem:s17], [sflag:$0x1] =	stream.indirect.gather [hbm4b:s1+s16], $0x80, s3, s16, $0xb8;
	[tilespmem:$0x19320] =	vst v63  }
0x1a: {  	_ = 	snop  }
0x1b: {  	[tilespmem:s16], [sflag:$0x5] =	stream.linear.gather [hbm4b:s7+s3], $0x190, $0x38;
	[tilespmem:$0x19320] =	vst v63  }
0x1c: {  	_ =	swait.ge [sflag:s15], $0x190  }
0x1d: {  	[sflag:s15] =	ssyncset.done $0x0  }
0x1e: {  	[sflag:s15] =	ssyncadd.s32 $0xFFFFFE70  }
0x1f: {  	[tilespmem:s18], [sflag:$0x2] =	stream.indirect.gather [hbm4b:s1+s16], $0x80, s16, s16, $0xb8;
	[tilespmem:$0x19320] =	vst v63  }
0x20: {  	_ =	swait.ge [sflag:s19], $0xC800  }
0x21: {  	[sflag:s19] =	ssyncset.done $0x0  }
0x22: {  	[sflag:s19] =	ssyncadd.s32 $0xFFFF3800  }
0x23: {  	[hbm4b:s8+s3] =	stream.linear.scatter [tilespmem:s17], [sflag:$0x3], $0xC800, $0x38;
	[tilespmem:$0x19320] =	vst v63  }
0x24: {  	_ = 	snop  }
0x25: {  	[tilespmem:s3], [sflag:$0x5] =	stream.linear.gather [hbm4b:s9+s3], $0x190, $0x38;
	[tilespmem:$0x19320] =	vst v63  }
0x26: {  	_ =	swait.ge [sflag:s15], $0x190  }
0x27: {  	[sflag:s15] =	ssyncset.done $0x0  }
0x28: {  	[sflag:s15] =	ssyncadd.s32 $0xFFFFFE70  }
0x29: {  	_ =	swait.ge [sflag:s20], $0xC800  }
0x2a: {  	[sflag:s20] =	ssyncset.done $0x0  }
0x2b: {  	[sflag:s20] =	ssyncadd.s32 $0xFFFF3800  }
0x2c: {  	[tilespmem:s17], [sflag:$0x1] =	stream.indirect.gather [hbm4b:s1+s16], $0x80, s3, s16, $0xb8;
	[tilespmem:$0x19320] =	vst v63  }
0x2d: {  	_ =	swait.ge [sflag:s21], $0xC800  }
0x2e: {  	[sflag:s21] =	ssyncset.done $0x0  }
0x2f: {  	[sflag:s21] =	ssyncadd.s32 $0xFFFF3800  }
0x30: {  	[hbm4b:s10+s3] =	stream.linear.scatter [tilespmem:s18], [sflag:$0x4], $0xC800, $0x38;
	[tilespmem:$0x19320] =	vst v63  }
0x31: {  	s24 =	sadd.s32 $0x0, s13  }
0x32: {  	[tilespmem:s16], [sflag:$0x5] =	stream.linear.gather [hbm4b:s24+s3], $0x190, $0x38;
	[tilespmem:$0x19320] =	vst v63  }
0x33: {  	_ =	swait.ge [sflag:s15], $0x190  }
0x34: {  	[sflag:s15] =	ssyncset.done $0x0  }
0x35: {  	[sflag:s15] =	ssyncadd.s32 $0xFFFFFE70  }
0x36: {  	_ =	swait.ge [sflag:s22], $0xC800  }
0x37: {  	[sflag:s22] =	ssyncset.done $0x0  }
0x38: {  	[sflag:s22] =	ssyncadd.s32 $0xFFFF3800  }
0x39: {  	[tilespmem:s18], [sflag:$0x2] =	stream.indirect.gather [hbm4b:s1+s16], $0x80, s16, s16, $0xb8;
	[tilespmem:$0x19320] =	vst v63  }
0x3a: {  	_ =	swait.ge [sflag:s19], $0xC800  }
0x3b: {  	[sflag:s19] =	ssyncset.done $0x0  }
0x3c: {  	[sflag:s19] =	ssyncadd.s32 $0xFFFF3800  }
0x3d: {  	[hbm4b:s14+s3] =	stream.linear.scatter [tilespmem:s17], [sflag:$0x3], $0xC800, $0x38;
	[tilespmem:$0x19320] =	vst v63  }
0x3e: {  	s31 =	sadd.s32 $0x0, s11  }
0x3f: {  	[tilespmem:s3], [sflag:$0x5] =	stream.linear.gather [hbm4b:s31+s3], $0x190, $0x38;
	[tilespmem:$0x19320] =	vst v63  }
0x40: {  	_ =	swait.ge [sflag:s15], $0x190  }
0x41: {  	[sflag:s15] =	ssyncset.done $0x0  }
0x42: {  	[sflag:s15] =	ssyncadd.s32 $0xFFFFFE70  }
0x43: {  	_ =	swait.ge [sflag:s20], $0xC800  }
0x44: {  	[sflag:s20] =	ssyncset.done $0x0  }
0x45: {  	[sflag:s20] =	ssyncadd.s32 $0xFFFF3800  }
0x46: {  	[tilespmem:s17], [sflag:$0x1] =	stream.indirect.gather [hbm4b:s1+s16], $0x80, s3, s16, $0xb8;
	[tilespmem:$0x19320] =	vst v63  }
0x47: {  	_ =	swait.ge [sflag:s21], $0xC800  }
0x48: {  	s25 =	sadd.s32 $0x3200, s12;
	s26 =	sadd.s32 $0x3200, s14;
	[sflag:s21] =	ssyncset.done $0x0  }
0x49: {  	s28 =	smov.u32 s12;
	s24 =	simm.s32 $0x64;
	[sflag:s21] =	ssyncadd.s32 $0xFFFF3800  }
.LBB2_2:
0x4a: {  	[hbm4b:s28+s3] =	stream.linear.scatter [tilespmem:s18], [sflag:$0x4], $0xC800, $0x38;
	[tilespmem:$0x19320] =	vst v63  }
0x4b: {  	s29 =	smov.u32 s24;
	s28 =	smov.u32 s25  }
0x4c: {  	p0 =	sne.s32 s24, $0x3E8;
	s24 =	sadd.s32 $0x64, s24;
	s30 =	sadd.s32 s29, s13  }
0x4d: {  	[tilespmem:s16], [sflag:$0x5] =	stream.linear.gather [hbm4b:s30+s3], $0x190, $0x38;
	[tilespmem:$0x19320] =	vst v63  }
0x4e: {  	_ =	swait.ge [sflag:s15], $0x190  }
0x4f: {  	[sflag:s15] =	ssyncset.done $0x0  }
0x50: {  	[sflag:s15] =	ssyncadd.s32 $0xFFFFFE70  }
0x51: {  	_ =	swait.ge [sflag:s22], $0xC800  }
0x52: {  	[sflag:s22] =	ssyncset.done $0x0  }
0x53: {  	[sflag:s22] =	ssyncadd.s32 $0xFFFF3800  }
0x54: {  	[tilespmem:s18], [sflag:$0x2] =	stream.indirect.gather [hbm4b:s1+s16], $0x80, s16, s16, $0xb8;
	[tilespmem:$0x19320] =	vst v63  }
0x55: {  	_ =	swait.ge [sflag:s19], $0xC800  }
0x56: {  	[sflag:s19] =	ssyncset.done $0x0  }
0x57: {  	[sflag:s19] =	ssyncadd.s32 $0xFFFF3800  }
0x58: {  	[hbm4b:s26+s3] =	stream.linear.scatter [tilespmem:s17], [sflag:$0x3], $0xC800, $0x38;
	[tilespmem:$0x19320] =	vst v63  }
0x59: {  	s29 =	sadd.s32 s29, s11  }
0x5a: {  	[tilespmem:s3], [sflag:$0x5] =	stream.linear.gather [hbm4b:s29+s3], $0x190, $0x38;
	[tilespmem:$0x19320] =	vst v63  }
0x5b: {  	_ =	swait.ge [sflag:s15], $0x190  }
0x5c: {  	[sflag:s15] =	ssyncset.done $0x0  }
0x5d: {  	[sflag:s15] =	ssyncadd.s32 $0xFFFFFE70  }
0x5e: {  	_ =	swait.ge [sflag:s20], $0xC800  }
0x5f: {  	[sflag:s20] =	ssyncset.done $0x0  }
.Ltmp0:
0x60: {  	[sflag:s20] =	ssyncadd.s32 $0xFFFF3800;
	(pc) =	sbr.rel @p0 .LBB2_2-.Ltmp0, $4  }
0x61: {  	[tilespmem:s17], [sflag:$0x1] =	stream.indirect.gather [hbm4b:s1+s16], $0x80, s3, s16, $0xb8;
	[tilespmem:$0x19320] =	vst v63  }
0x62: {  	_ =	swait.ge [sflag:s21], $0xC800  }
0x63: {  	[sflag:s21] =	ssyncset.done $0x0  }
0x64: {  	s25 =	sadd.s32 $0x3200, s25;
	s26 =	sadd.s32 $0x3200, s26;
	[sflag:s21] =	ssyncadd.s32 $0xFFFF3800  }
0x65: {  	[hbm4b:s28+s3] =	stream.linear.scatter [tilespmem:s18], [sflag:$0x4], $0xC800, $0x38;
	[tilespmem:$0x19320] =	vst v63  }
0x66: {  	_ =	swait.ge [sflag:s19], $0xC800  }
0x67: {  	[sflag:s19] =	ssyncset.done $0x0  }
0x68: {  	[sflag:s19] =	ssyncadd.s32 $0xFFFF3800  }
0x69: {  	s23 =	sadd.s32 $0x1, s23;
	_ =	swait.ge [sflag:s22], $0xC800  }
0x6a: {  	p0 =	sne.s32 s23, s6;
	[sflag:s22] =	ssyncset.done $0x0  }
.Ltmp1:
0x6b: {  	[sflag:s22] =	ssyncadd.s32 $0xFFFF3800;
	(pc) =	sbr.rel @p0 .LBB2_1-.Ltmp1, $4  }
0x6c: {  	[hbm4b:s5+s3] =	stream.linear.scatter [tilespmem:s17], [sflag:$0x3], $0xC800, $0x38;
	[tilespmem:$0x19320] =	vst v63  }
0x6d: {  	_ =	swait.ge [sflag:s20], $0xC800  }
0x6e: {  	[sflag:s20] =	ssyncset.done $0x0  }
0x6f: {  	[sflag:s20] =	ssyncadd.s32 $0xFFFF3800  }
0x70: {  	_ =	sfence.sel $0x180000  }
0x71: {  	[bflag:$0x0] =	sbarrier.arrive $0xFFFF  }
0x72: {  	p0 =	sne.s32 s0, $0x0;
	_ =	strace $0x90000047  }
0x73: {  	s0 =	sadd.s32 @!p0 $0x100000, s2;
	[bflag:$0x2] =	sbarrier.arrive $0xFFFF  }
0x74: {  	[sflag:s0] =	ssyncadd.tile.s32 @!p0 $0x1;
	_ =	shalt  }
.Lfunc_end2:
_tile_overlayer_lowered:
.L_overlay_start_2:
0x75: {  	(tag) =	ssettag $0x2  }
0x76: {  	s0 =	rddreg [dreg:$0x0];
	s2 =	stileid.u32  }
0x77: {  	s1 =	rddreg [dreg:$0x1];
	p0 =	sne.s32 s2, $0x0  }
0x78: {  	s3 =	rddreg [dreg:$0x2];
	[bflag:$0x3] =	sbarrier.arrive $0xFFFF;
	s2 =	simm.s32 @!p0 $0x1C05  }
0x79: {  	[timem:s3], [sflag:s2] =	dma.local @!p0 [hbm:s0], s1  }
0x7a: {  	s0 =	simm.s32 @!p0 $0x5  }
0x7b: {  	_ =	swait.ge @!p0 [sflag:s0], s1  }
0x7c: {  	s1 =	ssub.s32 @!p0 $0x0, s1;
	[sflag:s0] =	ssyncset.done @!p0 $0x0  }
0x7d: {  	[sflag:s0] =	ssyncadd.s32 @!p0 s1  }
0x7e: {  	[bflag:$0x3] =	sbarrier.arrive $0xFFFF  }
0x7f: {  	_ =	shalt  }

</sc_bundles>
